<compile_context>
chip_gen: v7x
topology: tpu7x:2x2x1
jax: 0.10.2.dev20260603
libtpu: 0.0.44.dev20260713+nightly
codegen_flags: <defaults>
</compile_context>

<pallas_src>
import functools

import jax
import jax.numpy as jnp
from jax import lax
from jax.experimental import pallas as pl
from jax.experimental.pallas import tpu as pltpu
from jax.experimental.pallas import tpu_sc as plsc

_NC = 2
_NS = 16
_LANES = 128
_BM = 1000
_G = 64



@functools.lru_cache(maxsize=None)
def _make_sc_scatter(n, e, q):
    nw = _NC * _NS
    ept = e // nw
    assert ept * nw == e
    full = ept // 128
    tail = ept - full * 128
    assert tail == 0 or tail % 8 == 0
    tb = max(tail, 8)
    rpt = -(-(n + 1) // (_NS * 8)) * 8
    np_ = rpt * _NS

    mesh = plsc.VectorSubcoreMesh(
        core_axis_name="c", subcore_axis_name="s",
        num_cores=_NC, num_subcores=_NS)

    scratch = [
        pltpu.VMEM((128,), jnp.int32),
        pltpu.VMEM((128,), jnp.int32),
        pltpu.VMEM((128, _LANES), jnp.float32),
        pltpu.VMEM((tb,), jnp.int32),
        pltpu.VMEM((tb,), jnp.int32),
        pltpu.VMEM((tb, _LANES), jnp.float32),
        pltpu.VMEM_SHARED((np_, _LANES), jnp.float32),
        pltpu.SemaphoreType.DMA,
    ]

    @functools.partial(
        pl.kernel, mesh=mesh,
        out_type=jax.ShapeDtypeStruct((q, _NC, np_, _LANES), jnp.float32),
        scratch_types=scratch,
    )
    def k(xq, srcr, dstr, zer, out, sidx0, didx0, buf0, sidxt, didxt, rowst,
          acc, sem0):
        cid = lax.axis_index("c")
        sid = lax.axis_index("s")
        wid = sid * _NC + cid
        ebase = wid * ept
        r0 = sid * rpt

        def chunk(off, sbuf, dbuf, rbuf, qi, ce):
            pltpu.sync_copy(srcr.at[pl.ds(off, ce)], sbuf)
            pltpu.sync_copy(dstr.at[pl.ds(off, ce)], dbuf)
            pltpu.async_copy(xq.at[qi].at[sbuf], rbuf, sem0).wait()
            pltpu.sync_copy(rbuf, acc.at[dbuf], add=True)

        for qi in range(q):
            pltpu.sync_copy(zer, acc.at[pl.ds(r0, rpt), :])
            plsc.subcore_barrier()

            def body(j, carry, qi=qi):
                chunk(ebase + j * 128, sidx0, didx0, buf0, qi, 128)
                return carry
            if full:
                lax.fori_loop(0, full, body, 0)
            if tail:
                chunk(ebase + full * 128, sidxt, didxt, rowst, qi, tail)

            plsc.subcore_barrier()
            pl.delay(1024)
            plsc.subcore_barrier()
            pltpu.sync_copy(acc.at[pl.ds(r0, rpt), :],
                            out.at[qi, cid, pl.ds(r0, rpt), :])
            plsc.subcore_barrier()

    return k


def _pad_edges(src, dst, n):
    return src, dst, src.shape[0]


def _agg_pair(t, srcc, dstc, ech):
    n, d = t.shape
    q = d // _LANES
    xq = t.reshape(n, q, _LANES).transpose(1, 0, 2)
    rpt = -(-(n + 1) // (_NS * 8)) * 8
    zer = jnp.zeros((rpt, _LANES), jnp.float32)
    out = _make_sc_scatter(n, ech, q)(xq, srcc, dstc, zer)
    return jnp.transpose(out[:, :, :n], (1, 2, 0, 3)).reshape(_NC, n, d)



def _mm_a(x, aggp, w, b):
    n, d = x.shape
    dh = w.shape[1]

    def body(x_ref, a_ref, w_ref, b_ref, o_ref):
        h = x_ref[...] + a_ref[0] + a_ref[1]
        o_ref[...] = jnp.maximum(
            jnp.dot(h, w_ref[...], preferred_element_type=jnp.float32)
            + b_ref[...], 0.0)

    return pl.pallas_call(
        body,
        grid=(n // _BM,),
        in_specs=[
            pl.BlockSpec((_BM, d), lambda i: (i, 0)),
            pl.BlockSpec((_NC, _BM, d), lambda i: (0, i, 0)),
            pl.BlockSpec((d, dh), lambda i: (0, 0)),
            pl.BlockSpec((1, dh), lambda i: (0, 0)),
        ],
        out_specs=pl.BlockSpec((_BM, dh), lambda i: (i, 0)),
        out_shape=jax.ShapeDtypeStruct((n, dh), jnp.float32),
    )(x, aggp, w, b.reshape(1, dh))


def _mm_b(h, w, b, with_stats):
    n, d = h.shape
    dh = w.shape[1]
    nb = n // _BM

    def body(h_ref, w_ref, b_ref, y_ref, *maybe_s):
        y = (jnp.dot(h_ref[...], w_ref[...],
                     preferred_element_type=jnp.float32) + b_ref[...])
        y_ref[...] = y
        if with_stats:
            s_ref = maybe_s[0]
            z = jnp.maximum(y, 0.0)

            @pl.when(pl.program_id(0) == 0)
            def _():
                s_ref[...] = jnp.zeros_like(s_ref)
            s_ref[0:1, :] += jnp.sum(z, axis=0, keepdims=True)
            s_ref[1:2, :] += jnp.sum(z * z, axis=0, keepdims=True)

    out_shape = [jax.ShapeDtypeStruct((n, dh), jnp.float32)]
    out_specs = [pl.BlockSpec((_BM, dh), lambda i: (i, 0))]
    if with_stats:
        out_shape.append(jax.ShapeDtypeStruct((8, dh), jnp.float32))
        out_specs.append(pl.BlockSpec((8, dh), lambda i: (0, 0)))

    res = pl.pallas_call(
        body,
        grid=(nb,),
        in_specs=[
            pl.BlockSpec((_BM, d), lambda i: (i, 0)),
            pl.BlockSpec((d, dh), lambda i: (0, 0)),
            pl.BlockSpec((1, dh), lambda i: (0, 0)),
        ],
        out_specs=out_specs,
        out_shape=out_shape,
    )(h, w, b.reshape(1, dh))
    return res if with_stats else res[0]


def _bn_apply(y, s, gamma, beta):
    n, dh = y.shape
    inv_n = 1.0 / n

    def body(y_ref, s_ref, g_ref, b_ref, o_ref):
        z = jnp.maximum(y_ref[...], 0.0)
        m = s_ref[0:1, :] * inv_n
        v = s_ref[1:2, :] * inv_n - m * m
        o_ref[...] = (z - m) * lax.rsqrt(v + 1e-5) * g_ref[...] + b_ref[...]

    return pl.pallas_call(
        body,
        grid=(n // _BM,),
        in_specs=[
            pl.BlockSpec((_BM, dh), lambda i: (i, 0)),
            pl.BlockSpec((8, dh), lambda i: (0, 0)),
            pl.BlockSpec((1, dh), lambda i: (0, 0)),
            pl.BlockSpec((1, dh), lambda i: (0, 0)),
        ],
        out_specs=pl.BlockSpec((_BM, dh), lambda i: (i, 0)),
        out_shape=jax.ShapeDtypeStruct((n, dh), jnp.float32),
    )(y, s, gamma.reshape(1, dh), beta.reshape(1, dh))


def _pool(x1, x2, x3, batch2d):
    n, dh = x1.shape
    nb = n // _BM
    dtot = 3 * dh

    def body(b_ref, x1_ref, x2_ref, x3_ref, o_ref, acc, cnt):
        i = pl.program_id(0)

        @pl.when(i == 0)
        def _():
            acc[...] = jnp.zeros_like(acc)
            cnt[...] = jnp.zeros_like(cnt)

        p = (b_ref[...] == lax.broadcasted_iota(jnp.int32, (_BM, _G), 1)
             ).astype(jnp.float32)
        cnt[0:1, :] += jnp.sum(p, axis=0, keepdims=True)
        for sl in range(3):
            t_ref = (x1_ref, x2_ref, x3_ref)[sl]
            acc[:, sl * dh:(sl + 1) * dh] += lax.dot_general(
                p, t_ref[...], (((0,), (0,)), ((), ())),
                preferred_element_type=jnp.float32)

        @pl.when(i == nb - 1)
        def _():
            c = jnp.maximum(cnt[0:1, :], 1.0).reshape(_G, 1)
            o_ref[...] = acc[...] / c

    return pl.pallas_call(
        body,
        grid=(nb,),
        in_specs=[
            pl.BlockSpec((_BM, 1), lambda i: (i, 0)),
            pl.BlockSpec((_BM, dh), lambda i: (i, 0)),
            pl.BlockSpec((_BM, dh), lambda i: (i, 0)),
            pl.BlockSpec((_BM, dh), lambda i: (i, 0)),
        ],
        out_specs=pl.BlockSpec((_G, dtot), lambda i: (0, 0)),
        out_shape=jax.ShapeDtypeStruct((_G, dtot), jnp.float32),
        scratch_shapes=[
            pltpu.VMEM((_G, dtot), jnp.float32),
            pltpu.VMEM((8, _G), jnp.float32),
        ],
    )(batch2d, x1, x2, x3)



def kernel(x, edge_index, batch, W1_0, b1_0, W2_0, b2_0, W1_1, b1_1, W2_1,
           b2_1, W1_2, b1_2, W2_2, b2_2, gamma_0, beta_0, gamma_1, beta_1):
    n = x.shape[0]
    srcc, dstc, ech = _pad_edges(edge_index[0], edge_index[1], n)

    aggp = _agg_pair(x, srcc, dstc, ech)
    h = _mm_a(x, aggp, W1_0, b1_0)
    y, s = _mm_b(h, W2_0, b2_0, True)
    x1 = _bn_apply(y, s, gamma_0, beta_0)
    aggp = _agg_pair(x1, srcc, dstc, ech)
    h = _mm_a(x1, aggp, W1_1, b1_1)
    y, s = _mm_b(h, W2_1, b2_1, True)
    x2 = _bn_apply(y, s, gamma_1, beta_1)
    aggp = _agg_pair(x2, srcc, dstc, ech)
    h = _mm_a(x2, aggp, W1_2, b1_2)
    h3 = _mm_b(h, W2_2, b2_2, False)

    return _pool(x1, x2, h3, batch.reshape(n, 1))

# --- scband reference (transcript-rebuilt; emitter-appended) ---
"""Pipeline reference for scband-gin-16449724744442 (READ-ONLY COPY).

The authoritative reference and input builder live on the scoring server;
editing this copy changes nothing except your own understanding.
"""

import jax, jax.numpy as jnp
import numpy as np

N = 10000
E = 160000
D_IN = 256
D_H = 512
G = 64

def _uniform(key, shape, fan_in):
    s = 1.0 / np.sqrt(fan_in)
    return jax.random.uniform(key, shape, minval=-s, maxval=s, dtype=jnp.float32)

def setup_inputs(seed: int = 0):
    key = jax.random.key(seed)
    ks = jax.random.split(key, 24)
    inp = {}
    inp["x"] = jax.random.normal(ks[0], (N, D_IN), dtype=jnp.float32)
    inp["edge_index"] = jax.random.randint(ks[1], (2, E), 0, N)
    inp["batch"] = jnp.sort(jax.random.randint(ks[2], (N,), 0, G))
    dims = [D_IN, D_H, D_H]
    j = 3
    for i in range(3):
        din = dims[i]
        inp["W1_%d" % i] = _uniform(ks[j], (din, D_H), din); j += 1
        inp["b1_%d" % i] = _uniform(ks[j], (D_H,), din); j += 1
        inp["W2_%d" % i] = _uniform(ks[j], (D_H, D_H), D_H); j += 1
        inp["b2_%d" % i] = _uniform(ks[j], (D_H,), D_H); j += 1
    for i in range(2):
        inp["gamma_%d" % i] = jnp.ones((D_H,), jnp.float32)
        inp["beta_%d" % i] = jnp.zeros((D_H,), jnp.float32)
    return inp

def _gin_conv(x, src, dst, W1, b1, W2, b2):
    # GINConv with eps=0: nn((1+eps)*x + sum_{j in N(i)} x_j)
    agg = jnp.zeros_like(x).at[dst].add(x[src])
    h = x + agg
    h = jnp.maximum(jnp.dot(h, W1) + b1, 0.0)
    return jnp.dot(h, W2) + b2

def _batchnorm(x, gamma, beta):
    # BatchNorm1d in training mode: batch statistics, biased variance
    mean = jnp.mean(x, axis=0)
    var = jnp.var(x, axis=0)
    return (x - mean) * jax.lax.rsqrt(var + 1e-5) * gamma + beta

def reference(x, edge_index, batch, W1_0, b1_0, W2_0, b2_0, W1_1, b1_1, W2_1, b2_1, W1_2, b1_2, W2_2, b2_2, gamma_0, beta_0, gamma_1, beta_1):
    src, dst = edge_index[0], edge_index[1]
    xs = []
    h = _gin_conv(x, src, dst, W1_0, b1_0, W2_0, b2_0)
    h = _batchnorm(jnp.maximum(h, 0.0), gamma_0, beta_0)
    xs.append(h)
    h = _gin_conv(h, src, dst, W1_1, b1_1, W2_1, b2_1)
    h = _batchnorm(jnp.maximum(h, 0.0), gamma_1, beta_1)
    xs.append(h)
    h = _gin_conv(h, src, dst, W1_2, b1_2, W2_2, b2_2)
    xs.append(h)
    counts = jnp.maximum(jnp.zeros((G,), jnp.float32).at[batch].add(1.0), 1.0)
    gs = [jnp.zeros((G, t.shape[1]), t.dtype).at[batch].add(t) / counts[:, None] for t in xs]
    return jnp.concatenate(gs, axis=1)

if __name__ == "__main__":
    import jax
    _d = setup_inputs()
    print(jax.jit(kernel)(*tuple(_d.values())))

</pallas_src>

<mosaic_0001>
#map = affine_map<(d0, d1) -> (0, 0, 0)>
#map1 = affine_map<(d0, d1) -> (0)>
#map2 = affine_map<(d0, d1) -> (0, 0)>
#map3 = affine_map<(d0, d1) -> (0, 0, 0, 0)>
module attributes {stable_mosaic.version = 14 : i64} {
  func.func @k(%arg0: i32, %arg1: i32, %arg2: memref<4x10000x128xf32, #tpu.memory_space<hbm>>, %arg3: memref<160000xi32, #tpu.memory_space<hbm>>, %arg4: memref<160000xi32, #tpu.memory_space<hbm>>, %arg5: memref<632x128xf32, #tpu.memory_space<hbm>>, %arg6: memref<4x2x10112x128xf32, #tpu.memory_space<hbm>>, %arg7: memref<128xi32, #tpu.memory_space<vmem>>, %arg8: memref<128xi32, #tpu.memory_space<vmem>>, %arg9: memref<128x128xf32, #tpu.memory_space<vmem>>, %arg10: memref<8xi32, #tpu.memory_space<vmem>>, %arg11: memref<8xi32, #tpu.memory_space<vmem>>, %arg12: memref<8x128xf32, #tpu.memory_space<vmem>>, %arg13: memref<10112x128xf32, #tpu.memory_space<vmem_shared>>, %arg14: memref<!tpu.dma_semaphore, #tpu.memory_space<semaphore_mem>>) attributes {dimension_semantics = [#tpu.dimension_semantics<core_parallel>, #tpu.dimension_semantics<subcore_parallel>], iteration_bounds = array<i64: 2, 16>, scalar_prefetch = 0 : i64, scratch_operands = 8 : i64, tpu.core_type = #tpu.core_type<sc_vector_subcore>, window_params = [{transform_indices = #map}, {transform_indices = #map1}, {transform_indices = #map1}, {transform_indices = #map2}, {transform_indices = #map3}]} {
    %mul3A = arith.constant 2 : i32
    %mul3A_0 = arith.muli %arg1, %mul3A : i32
    %add3A = arith.addi %mul3A_0, %arg0 : i32
    %mul3A_1 = arith.constant 5000 : i32
    %mul3A_2 = arith.muli %add3A, %mul3A_1 : i32
    %mul3A_3 = arith.constant 632 : i32
    %mul3A_4 = arith.muli %arg1, %mul3A_3 : i32
    "tpu.region"() ({
      %run_scoped3A_119 = tpu.sem_alloc : memref<!tpu.dma_semaphore, #tpu.memory_space<semaphore_mem>>
      %dma_start3A_120 = arith.constant 0 : i32
      %dma_start3A_121 = tpu.memref_slice %arg13[%mul3A_4, %dma_start3A_120] : memref<10112x128xf32, #tpu.memory_space<vmem_shared>> -> memref<632x128xf32, #tpu.memory_space<vmem_shared>>
      tpu.enqueue_dma source(%arg5 : memref<632x128xf32, #tpu.memory_space<hbm>>) target(%dma_start3A_121 : memref<632x128xf32, #tpu.memory_space<vmem_shared>>) target_semaphore(%run_scoped3A_119 : memref<!tpu.dma_semaphore, #tpu.memory_space<semaphore_mem>>)
      %dma_wait3A_122 = arith.constant 0 : i32
      %dma_wait3A_123 = tpu.memref_slice %arg13[%mul3A_4, %dma_wait3A_122] : memref<10112x128xf32, #tpu.memory_space<vmem_shared>> -> memref<632x128xf32, #tpu.memory_space<vmem_shared>>
      tpu.wait_dma2 semaphore(%run_scoped3A_119 : memref<!tpu.dma_semaphore, #tpu.memory_space<semaphore_mem>>) src(%arg5 : memref<632x128xf32, #tpu.memory_space<hbm>>) dst(%dma_wait3A_123 : memref<632x128xf32, #tpu.memory_space<vmem_shared>>)
      tpu.yield
    }) : () -> ()
    %barrier3A = arith.constant 0 : index
    tpu.barrier barrier_id(%barrier3A)
    %scan3A = arith.constant 0 : i32
    %scan3A_5 = arith.constant 0 : i32
    %scan3A_6 = arith.constant 39 : i32
    %scan3A_7 = arith.addi %scan3A_5, %scan3A_6 : i32
    %scan3A_8 = arith.constant 1 : i32
    scf.for %scan3A_119 = %scan3A_5 to %scan3A_7 step %scan3A_8  : i32 {
      %mul3A_120 = arith.constant 128 : i32
      %mul3A_121 = arith.muli %scan3A_119, %mul3A_120 : i32
      %add3A_122 = arith.addi %mul3A_2, %mul3A_121 : i32
      "tpu.region"() ({
        %run_scoped3A_139 = tpu.sem_alloc : memref<!tpu.dma_semaphore, #tpu.memory_space<semaphore_mem>>
        %dma_start3A_140 = tpu.memref_slice %arg3[%add3A_122] : memref<160000xi32, #tpu.memory_space<hbm>> -> memref<128xi32, #tpu.memory_space<hbm>>
        %dma_start3A_141 = tpu.memref_slice %arg3[%add3A_122] : memref<160000xi32, #tpu.memory_space<hbm>> -> memref<128xi32, #tpu.memory_space<hbm>>
        tpu.enqueue_dma source(%dma_start3A_141 : memref<128xi32, #tpu.memory_space<hbm>>) target(%arg7 : memref<128xi32, #tpu.memory_space<vmem>>) target_semaphore(%run_scoped3A_139 : memref<!tpu.dma_semaphore, #tpu.memory_space<semaphore_mem>>)
        %dma_wait3A_142 = tpu.memref_slice %arg3[%add3A_122] : memref<160000xi32, #tpu.memory_space<hbm>> -> memref<128xi32, #tpu.memory_space<hbm>>
        %dma_wait3A_143 = tpu.memref_slice %arg3[%add3A_122] : memref<160000xi32, #tpu.memory_space<hbm>> -> memref<128xi32, #tpu.memory_space<hbm>>
        tpu.wait_dma2 semaphore(%run_scoped3A_139 : memref<!tpu.dma_semaphore, #tpu.memory_space<semaphore_mem>>) src(%dma_wait3A_143 : memref<128xi32, #tpu.memory_space<hbm>>) dst(%arg7 : memref<128xi32, #tpu.memory_space<vmem>>)
        tpu.yield
      }) : () -> ()
      "tpu.region"() ({
        %run_scoped3A_139 = tpu.sem_alloc : memref<!tpu.dma_semaphore, #tpu.memory_space<semaphore_mem>>
        %dma_start3A_140 = tpu.memref_slice %arg4[%add3A_122] : memref<160000xi32, #tpu.memory_space<hbm>> -> memref<128xi32, #tpu.memory_space<hbm>>
        %dma_start3A_141 = tpu.memref_slice %arg4[%add3A_122] : memref<160000xi32, #tpu.memory_space<hbm>> -> memref<128xi32, #tpu.memory_space<hbm>>
        tpu.enqueue_dma source(%dma_start3A_141 : memref<128xi32, #tpu.memory_space<hbm>>) target(%arg8 : memref<128xi32, #tpu.memory_space<vmem>>) target_semaphore(%run_scoped3A_139 : memref<!tpu.dma_semaphore, #tpu.memory_space<semaphore_mem>>)
        %dma_wait3A_142 = tpu.memref_slice %arg4[%add3A_122] : memref<160000xi32, #tpu.memory_space<hbm>> -> memref<128xi32, #tpu.memory_space<hbm>>
        %dma_wait3A_143 = tpu.memref_slice %arg4[%add3A_122] : memref<160000xi32, #tpu.memory_space<hbm>> -> memref<128xi32, #tpu.memory_space<hbm>>
        tpu.wait_dma2 semaphore(%run_scoped3A_139 : memref<!tpu.dma_semaphore, #tpu.memory_space<semaphore_mem>>) src(%dma_wait3A_143 : memref<128xi32, #tpu.memory_space<hbm>>) dst(%arg8 : memref<128xi32, #tpu.memory_space<vmem>>)
        tpu.yield
      }) : () -> ()
      %dma_start3A_123 = arith.constant 0 : i32
      %dma_start3A_124 = arith.constant 0 : i32
      %dma_start3A_125 = arith.constant 0 : i32
      %dma_start3A_126 = tpu.memref_slice %arg2[%dma_start3A_123, %dma_start3A_124, %dma_start3A_125] : memref<4x10000x128xf32, #tpu.memory_space<hbm>> -> memref<1x10000x128xf32, #tpu.memory_space<hbm>>
      %dma_start3A_127 = tpu.memref_squeeze %dma_start3A_126 : memref<1x10000x128xf32, #tpu.memory_space<hbm>> -> memref<10000x128xf32, #tpu.memory_space<hbm>>
      %dma_start3A_128 = arith.constant 0 : i32
      %dma_start3A_129 = arith.constant 0 : i32
      %dma_start3A_130 = tpu.memref_slice %dma_start3A_127[%dma_start3A_128, %dma_start3A_129] : memref<10000x128xf32, #tpu.memory_space<hbm>> -> memref<10000x128xf32, #tpu.memory_space<hbm>>
      tpu.enqueue_indirect_dma source(%dma_start3A_130 : memref<10000x128xf32, #tpu.memory_space<hbm>>) target(%arg9 : memref<128x128xf32, #tpu.memory_space<vmem>>) offsets(%arg7 : memref<128xi32, #tpu.memory_space<vmem>>) semaphore(%arg14 : memref<!tpu.dma_semaphore, #tpu.memory_space<semaphore_mem>>)
      %dma_wait3A_131 = arith.constant 0 : i32
      %dma_wait3A_132 = arith.constant 0 : i32
      %dma_wait3A_133 = arith.constant 0 : i32
      %dma_wait3A_134 = tpu.memref_slice %arg2[%dma_wait3A_131, %dma_wait3A_132, %dma_wait3A_133] : memref<4x10000x128xf32, #tpu.memory_space<hbm>> -> memref<1x10000x128xf32, #tpu.memory_space<hbm>>
      %dma_wait3A_135 = tpu.memref_squeeze %dma_wait3A_134 : memref<1x10000x128xf32, #tpu.memory_space<hbm>> -> memref<10000x128xf32, #tpu.memory_space<hbm>>
      %dma_wait3A_136 = arith.constant 0 : i32
      %dma_wait3A_137 = arith.constant 0 : i32
      %dma_wait3A_138 = tpu.memref_slice %dma_wait3A_135[%dma_wait3A_136, %dma_wait3A_137] : memref<10000x128xf32, #tpu.memory_space<hbm>> -> memref<10000x128xf32, #tpu.memory_space<hbm>>
      tpu.wait_indirect_dma semaphore(%arg14 : memref<!tpu.dma_semaphore, #tpu.memory_space<semaphore_mem>>) src(%dma_wait3A_138 : memref<10000x128xf32, #tpu.memory_space<hbm>>) dst(%arg9 : memref<128x128xf32, #tpu.memory_space<vmem>>)
      "tpu.region"() ({
        %run_scoped3A_139 = tpu.sem_alloc : memref<!tpu.dma_semaphore, #tpu.memory_space<semaphore_mem>>
        %dma_start3A_140 = arith.constant 0 : i32
        %dma_start3A_141 = arith.constant 0 : i32
        %dma_start3A_142 = tpu.memref_slice %arg13[%dma_start3A_140, %dma_start3A_141] : memref<10112x128xf32, #tpu.memory_space<vmem_shared>> -> memref<10112x128xf32, #tpu.memory_space<vmem_shared>>
        tpu.enqueue_indirect_dma source(%arg9 : memref<128x128xf32, #tpu.memory_space<vmem>>) target(%dma_start3A_142 : memref<10112x128xf32, #tpu.memory_space<vmem_shared>>) offsets(%arg8 : memref<128xi32, #tpu.memory_space<vmem>>) semaphore(%run_scoped3A_139 : memref<!tpu.dma_semaphore, #tpu.memory_space<semaphore_mem>>) {add = true}
        %dma_wait3A_143 = arith.constant 0 : i32
        %dma_wait3A_144 = arith.constant 0 : i32
        %dma_wait3A_145 = tpu.memref_slice %arg13[%dma_wait3A_143, %dma_wait3A_144] : memref<10112x128xf32, #tpu.memory_space<vmem_shared>> -> memref<10112x128xf32, #tpu.memory_space<vmem_shared>>
        tpu.wait_indirect_dma semaphore(%run_scoped3A_139 : memref<!tpu.dma_semaphore, #tpu.memory_space<semaphore_mem>>) src(%arg9 : memref<128x128xf32, #tpu.memory_space<vmem>>) dst(%dma_wait3A_145 : memref<10112x128xf32, #tpu.memory_space<vmem_shared>>)
        tpu.yield
      }) : () -> ()
    }
    %scan3A_9 = arith.constant 39 : i32
    %add3A_10 = arith.constant 4992 : i32
    %add3A_11 = arith.addi %mul3A_2, %add3A_10 : i32
    "tpu.region"() ({
      %run_scoped3A_119 = tpu.sem_alloc : memref<!tpu.dma_semaphore, #tpu.memory_space<semaphore_mem>>
      %dma_start3A_120 = tpu.memref_slice %arg3[%add3A_11] : memref<160000xi32, #tpu.memory_space<hbm>> -> memref<8xi32, #tpu.memory_space<hbm>>
      %dma_start3A_121 = tpu.memref_slice %arg3[%add3A_11] : memref<160000xi32, #tpu.memory_space<hbm>> -> memref<8xi32, #tpu.memory_space<hbm>>
      tpu.enqueue_dma source(%dma_start3A_121 : memref<8xi32, #tpu.memory_space<hbm>>) target(%arg10 : memref<8xi32, #tpu.memory_space<vmem>>) target_semaphore(%run_scoped3A_119 : memref<!tpu.dma_semaphore, #tpu.memory_space<semaphore_mem>>)
      %dma_wait3A_122 = tpu.memref_slice %arg3[%add3A_11] : memref<160000xi32, #tpu.memory_space<hbm>> -> memref<8xi32, #tpu.memory_space<hbm>>
      %dma_wait3A_123 = tpu.memref_slice %arg3[%add3A_11] : memref<160000xi32, #tpu.memory_space<hbm>> -> memref<8xi32, #tpu.memory_space<hbm>>
      tpu.wait_dma2 semaphore(%run_scoped3A_119 : memref<!tpu.dma_semaphore, #tpu.memory_space<semaphore_mem>>) src(%dma_wait3A_123 : memref<8xi32, #tpu.memory_space<hbm>>) dst(%arg10 : memref<8xi32, #tpu.memory_space<vmem>>)
      tpu.yield
    }) : () -> ()
    "tpu.region"() ({
      %run_scoped3A_119 = tpu.sem_alloc : memref<!tpu.dma_semaphore, #tpu.memory_space<semaphore_mem>>
      %dma_start3A_120 = tpu.memref_slice %arg4[%add3A_11] : memref<160000xi32, #tpu.memory_space<hbm>> -> memref<8xi32, #tpu.memory_space<hbm>>
      %dma_start3A_121 = tpu.memref_slice %arg4[%add3A_11] : memref<160000xi32, #tpu.memory_space<hbm>> -> memref<8xi32, #tpu.memory_space<hbm>>
      tpu.enqueue_dma source(%dma_start3A_121 : memref<8xi32, #tpu.memory_space<hbm>>) target(%arg11 : memref<8xi32, #tpu.memory_space<vmem>>) target_semaphore(%run_scoped3A_119 : memref<!tpu.dma_semaphore, #tpu.memory_space<semaphore_mem>>)
      %dma_wait3A_122 = tpu.memref_slice %arg4[%add3A_11] : memref<160000xi32, #tpu.memory_space<hbm>> -> memref<8xi32, #tpu.memory_space<hbm>>
      %dma_wait3A_123 = tpu.memref_slice %arg4[%add3A_11] : memref<160000xi32, #tpu.memory_space<hbm>> -> memref<8xi32, #tpu.memory_space<hbm>>
      tpu.wait_dma2 semaphore(%run_scoped3A_119 : memref<!tpu.dma_semaphore, #tpu.memory_space<semaphore_mem>>) src(%dma_wait3A_123 : memref<8xi32, #tpu.memory_space<hbm>>) dst(%arg11 : memref<8xi32, #tpu.memory_space<vmem>>)
      tpu.yield
    }) : () -> ()
    %dma_start3A = arith.constant 0 : i32
    %dma_start3A_12 = arith.constant 0 : i32
    %dma_start3A_13 = arith.constant 0 : i32
    %dma_start3A_14 = tpu.memref_slice %arg2[%dma_start3A, %dma_start3A_12, %dma_start3A_13] : memref<4x10000x128xf32, #tpu.memory_space<hbm>> -> memref<1x10000x128xf32, #tpu.memory_space<hbm>>
    %dma_start3A_15 = tpu.memref_squeeze %dma_start3A_14 : memref<1x10000x128xf32, #tpu.memory_space<hbm>> -> memref<10000x128xf32, #tpu.memory_space<hbm>>
    %dma_start3A_16 = arith.constant 0 : i32
    %dma_start3A_17 = arith.constant 0 : i32
    %dma_start3A_18 = tpu.memref_slice %dma_start3A_15[%dma_start3A_16, %dma_start3A_17] : memref<10000x128xf32, #tpu.memory_space<hbm>> -> memref<10000x128xf32, #tpu.memory_space<hbm>>
    tpu.enqueue_indirect_dma source(%dma_start3A_18 : memref<10000x128xf32, #tpu.memory_space<hbm>>) target(%arg12 : memref<8x128xf32, #tpu.memory_space<vmem>>) offsets(%arg10 : memref<8xi32, #tpu.memory_space<vmem>>) semaphore(%arg14 : memref<!tpu.dma_semaphore, #tpu.memory_space<semaphore_mem>>)
    %dma_wait3A = arith.constant 0 : i32
    %dma_wait3A_19 = arith.constant 0 : i32
    %dma_wait3A_20 = arith.constant 0 : i32
    %dma_wait3A_21 = tpu.memref_slice %arg2[%dma_wait3A, %dma_wait3A_19, %dma_wait3A_20] : memref<4x10000x128xf32, #tpu.memory_space<hbm>> -> memref<1x10000x128xf32, #tpu.memory_space<hbm>>
    %dma_wait3A_22 = tpu.memref_squeeze %dma_wait3A_21 : memref<1x10000x128xf32, #tpu.memory_space<hbm>> -> memref<10000x128xf32, #tpu.memory_space<hbm>>
    %dma_wait3A_23 = arith.constant 0 : i32
    %dma_wait3A_24 = arith.constant 0 : i32
    %dma_wait3A_25 = tpu.memref_slice %dma_wait3A_22[%dma_wait3A_23, %dma_wait3A_24] : memref<10000x128xf32, #tpu.memory_space<hbm>> -> memref<10000x128xf32, #tpu.memory_space<hbm>>
    tpu.wait_indirect_dma semaphore(%arg14 : memref<!tpu.dma_semaphore, #tpu.memory_space<semaphore_mem>>) src(%dma_wait3A_25 : memref<10000x128xf32, #tpu.memory_space<hbm>>) dst(%arg12 : memref<8x128xf32, #tpu.memory_space<vmem>>)
    "tpu.region"() ({
      %run_scoped3A_119 = tpu.sem_alloc : memref<!tpu.dma_semaphore, #tpu.memory_space<semaphore_mem>>
      %dma_start3A_120 = arith.constant 0 : i32
      %dma_start3A_121 = arith.constant 0 : i32
      %dma_start3A_122 = tpu.memref_slice %arg13[%dma_start3A_120, %dma_start3A_121] : memref<10112x128xf32, #tpu.memory_space<vmem_shared>> -> memref<10112x128xf32, #tpu.memory_space<vmem_shared>>
      tpu.enqueue_indirect_dma source(%arg12 : memref<8x128xf32, #tpu.memory_space<vmem>>) target(%dma_start3A_122 : memref<10112x128xf32, #tpu.memory_space<vmem_shared>>) offsets(%arg11 : memref<8xi32, #tpu.memory_space<vmem>>) semaphore(%run_scoped3A_119 : memref<!tpu.dma_semaphore, #tpu.memory_space<semaphore_mem>>) {add = true}
      %dma_wait3A_123 = arith.constant 0 : i32
      %dma_wait3A_124 = arith.constant 0 : i32
      %dma_wait3A_125 = tpu.memref_slice %arg13[%dma_wait3A_123, %dma_wait3A_124] : memref<10112x128xf32, #tpu.memory_space<vmem_shared>> -> memref<10112x128xf32, #tpu.memory_space<vmem_shared>>
      tpu.wait_indirect_dma semaphore(%run_scoped3A_119 : memref<!tpu.dma_semaphore, #tpu.memory_space<semaphore_mem>>) src(%arg12 : memref<8x128xf32, #tpu.memory_space<vmem>>) dst(%dma_wait3A_125 : memref<10112x128xf32, #tpu.memory_space<vmem_shared>>)
      tpu.yield
    }) : () -> ()
    %barrier3A_26 = arith.constant 0 : index
    tpu.barrier barrier_id(%barrier3A_26)
    %delay3A = arith.constant 1024 : i32
    tpu.delay %delay3A
    %barrier3A_27 = arith.constant 0 : index
    tpu.barrier barrier_id(%barrier3A_27)
    %run_scoped3A = arith.constant 0 : i32
    "tpu.region"() ({
      %run_scoped3A_119 = tpu.sem_alloc : memref<!tpu.dma_semaphore, #tpu.memory_space<semaphore_mem>>
      %dma_start3A_120 = arith.constant 0 : i32
      %dma_start3A_121 = tpu.memref_slice %arg6[%run_scoped3A, %arg0, %mul3A_4, %dma_start3A_120] : memref<4x2x10112x128xf32, #tpu.memory_space<hbm>> -> memref<1x1x632x128xf32, #tpu.memory_space<hbm>>
      %dma_start3A_122 = tpu.memref_squeeze %dma_start3A_121 : memref<1x1x632x128xf32, #tpu.memory_space<hbm>> -> memref<632x128xf32, #tpu.memory_space<hbm>>
      %dma_start3A_123 = arith.constant 0 : i32
      %dma_start3A_124 = tpu.memref_slice %arg13[%mul3A_4, %dma_start3A_123] : memref<10112x128xf32, #tpu.memory_space<vmem_shared>> -> memref<632x128xf32, #tpu.memory_space<vmem_shared>>
      tpu.enqueue_dma source(%dma_start3A_124 : memref<632x128xf32, #tpu.memory_space<vmem_shared>>) target(%dma_start3A_122 : memref<632x128xf32, #tpu.memory_space<hbm>>) target_semaphore(%run_scoped3A_119 : memref<!tpu.dma_semaphore, #tpu.memory_space<semaphore_mem>>)
      %dma_wait3A_125 = arith.constant 0 : i32
      %dma_wait3A_126 = tpu.memref_slice %arg6[%run_scoped3A, %arg0, %mul3A_4, %dma_wait3A_125] : memref<4x2x10112x128xf32, #tpu.memory_space<hbm>> -> memref<1x1x632x128xf32, #tpu.memory_space<hbm>>
      %dma_wait3A_127 = tpu.memref_squeeze %dma_wait3A_126 : memref<1x1x632x128xf32, #tpu.memory_space<hbm>> -> memref<632x128xf32, #tpu.memory_space<hbm>>
      %dma_wait3A_128 = arith.constant 0 : i32
      %dma_wait3A_129 = tpu.memref_slice %arg13[%mul3A_4, %dma_wait3A_128] : memref<10112x128xf32, #tpu.memory_space<vmem_shared>> -> memref<632x128xf32, #tpu.memory_space<vmem_shared>>
      tpu.wait_dma2 semaphore(%run_scoped3A_119 : memref<!tpu.dma_semaphore, #tpu.memory_space<semaphore_mem>>) src(%dma_wait3A_129 : memref<632x128xf32, #tpu.memory_space<vmem_shared>>) dst(%dma_wait3A_127 : memref<632x128xf32, #tpu.memory_space<hbm>>)
      tpu.yield
    }) : () -> ()
    %barrier3A_28 = arith.constant 0 : index
    tpu.barrier barrier_id(%barrier3A_28)
    "tpu.region"() ({
      %run_scoped3A_119 = tpu.sem_alloc : memref<!tpu.dma_semaphore, #tpu.memory_space<semaphore_mem>>
      %dma_start3A_120 = arith.constant 0 : i32
      %dma_start3A_121 = tpu.memref_slice %arg13[%mul3A_4, %dma_start3A_120] : memref<10112x128xf32, #tpu.memory_space<vmem_shared>> -> memref<632x128xf32, #tpu.memory_space<vmem_shared>>
      tpu.enqueue_dma source(%arg5 : memref<632x128xf32, #tpu.memory_space<hbm>>) target(%dma_start3A_121 : memref<632x128xf32, #tpu.memory_space<vmem_shared>>) target_semaphore(%run_scoped3A_119 : memref<!tpu.dma_semaphore, #tpu.memory_space<semaphore_mem>>)
      %dma_wait3A_122 = arith.constant 0 : i32
      %dma_wait3A_123 = tpu.memref_slice %arg13[%mul3A_4, %dma_wait3A_122] : memref<10112x128xf32, #tpu.memory_space<vmem_shared>> -> memref<632x128xf32, #tpu.memory_space<vmem_shared>>
      tpu.wait_dma2 semaphore(%run_scoped3A_119 : memref<!tpu.dma_semaphore, #tpu.memory_space<semaphore_mem>>) src(%arg5 : memref<632x128xf32, #tpu.memory_space<hbm>>) dst(%dma_wait3A_123 : memref<632x128xf32, #tpu.memory_space<vmem_shared>>)
      tpu.yield
    }) : () -> ()
    %barrier3A_29 = arith.constant 0 : index
    tpu.barrier barrier_id(%barrier3A_29)
    %scan3A_30 = arith.constant 0 : i32
    %scan3A_31 = arith.constant 0 : i32
    %scan3A_32 = arith.constant 39 : i32
    %scan3A_33 = arith.addi %scan3A_31, %scan3A_32 : i32
    %scan3A_34 = arith.constant 1 : i32
    scf.for %scan3A_119 = %scan3A_31 to %scan3A_33 step %scan3A_34  : i32 {
      %mul3A_120 = arith.constant 128 : i32
      %mul3A_121 = arith.muli %scan3A_119, %mul3A_120 : i32
      %add3A_122 = arith.addi %mul3A_2, %mul3A_121 : i32
      "tpu.region"() ({
        %run_scoped3A_139 = tpu.sem_alloc : memref<!tpu.dma_semaphore, #tpu.memory_space<semaphore_mem>>
        %dma_start3A_140 = tpu.memref_slice %arg3[%add3A_122] : memref<160000xi32, #tpu.memory_space<hbm>> -> memref<128xi32, #tpu.memory_space<hbm>>
        %dma_start3A_141 = tpu.memref_slice %arg3[%add3A_122] : memref<160000xi32, #tpu.memory_space<hbm>> -> memref<128xi32, #tpu.memory_space<hbm>>
        tpu.enqueue_dma source(%dma_start3A_141 : memref<128xi32, #tpu.memory_space<hbm>>) target(%arg7 : memref<128xi32, #tpu.memory_space<vmem>>) target_semaphore(%run_scoped3A_139 : memref<!tpu.dma_semaphore, #tpu.memory_space<semaphore_mem>>)
        %dma_wait3A_142 = tpu.memref_slice %arg3[%add3A_122] : memref<160000xi32, #tpu.memory_space<hbm>> -> memref<128xi32, #tpu.memory_space<hbm>>
        %dma_wait3A_143 = tpu.memref_slice %arg3[%add3A_122] : memref<160000xi32, #tpu.memory_space<hbm>> -> memref<128xi32, #tpu.memory_space<hbm>>
        tpu.wait_dma2 semaphore(%run_scoped3A_139 : memref<!tpu.dma_semaphore, #tpu.memory_space<semaphore_mem>>) src(%dma_wait3A_143 : memref<128xi32, #tpu.memory_space<hbm>>) dst(%arg7 : memref<128xi32, #tpu.memory_space<vmem>>)
        tpu.yield
      }) : () -> ()
      "tpu.region"() ({
        %run_scoped3A_139 = tpu.sem_alloc : memref<!tpu.dma_semaphore, #tpu.memory_space<semaphore_mem>>
        %dma_start3A_140 = tpu.memref_slice %arg4[%add3A_122] : memref<160000xi32, #tpu.memory_space<hbm>> -> memref<128xi32, #tpu.memory_space<hbm>>
        %dma_start3A_141 = tpu.memref_slice %arg4[%add3A_122] : memref<160000xi32, #tpu.memory_space<hbm>> -> memref<128xi32, #tpu.memory_space<hbm>>
        tpu.enqueue_dma source(%dma_start3A_141 : memref<128xi32, #tpu.memory_space<hbm>>) target(%arg8 : memref<128xi32, #tpu.memory_space<vmem>>) target_semaphore(%run_scoped3A_139 : memref<!tpu.dma_semaphore, #tpu.memory_space<semaphore_mem>>)
        %dma_wait3A_142 = tpu.memref_slice %arg4[%add3A_122] : memref<160000xi32, #tpu.memory_space<hbm>> -> memref<128xi32, #tpu.memory_space<hbm>>
        %dma_wait3A_143 = tpu.memref_slice %arg4[%add3A_122] : memref<160000xi32, #tpu.memory_space<hbm>> -> memref<128xi32, #tpu.memory_space<hbm>>
        tpu.wait_dma2 semaphore(%run_scoped3A_139 : memref<!tpu.dma_semaphore, #tpu.memory_space<semaphore_mem>>) src(%dma_wait3A_143 : memref<128xi32, #tpu.memory_space<hbm>>) dst(%arg8 : memref<128xi32, #tpu.memory_space<vmem>>)
        tpu.yield
      }) : () -> ()
      %dma_start3A_123 = arith.constant 1 : i32
      %dma_start3A_124 = arith.constant 0 : i32
      %dma_start3A_125 = arith.constant 0 : i32
      %dma_start3A_126 = tpu.memref_slice %arg2[%dma_start3A_123, %dma_start3A_124, %dma_start3A_125] : memref<4x10000x128xf32, #tpu.memory_space<hbm>> -> memref<1x10000x128xf32, #tpu.memory_space<hbm>>
      %dma_start3A_127 = tpu.memref_squeeze %dma_start3A_126 : memref<1x10000x128xf32, #tpu.memory_space<hbm>> -> memref<10000x128xf32, #tpu.memory_space<hbm>>
      %dma_start3A_128 = arith.constant 0 : i32
      %dma_start3A_129 = arith.constant 0 : i32
      %dma_start3A_130 = tpu.memref_slice %dma_start3A_127[%dma_start3A_128, %dma_start3A_129] : memref<10000x128xf32, #tpu.memory_space<hbm>> -> memref<10000x128xf32, #tpu.memory_space<hbm>>
      tpu.enqueue_indirect_dma source(%dma_start3A_130 : memref<10000x128xf32, #tpu.memory_space<hbm>>) target(%arg9 : memref<128x128xf32, #tpu.memory_space<vmem>>) offsets(%arg7 : memref<128xi32, #tpu.memory_space<vmem>>) semaphore(%arg14 : memref<!tpu.dma_semaphore, #tpu.memory_space<semaphore_mem>>)
      %dma_wait3A_131 = arith.constant 1 : i32
      %dma_wait3A_132 = arith.constant 0 : i32
      %dma_wait3A_133 = arith.constant 0 : i32
      %dma_wait3A_134 = tpu.memref_slice %arg2[%dma_wait3A_131, %dma_wait3A_132, %dma_wait3A_133] : memref<4x10000x128xf32, #tpu.memory_space<hbm>> -> memref<1x10000x128xf32, #tpu.memory_space<hbm>>
      %dma_wait3A_135 = tpu.memref_squeeze %dma_wait3A_134 : memref<1x10000x128xf32, #tpu.memory_space<hbm>> -> memref<10000x128xf32, #tpu.memory_space<hbm>>
      %dma_wait3A_136 = arith.constant 0 : i32
      %dma_wait3A_137 = arith.constant 0 : i32
      %dma_wait3A_138 = tpu.memref_slice %dma_wait3A_135[%dma_wait3A_136, %dma_wait3A_137] : memref<10000x128xf32, #tpu.memory_space<hbm>> -> memref<10000x128xf32, #tpu.memory_space<hbm>>
      tpu.wait_indirect_dma semaphore(%arg14 : memref<!tpu.dma_semaphore, #tpu.memory_space<semaphore_mem>>) src(%dma_wait3A_138 : memref<10000x128xf32, #tpu.memory_space<hbm>>) dst(%arg9 : memref<128x128xf32, #tpu.memory_space<vmem>>)
      "tpu.region"() ({
        %run_scoped3A_139 = tpu.sem_alloc : memref<!tpu.dma_semaphore, #tpu.memory_space<semaphore_mem>>
        %dma_start3A_140 = arith.constant 0 : i32
        %dma_start3A_141 = arith.constant 0 : i32
        %dma_start3A_142 = tpu.memref_slice %arg13[%dma_start3A_140, %dma_start3A_141] : memref<10112x128xf32, #tpu.memory_space<vmem_shared>> -> memref<10112x128xf32, #tpu.memory_space<vmem_shared>>
        tpu.enqueue_indirect_dma source(%arg9 : memref<128x128xf32, #tpu.memory_space<vmem>>) target(%dma_start3A_142 : memref<10112x128xf32, #tpu.memory_space<vmem_shared>>) offsets(%arg8 : memref<128xi32, #tpu.memory_space<vmem>>) semaphore(%run_scoped3A_139 : memref<!tpu.dma_semaphore, #tpu.memory_space<semaphore_mem>>) {add = true}
        %dma_wait3A_143 = arith.constant 0 : i32
        %dma_wait3A_144 = arith.constant 0 : i32
        %dma_wait3A_145 = tpu.memref_slice %arg13[%dma_wait3A_143, %dma_wait3A_144] : memref<10112x128xf32, #tpu.memory_space<vmem_shared>> -> memref<10112x128xf32, #tpu.memory_space<vmem_shared>>
        tpu.wait_indirect_dma semaphore(%run_scoped3A_139 : memref<!tpu.dma_semaphore, #tpu.memory_space<semaphore_mem>>) src(%arg9 : memref<128x128xf32, #tpu.memory_space<vmem>>) dst(%dma_wait3A_145 : memref<10112x128xf32, #tpu.memory_space<vmem_shared>>)
        tpu.yield
      }) : () -> ()
    }
    %scan3A_35 = arith.constant 39 : i32
    %add3A_36 = arith.constant 4992 : i32
    %add3A_37 = arith.addi %mul3A_2, %add3A_36 : i32
    "tpu.region"() ({
      %run_scoped3A_119 = tpu.sem_alloc : memref<!tpu.dma_semaphore, #tpu.memory_space<semaphore_mem>>
      %dma_start3A_120 = tpu.memref_slice %arg3[%add3A_37] : memref<160000xi32, #tpu.memory_space<hbm>> -> memref<8xi32, #tpu.memory_space<hbm>>
      %dma_start3A_121 = tpu.memref_slice %arg3[%add3A_37] : memref<160000xi32, #tpu.memory_space<hbm>> -> memref<8xi32, #tpu.memory_space<hbm>>
      tpu.enqueue_dma source(%dma_start3A_121 : memref<8xi32, #tpu.memory_space<hbm>>) target(%arg10 : memref<8xi32, #tpu.memory_space<vmem>>) target_semaphore(%run_scoped3A_119 : memref<!tpu.dma_semaphore, #tpu.memory_space<semaphore_mem>>)
      %dma_wait3A_122 = tpu.memref_slice %arg3[%add3A_37] : memref<160000xi32, #tpu.memory_space<hbm>> -> memref<8xi32, #tpu.memory_space<hbm>>
      %dma_wait3A_123 = tpu.memref_slice %arg3[%add3A_37] : memref<160000xi32, #tpu.memory_space<hbm>> -> memref<8xi32, #tpu.memory_space<hbm>>
      tpu.wait_dma2 semaphore(%run_scoped3A_119 : memref<!tpu.dma_semaphore, #tpu.memory_space<semaphore_mem>>) src(%dma_wait3A_123 : memref<8xi32, #tpu.memory_space<hbm>>) dst(%arg10 : memref<8xi32, #tpu.memory_space<vmem>>)
      tpu.yield
    }) : () -> ()
    "tpu.region"() ({
      %run_scoped3A_119 = tpu.sem_alloc : memref<!tpu.dma_semaphore, #tpu.memory_space<semaphore_mem>>
      %dma_start3A_120 = tpu.memref_slice %arg4[%add3A_37] : memref<160000xi32, #tpu.memory_space<hbm>> -> memref<8xi32, #tpu.memory_space<hbm>>
      %dma_start3A_121 = tpu.memref_slice %arg4[%add3A_37] : memref<160000xi32, #tpu.memory_space<hbm>> -> memref<8xi32, #tpu.memory_space<hbm>>
      tpu.enqueue_dma source(%dma_start3A_121 : memref<8xi32, #tpu.memory_space<hbm>>) target(%arg11 : memref<8xi32, #tpu.memory_space<vmem>>) target_semaphore(%run_scoped3A_119 : memref<!tpu.dma_semaphore, #tpu.memory_space<semaphore_mem>>)
      %dma_wait3A_122 = tpu.memref_slice %arg4[%add3A_37] : memref<160000xi32, #tpu.memory_space<hbm>> -> memref<8xi32, #tpu.memory_space<hbm>>
      %dma_wait3A_123 = tpu.memref_slice %arg4[%add3A_37] : memref<160000xi32, #tpu.memory_space<hbm>> -> memref<8xi32, #tpu.memory_space<hbm>>
      tpu.wait_dma2 semaphore(%run_scoped3A_119 : memref<!tpu.dma_semaphore, #tpu.memory_space<semaphore_mem>>) src(%dma_wait3A_123 : memref<8xi32, #tpu.memory_space<hbm>>) dst(%arg11 : memref<8xi32, #tpu.memory_space<vmem>>)
      tpu.yield
    }) : () -> ()
    %dma_start3A_38 = arith.constant 1 : i32
    %dma_start3A_39 = arith.constant 0 : i32
    %dma_start3A_40 = arith.constant 0 : i32
    %dma_start3A_41 = tpu.memref_slice %arg2[%dma_start3A_38, %dma_start3A_39, %dma_start3A_40] : memref<4x10000x128xf32, #tpu.memory_space<hbm>> -> memref<1x10000x128xf32, #tpu.memory_space<hbm>>
    %dma_start3A_42 = tpu.memref_squeeze %dma_start3A_41 : memref<1x10000x128xf32, #tpu.memory_space<hbm>> -> memref<10000x128xf32, #tpu.memory_space<hbm>>
    %dma_start3A_43 = arith.constant 0 : i32
    %dma_start3A_44 = arith.constant 0 : i32
    %dma_start3A_45 = tpu.memref_slice %dma_start3A_42[%dma_start3A_43, %dma_start3A_44] : memref<10000x128xf32, #tpu.memory_space<hbm>> -> memref<10000x128xf32, #tpu.memory_space<hbm>>
    tpu.enqueue_indirect_dma source(%dma_start3A_45 : memref<10000x128xf32, #tpu.memory_space<hbm>>) target(%arg12 : memref<8x128xf32, #tpu.memory_space<vmem>>) offsets(%arg10 : memref<8xi32, #tpu.memory_space<vmem>>) semaphore(%arg14 : memref<!tpu.dma_semaphore, #tpu.memory_space<semaphore_mem>>)
    %dma_wait3A_46 = arith.constant 1 : i32
    %dma_wait3A_47 = arith.constant 0 : i32
    %dma_wait3A_48 = arith.constant 0 : i32
    %dma_wait3A_49 = tpu.memref_slice %arg2[%dma_wait3A_46, %dma_wait3A_47, %dma_wait3A_48] : memref<4x10000x128xf32, #tpu.memory_space<hbm>> -> memref<1x10000x128xf32, #tpu.memory_space<hbm>>
    %dma_wait3A_50 = tpu.memref_squeeze %dma_wait3A_49 : memref<1x10000x128xf32, #tpu.memory_space<hbm>> -> memref<10000x128xf32, #tpu.memory_space<hbm>>
    %dma_wait3A_51 = arith.constant 0 : i32
    %dma_wait3A_52 = arith.constant 0 : i32
    %dma_wait3A_53 = tpu.memref_slice %dma_wait3A_50[%dma_wait3A_51, %dma_wait3A_52] : memref<10000x128xf32, #tpu.memory_space<hbm>> -> memref<10000x128xf32, #tpu.memory_space<hbm>>
    tpu.wait_indirect_dma semaphore(%arg14 : memref<!tpu.dma_semaphore, #tpu.memory_space<semaphore_mem>>) src(%dma_wait3A_53 : memref<10000x128xf32, #tpu.memory_space<hbm>>) dst(%arg12 : memref<8x128xf32, #tpu.memory_space<vmem>>)
    "tpu.region"() ({
      %run_scoped3A_119 = tpu.sem_alloc : memref<!tpu.dma_semaphore, #tpu.memory_space<semaphore_mem>>
      %dma_start3A_120 = arith.constant 0 : i32
      %dma_start3A_121 = arith.constant 0 : i32
      %dma_start3A_122 = tpu.memref_slice %arg13[%dma_start3A_120, %dma_start3A_121] : memref<10112x128xf32, #tpu.memory_space<vmem_shared>> -> memref<10112x128xf32, #tpu.memory_space<vmem_shared>>
      tpu.enqueue_indirect_dma source(%arg12 : memref<8x128xf32, #tpu.memory_space<vmem>>) target(%dma_start3A_122 : memref<10112x128xf32, #tpu.memory_space<vmem_shared>>) offsets(%arg11 : memref<8xi32, #tpu.memory_space<vmem>>) semaphore(%run_scoped3A_119 : memref<!tpu.dma_semaphore, #tpu.memory_space<semaphore_mem>>) {add = true}
      %dma_wait3A_123 = arith.constant 0 : i32
      %dma_wait3A_124 = arith.constant 0 : i32
      %dma_wait3A_125 = tpu.memref_slice %arg13[%dma_wait3A_123, %dma_wait3A_124] : memref<10112x128xf32, #tpu.memory_space<vmem_shared>> -> memref<10112x128xf32, #tpu.memory_space<vmem_shared>>
      tpu.wait_indirect_dma semaphore(%run_scoped3A_119 : memref<!tpu.dma_semaphore, #tpu.memory_space<semaphore_mem>>) src(%arg12 : memref<8x128xf32, #tpu.memory_space<vmem>>) dst(%dma_wait3A_125 : memref<10112x128xf32, #tpu.memory_space<vmem_shared>>)
      tpu.yield
    }) : () -> ()
    %barrier3A_54 = arith.constant 0 : index
    tpu.barrier barrier_id(%barrier3A_54)
    %delay3A_55 = arith.constant 1024 : i32
    tpu.delay %delay3A_55
    %barrier3A_56 = arith.constant 0 : index
    tpu.barrier barrier_id(%barrier3A_56)
    %run_scoped3A_57 = arith.constant 1 : i32
    "tpu.region"() ({
      %run_scoped3A_119 = tpu.sem_alloc : memref<!tpu.dma_semaphore, #tpu.memory_space<semaphore_mem>>
      %dma_start3A_120 = arith.constant 0 : i32
      %dma_start3A_121 = tpu.memref_slice %arg6[%run_scoped3A_57, %arg0, %mul3A_4, %dma_start3A_120] : memref<4x2x10112x128xf32, #tpu.memory_space<hbm>> -> memref<1x1x632x128xf32, #tpu.memory_space<hbm>>
      %dma_start3A_122 = tpu.memref_squeeze %dma_start3A_121 : memref<1x1x632x128xf32, #tpu.memory_space<hbm>> -> memref<632x128xf32, #tpu.memory_space<hbm>>
      %dma_start3A_123 = arith.constant 0 : i32
      %dma_start3A_124 = tpu.memref_slice %arg13[%mul3A_4, %dma_start3A_123] : memref<10112x128xf32, #tpu.memory_space<vmem_shared>> -> memref<632x128xf32, #tpu.memory_space<vmem_shared>>
      tpu.enqueue_dma source(%dma_start3A_124 : memref<632x128xf32, #tpu.memory_space<vmem_shared>>) target(%dma_start3A_122 : memref<632x128xf32, #tpu.memory_space<hbm>>) target_semaphore(%run_scoped3A_119 : memref<!tpu.dma_semaphore, #tpu.memory_space<semaphore_mem>>)
      %dma_wait3A_125 = arith.constant 0 : i32
      %dma_wait3A_126 = tpu.memref_slice %arg6[%run_scoped3A_57, %arg0, %mul3A_4, %dma_wait3A_125] : memref<4x2x10112x128xf32, #tpu.memory_space<hbm>> -> memref<1x1x632x128xf32, #tpu.memory_space<hbm>>
      %dma_wait3A_127 = tpu.memref_squeeze %dma_wait3A_126 : memref<1x1x632x128xf32, #tpu.memory_space<hbm>> -> memref<632x128xf32, #tpu.memory_space<hbm>>
      %dma_wait3A_128 = arith.constant 0 : i32
      %dma_wait3A_129 = tpu.memref_slice %arg13[%mul3A_4, %dma_wait3A_128] : memref<10112x128xf32, #tpu.memory_space<vmem_shared>> -> memref<632x128xf32, #tpu.memory_space<vmem_shared>>
      tpu.wait_dma2 semaphore(%run_scoped3A_119 : memref<!tpu.dma_semaphore, #tpu.memory_space<semaphore_mem>>) src(%dma_wait3A_129 : memref<632x128xf32, #tpu.memory_space<vmem_shared>>) dst(%dma_wait3A_127 : memref<632x128xf32, #tpu.memory_space<hbm>>)
      tpu.yield
    }) : () -> ()
    %barrier3A_58 = arith.constant 0 : index
    tpu.barrier barrier_id(%barrier3A_58)
    "tpu.region"() ({
      %run_scoped3A_119 = tpu.sem_alloc : memref<!tpu.dma_semaphore, #tpu.memory_space<semaphore_mem>>
      %dma_start3A_120 = arith.constant 0 : i32
      %dma_start3A_121 = tpu.memref_slice %arg13[%mul3A_4, %dma_start3A_120] : memref<10112x128xf32, #tpu.memory_space<vmem_shared>> -> memref<632x128xf32, #tpu.memory_space<vmem_shared>>
      tpu.enqueue_dma source(%arg5 : memref<632x128xf32, #tpu.memory_space<hbm>>) target(%dma_start3A_121 : memref<632x128xf32, #tpu.memory_space<vmem_shared>>) target_semaphore(%run_scoped3A_119 : memref<!tpu.dma_semaphore, #tpu.memory_space<semaphore_mem>>)
      %dma_wait3A_122 = arith.constant 0 : i32
      %dma_wait3A_123 = tpu.memref_slice %arg13[%mul3A_4, %dma_wait3A_122] : memref<10112x128xf32, #tpu.memory_space<vmem_shared>> -> memref<632x128xf32, #tpu.memory_space<vmem_shared>>
      tpu.wait_dma2 semaphore(%run_scoped3A_119 : memref<!tpu.dma_semaphore, #tpu.memory_space<semaphore_mem>>) src(%arg5 : memref<632x128xf32, #tpu.memory_space<hbm>>) dst(%dma_wait3A_123 : memref<632x128xf32, #tpu.memory_space<vmem_shared>>)
      tpu.yield
    }) : () -> ()
    %barrier3A_59 = arith.constant 0 : index
    tpu.barrier barrier_id(%barrier3A_59)
    %scan3A_60 = arith.constant 0 : i32
    %scan3A_61 = arith.constant 0 : i32
    %scan3A_62 = arith.constant 39 : i32
    %scan3A_63 = arith.addi %scan3A_61, %scan3A_62 : i32
    %scan3A_64 = arith.constant 1 : i32
    scf.for %scan3A_119 = %scan3A_61 to %scan3A_63 step %scan3A_64  : i32 {
      %mul3A_120 = arith.constant 128 : i32
      %mul3A_121 = arith.muli %scan3A_119, %mul3A_120 : i32
      %add3A_122 = arith.addi %mul3A_2, %mul3A_121 : i32
      "tpu.region"() ({
        %run_scoped3A_139 = tpu.sem_alloc : memref<!tpu.dma_semaphore, #tpu.memory_space<semaphore_mem>>
        %dma_start3A_140 = tpu.memref_slice %arg3[%add3A_122] : memref<160000xi32, #tpu.memory_space<hbm>> -> memref<128xi32, #tpu.memory_space<hbm>>
        %dma_start3A_141 = tpu.memref_slice %arg3[%add3A_122] : memref<160000xi32, #tpu.memory_space<hbm>> -> memref<128xi32, #tpu.memory_space<hbm>>
        tpu.enqueue_dma source(%dma_start3A_141 : memref<128xi32, #tpu.memory_space<hbm>>) target(%arg7 : memref<128xi32, #tpu.memory_space<vmem>>) target_semaphore(%run_scoped3A_139 : memref<!tpu.dma_semaphore, #tpu.memory_space<semaphore_mem>>)
        %dma_wait3A_142 = tpu.memref_slice %arg3[%add3A_122] : memref<160000xi32, #tpu.memory_space<hbm>> -> memref<128xi32, #tpu.memory_space<hbm>>
        %dma_wait3A_143 = tpu.memref_slice %arg3[%add3A_122] : memref<160000xi32, #tpu.memory_space<hbm>> -> memref<128xi32, #tpu.memory_space<hbm>>
        tpu.wait_dma2 semaphore(%run_scoped3A_139 : memref<!tpu.dma_semaphore, #tpu.memory_space<semaphore_mem>>) src(%dma_wait3A_143 : memref<128xi32, #tpu.memory_space<hbm>>) dst(%arg7 : memref<128xi32, #tpu.memory_space<vmem>>)
        tpu.yield
      }) : () -> ()
      "tpu.region"() ({
        %run_scoped3A_139 = tpu.sem_alloc : memref<!tpu.dma_semaphore, #tpu.memory_space<semaphore_mem>>
        %dma_start3A_140 = tpu.memref_slice %arg4[%add3A_122] : memref<160000xi32, #tpu.memory_space<hbm>> -> memref<128xi32, #tpu.memory_space<hbm>>
        %dma_start3A_141 = tpu.memref_slice %arg4[%add3A_122] : memref<160000xi32, #tpu.memory_space<hbm>> -> memref<128xi32, #tpu.memory_space<hbm>>
        tpu.enqueue_dma source(%dma_start3A_141 : memref<128xi32, #tpu.memory_space<hbm>>) target(%arg8 : memref<128xi32, #tpu.memory_space<vmem>>) target_semaphore(%run_scoped3A_139 : memref<!tpu.dma_semaphore, #tpu.memory_space<semaphore_mem>>)
        %dma_wait3A_142 = tpu.memref_slice %arg4[%add3A_122] : memref<160000xi32, #tpu.memory_space<hbm>> -> memref<128xi32, #tpu.memory_space<hbm>>
        %dma_wait3A_143 = tpu.memref_slice %arg4[%add3A_122] : memref<160000xi32, #tpu.memory_space<hbm>> -> memref<128xi32, #tpu.memory_space<hbm>>
        tpu.wait_dma2 semaphore(%run_scoped3A_139 : memref<!tpu.dma_semaphore, #tpu.memory_space<semaphore_mem>>) src(%dma_wait3A_143 : memref<128xi32, #tpu.memory_space<hbm>>) dst(%arg8 : memref<128xi32, #tpu.memory_space<vmem>>)
        tpu.yield
      }) : () -> ()
      %dma_start3A_123 = arith.constant 2 : i32
      %dma_start3A_124 = arith.constant 0 : i32
      %dma_start3A_125 = arith.constant 0 : i32
      %dma_start3A_126 = tpu.memref_slice %arg2[%dma_start3A_123, %dma_start3A_124, %dma_start3A_125] : memref<4x10000x128xf32, #tpu.memory_space<hbm>> -> memref<1x10000x128xf32, #tpu.memory_space<hbm>>
      %dma_start3A_127 = tpu.memref_squeeze %dma_start3A_126 : memref<1x10000x128xf32, #tpu.memory_space<hbm>> -> memref<10000x128xf32, #tpu.memory_space<hbm>>
      %dma_start3A_128 = arith.constant 0 : i32
      %dma_start3A_129 = arith.constant 0 : i32
      %dma_start3A_130 = tpu.memref_slice %dma_start3A_127[%dma_start3A_128, %dma_start3A_129] : memref<10000x128xf32, #tpu.memory_space<hbm>> -> memref<10000x128xf32, #tpu.memory_space<hbm>>
      tpu.enqueue_indirect_dma source(%dma_start3A_130 : memref<10000x128xf32, #tpu.memory_space<hbm>>) target(%arg9 : memref<128x128xf32, #tpu.memory_space<vmem>>) offsets(%arg7 : memref<128xi32, #tpu.memory_space<vmem>>) semaphore(%arg14 : memref<!tpu.dma_semaphore, #tpu.memory_space<semaphore_mem>>)
      %dma_wait3A_131 = arith.constant 2 : i32
      %dma_wait3A_132 = arith.constant 0 : i32
      %dma_wait3A_133 = arith.constant 0 : i32
      %dma_wait3A_134 = tpu.memref_slice %arg2[%dma_wait3A_131, %dma_wait3A_132, %dma_wait3A_133] : memref<4x10000x128xf32, #tpu.memory_space<hbm>> -> memref<1x10000x128xf32, #tpu.memory_space<hbm>>
      %dma_wait3A_135 = tpu.memref_squeeze %dma_wait3A_134 : memref<1x10000x128xf32, #tpu.memory_space<hbm>> -> memref<10000x128xf32, #tpu.memory_space<hbm>>
      %dma_wait3A_136 = arith.constant 0 : i32
      %dma_wait3A_137 = arith.constant 0 : i32
      %dma_wait3A_138 = tpu.memref_slice %dma_wait3A_135[%dma_wait3A_136, %dma_wait3A_137] : memref<10000x128xf32, #tpu.memory_space<hbm>> -> memref<10000x128xf32, #tpu.memory_space<hbm>>
      tpu.wait_indirect_dma semaphore(%arg14 : memref<!tpu.dma_semaphore, #tpu.memory_space<semaphore_mem>>) src(%dma_wait3A_138 : memref<10000x128xf32, #tpu.memory_space<hbm>>) dst(%arg9 : memref<128x128xf32, #tpu.memory_space<vmem>>)
      "tpu.region"() ({
        %run_scoped3A_139 = tpu.sem_alloc : memref<!tpu.dma_semaphore, #tpu.memory_space<semaphore_mem>>
        %dma_start3A_140 = arith.constant 0 : i32
        %dma_start3A_141 = arith.constant 0 : i32
        %dma_start3A_142 = tpu.memref_slice %arg13[%dma_start3A_140, %dma_start3A_141] : memref<10112x128xf32, #tpu.memory_space<vmem_shared>> -> memref<10112x128xf32, #tpu.memory_space<vmem_shared>>
        tpu.enqueue_indirect_dma source(%arg9 : memref<128x128xf32, #tpu.memory_space<vmem>>) target(%dma_start3A_142 : memref<10112x128xf32, #tpu.memory_space<vmem_shared>>) offsets(%arg8 : memref<128xi32, #tpu.memory_space<vmem>>) semaphore(%run_scoped3A_139 : memref<!tpu.dma_semaphore, #tpu.memory_space<semaphore_mem>>) {add = true}
        %dma_wait3A_143 = arith.constant 0 : i32
        %dma_wait3A_144 = arith.constant 0 : i32
        %dma_wait3A_145 = tpu.memref_slice %arg13[%dma_wait3A_143, %dma_wait3A_144] : memref<10112x128xf32, #tpu.memory_space<vmem_shared>> -> memref<10112x128xf32, #tpu.memory_space<vmem_shared>>
        tpu.wait_indirect_dma semaphore(%run_scoped3A_139 : memref<!tpu.dma_semaphore, #tpu.memory_space<semaphore_mem>>) src(%arg9 : memref<128x128xf32, #tpu.memory_space<vmem>>) dst(%dma_wait3A_145 : memref<10112x128xf32, #tpu.memory_space<vmem_shared>>)
        tpu.yield
      }) : () -> ()
    }
    %scan3A_65 = arith.constant 39 : i32
    %add3A_66 = arith.constant 4992 : i32
    %add3A_67 = arith.addi %mul3A_2, %add3A_66 : i32
    "tpu.region"() ({
      %run_scoped3A_119 = tpu.sem_alloc : memref<!tpu.dma_semaphore, #tpu.memory_space<semaphore_mem>>
      %dma_start3A_120 = tpu.memref_slice %arg3[%add3A_67] : memref<160000xi32, #tpu.memory_space<hbm>> -> memref<8xi32, #tpu.memory_space<hbm>>
      %dma_start3A_121 = tpu.memref_slice %arg3[%add3A_67] : memref<160000xi32, #tpu.memory_space<hbm>> -> memref<8xi32, #tpu.memory_space<hbm>>
      tpu.enqueue_dma source(%dma_start3A_121 : memref<8xi32, #tpu.memory_space<hbm>>) target(%arg10 : memref<8xi32, #tpu.memory_space<vmem>>) target_semaphore(%run_scoped3A_119 : memref<!tpu.dma_semaphore, #tpu.memory_space<semaphore_mem>>)
      %dma_wait3A_122 = tpu.memref_slice %arg3[%add3A_67] : memref<160000xi32, #tpu.memory_space<hbm>> -> memref<8xi32, #tpu.memory_space<hbm>>
      %dma_wait3A_123 = tpu.memref_slice %arg3[%add3A_67] : memref<160000xi32, #tpu.memory_space<hbm>> -> memref<8xi32, #tpu.memory_space<hbm>>
      tpu.wait_dma2 semaphore(%run_scoped3A_119 : memref<!tpu.dma_semaphore, #tpu.memory_space<semaphore_mem>>) src(%dma_wait3A_123 : memref<8xi32, #tpu.memory_space<hbm>>) dst(%arg10 : memref<8xi32, #tpu.memory_space<vmem>>)
      tpu.yield
    }) : () -> ()
    "tpu.region"() ({
      %run_scoped3A_119 = tpu.sem_alloc : memref<!tpu.dma_semaphore, #tpu.memory_space<semaphore_mem>>
      %dma_start3A_120 = tpu.memref_slice %arg4[%add3A_67] : memref<160000xi32, #tpu.memory_space<hbm>> -> memref<8xi32, #tpu.memory_space<hbm>>
      %dma_start3A_121 = tpu.memref_slice %arg4[%add3A_67] : memref<160000xi32, #tpu.memory_space<hbm>> -> memref<8xi32, #tpu.memory_space<hbm>>
      tpu.enqueue_dma source(%dma_start3A_121 : memref<8xi32, #tpu.memory_space<hbm>>) target(%arg11 : memref<8xi32, #tpu.memory_space<vmem>>) target_semaphore(%run_scoped3A_119 : memref<!tpu.dma_semaphore, #tpu.memory_space<semaphore_mem>>)
      %dma_wait3A_122 = tpu.memref_slice %arg4[%add3A_67] : memref<160000xi32, #tpu.memory_space<hbm>> -> memref<8xi32, #tpu.memory_space<hbm>>
      %dma_wait3A_123 = tpu.memref_slice %arg4[%add3A_67] : memref<160000xi32, #tpu.memory_space<hbm>> -> memref<8xi32, #tpu.memory_space<hbm>>
      tpu.wait_dma2 semaphore(%run_scoped3A_119 : memref<!tpu.dma_semaphore, #tpu.memory_space<semaphore_mem>>) src(%dma_wait3A_123 : memref<8xi32, #tpu.memory_space<hbm>>) dst(%arg11 : memref<8xi32, #tpu.memory_space<vmem>>)
      tpu.yield
    }) : () -> ()
    %dma_start3A_68 = arith.constant 2 : i32
    %dma_start3A_69 = arith.constant 0 : i32
    %dma_start3A_70 = arith.constant 0 : i32
    %dma_start3A_71 = tpu.memref_slice %arg2[%dma_start3A_68, %dma_start3A_69, %dma_start3A_70] : memref<4x10000x128xf32, #tpu.memory_space<hbm>> -> memref<1x10000x128xf32, #tpu.memory_space<hbm>>
    %dma_start3A_72 = tpu.memref_squeeze %dma_start3A_71 : memref<1x10000x128xf32, #tpu.memory_space<hbm>> -> memref<10000x128xf32, #tpu.memory_space<hbm>>
    %dma_start3A_73 = arith.constant 0 : i32
    %dma_start3A_74 = arith.constant 0 : i32
    %dma_start3A_75 = tpu.memref_slice %dma_start3A_72[%dma_start3A_73, %dma_start3A_74] : memref<10000x128xf32, #tpu.memory_space<hbm>> -> memref<10000x128xf32, #tpu.memory_space<hbm>>
    tpu.enqueue_indirect_dma source(%dma_start3A_75 : memref<10000x128xf32, #tpu.memory_space<hbm>>) target(%arg12 : memref<8x128xf32, #tpu.memory_space<vmem>>) offsets(%arg10 : memref<8xi32, #tpu.memory_space<vmem>>) semaphore(%arg14 : memref<!tpu.dma_semaphore, #tpu.memory_space<semaphore_mem>>)
    %dma_wait3A_76 = arith.constant 2 : i32
    %dma_wait3A_77 = arith.constant 0 : i32
    %dma_wait3A_78 = arith.constant 0 : i32
    %dma_wait3A_79 = tpu.memref_slice %arg2[%dma_wait3A_76, %dma_wait3A_77, %dma_wait3A_78] : memref<4x10000x128xf32, #tpu.memory_space<hbm>> -> memref<1x10000x128xf32, #tpu.memory_space<hbm>>
    %dma_wait3A_80 = tpu.memref_squeeze %dma_wait3A_79 : memref<1x10000x128xf32, #tpu.memory_space<hbm>> -> memref<10000x128xf32, #tpu.memory_space<hbm>>
    %dma_wait3A_81 = arith.constant 0 : i32
    %dma_wait3A_82 = arith.constant 0 : i32
    %dma_wait3A_83 = tpu.memref_slice %dma_wait3A_80[%dma_wait3A_81, %dma_wait3A_82] : memref<10000x128xf32, #tpu.memory_space<hbm>> -> memref<10000x128xf32, #tpu.memory_space<hbm>>
    tpu.wait_indirect_dma semaphore(%arg14 : memref<!tpu.dma_semaphore, #tpu.memory_space<semaphore_mem>>) src(%dma_wait3A_83 : memref<10000x128xf32, #tpu.memory_space<hbm>>) dst(%arg12 : memref<8x128xf32, #tpu.memory_space<vmem>>)
    "tpu.region"() ({
      %run_scoped3A_119 = tpu.sem_alloc : memref<!tpu.dma_semaphore, #tpu.memory_space<semaphore_mem>>
      %dma_start3A_120 = arith.constant 0 : i32
      %dma_start3A_121 = arith.constant 0 : i32
      %dma_start3A_122 = tpu.memref_slice %arg13[%dma_start3A_120, %dma_start3A_121] : memref<10112x128xf32, #tpu.memory_space<vmem_shared>> -> memref<10112x128xf32, #tpu.memory_space<vmem_shared>>
      tpu.enqueue_indirect_dma source(%arg12 : memref<8x128xf32, #tpu.memory_space<vmem>>) target(%dma_start3A_122 : memref<10112x128xf32, #tpu.memory_space<vmem_shared>>) offsets(%arg11 : memref<8xi32, #tpu.memory_space<vmem>>) semaphore(%run_scoped3A_119 : memref<!tpu.dma_semaphore, #tpu.memory_space<semaphore_mem>>) {add = true}
      %dma_wait3A_123 = arith.constant 0 : i32
      %dma_wait3A_124 = arith.constant 0 : i32
      %dma_wait3A_125 = tpu.memref_slice %arg13[%dma_wait3A_123, %dma_wait3A_124] : memref<10112x128xf32, #tpu.memory_space<vmem_shared>> -> memref<10112x128xf32, #tpu.memory_space<vmem_shared>>
      tpu.wait_indirect_dma semaphore(%run_scoped3A_119 : memref<!tpu.dma_semaphore, #tpu.memory_space<semaphore_mem>>) src(%arg12 : memref<8x128xf32, #tpu.memory_space<vmem>>) dst(%dma_wait3A_125 : memref<10112x128xf32, #tpu.memory_space<vmem_shared>>)
      tpu.yield
    }) : () -> ()
    %barrier3A_84 = arith.constant 0 : index
    tpu.barrier barrier_id(%barrier3A_84)
    %delay3A_85 = arith.constant 1024 : i32
    tpu.delay %delay3A_85
    %barrier3A_86 = arith.constant 0 : index
    tpu.barrier barrier_id(%barrier3A_86)
    %run_scoped3A_87 = arith.constant 2 : i32
    "tpu.region"() ({
      %run_scoped3A_119 = tpu.sem_alloc : memref<!tpu.dma_semaphore, #tpu.memory_space<semaphore_mem>>
      %dma_start3A_120 = arith.constant 0 : i32
      %dma_start3A_121 = tpu.memref_slice %arg6[%run_scoped3A_87, %arg0, %mul3A_4, %dma_start3A_120] : memref<4x2x10112x128xf32, #tpu.memory_space<hbm>> -> memref<1x1x632x128xf32, #tpu.memory_space<hbm>>
      %dma_start3A_122 = tpu.memref_squeeze %dma_start3A_121 : memref<1x1x632x128xf32, #tpu.memory_space<hbm>> -> memref<632x128xf32, #tpu.memory_space<hbm>>
      %dma_start3A_123 = arith.constant 0 : i32
      %dma_start3A_124 = tpu.memref_slice %arg13[%mul3A_4, %dma_start3A_123] : memref<10112x128xf32, #tpu.memory_space<vmem_shared>> -> memref<632x128xf32, #tpu.memory_space<vmem_shared>>
      tpu.enqueue_dma source(%dma_start3A_124 : memref<632x128xf32, #tpu.memory_space<vmem_shared>>) target(%dma_start3A_122 : memref<632x128xf32, #tpu.memory_space<hbm>>) target_semaphore(%run_scoped3A_119 : memref<!tpu.dma_semaphore, #tpu.memory_space<semaphore_mem>>)
      %dma_wait3A_125 = arith.constant 0 : i32
      %dma_wait3A_126 = tpu.memref_slice %arg6[%run_scoped3A_87, %arg0, %mul3A_4, %dma_wait3A_125] : memref<4x2x10112x128xf32, #tpu.memory_space<hbm>> -> memref<1x1x632x128xf32, #tpu.memory_space<hbm>>
      %dma_wait3A_127 = tpu.memref_squeeze %dma_wait3A_126 : memref<1x1x632x128xf32, #tpu.memory_space<hbm>> -> memref<632x128xf32, #tpu.memory_space<hbm>>
      %dma_wait3A_128 = arith.constant 0 : i32
      %dma_wait3A_129 = tpu.memref_slice %arg13[%mul3A_4, %dma_wait3A_128] : memref<10112x128xf32, #tpu.memory_space<vmem_shared>> -> memref<632x128xf32, #tpu.memory_space<vmem_shared>>
      tpu.wait_dma2 semaphore(%run_scoped3A_119 : memref<!tpu.dma_semaphore, #tpu.memory_space<semaphore_mem>>) src(%dma_wait3A_129 : memref<632x128xf32, #tpu.memory_space<vmem_shared>>) dst(%dma_wait3A_127 : memref<632x128xf32, #tpu.memory_space<hbm>>)
      tpu.yield
    }) : () -> ()
    %barrier3A_88 = arith.constant 0 : index
    tpu.barrier barrier_id(%barrier3A_88)
    "tpu.region"() ({
      %run_scoped3A_119 = tpu.sem_alloc : memref<!tpu.dma_semaphore, #tpu.memory_space<semaphore_mem>>
      %dma_start3A_120 = arith.constant 0 : i32
      %dma_start3A_121 = tpu.memref_slice %arg13[%mul3A_4, %dma_start3A_120] : memref<10112x128xf32, #tpu.memory_space<vmem_shared>> -> memref<632x128xf32, #tpu.memory_space<vmem_shared>>
      tpu.enqueue_dma source(%arg5 : memref<632x128xf32, #tpu.memory_space<hbm>>) target(%dma_start3A_121 : memref<632x128xf32, #tpu.memory_space<vmem_shared>>) target_semaphore(%run_scoped3A_119 : memref<!tpu.dma_semaphore, #tpu.memory_space<semaphore_mem>>)
      %dma_wait3A_122 = arith.constant 0 : i32
      %dma_wait3A_123 = tpu.memref_slice %arg13[%mul3A_4, %dma_wait3A_122] : memref<10112x128xf32, #tpu.memory_space<vmem_shared>> -> memref<632x128xf32, #tpu.memory_space<vmem_shared>>
      tpu.wait_dma2 semaphore(%run_scoped3A_119 : memref<!tpu.dma_semaphore, #tpu.memory_space<semaphore_mem>>) src(%arg5 : memref<632x128xf32, #tpu.memory_space<hbm>>) dst(%dma_wait3A_123 : memref<632x128xf32, #tpu.memory_space<vmem_shared>>)
      tpu.yield
    }) : () -> ()
    %barrier3A_89 = arith.constant 0 : index
    tpu.barrier barrier_id(%barrier3A_89)
    %scan3A_90 = arith.constant 0 : i32
    %scan3A_91 = arith.constant 0 : i32
    %scan3A_92 = arith.constant 39 : i32
    %scan3A_93 = arith.addi %scan3A_91, %scan3A_92 : i32
    %scan3A_94 = arith.constant 1 : i32
    scf.for %scan3A_119 = %scan3A_91 to %scan3A_93 step %scan3A_94  : i32 {
      %mul3A_120 = arith.constant 128 : i32
      %mul3A_121 = arith.muli %scan3A_119, %mul3A_120 : i32
      %add3A_122 = arith.addi %mul3A_2, %mul3A_121 : i32
      "tpu.region"() ({
        %run_scoped3A_139 = tpu.sem_alloc : memref<!tpu.dma_semaphore, #tpu.memory_space<semaphore_mem>>
        %dma_start3A_140 = tpu.memref_slice %arg3[%add3A_122] : memref<160000xi32, #tpu.memory_space<hbm>> -> memref<128xi32, #tpu.memory_space<hbm>>
        %dma_start3A_141 = tpu.memref_slice %arg3[%add3A_122] : memref<160000xi32, #tpu.memory_space<hbm>> -> memref<128xi32, #tpu.memory_space<hbm>>
        tpu.enqueue_dma source(%dma_start3A_141 : memref<128xi32, #tpu.memory_space<hbm>>) target(%arg7 : memref<128xi32, #tpu.memory_space<vmem>>) target_semaphore(%run_scoped3A_139 : memref<!tpu.dma_semaphore, #tpu.memory_space<semaphore_mem>>)
        %dma_wait3A_142 = tpu.memref_slice %arg3[%add3A_122] : memref<160000xi32, #tpu.memory_space<hbm>> -> memref<128xi32, #tpu.memory_space<hbm>>
        %dma_wait3A_143 = tpu.memref_slice %arg3[%add3A_122] : memref<160000xi32, #tpu.memory_space<hbm>> -> memref<128xi32, #tpu.memory_space<hbm>>
        tpu.wait_dma2 semaphore(%run_scoped3A_139 : memref<!tpu.dma_semaphore, #tpu.memory_space<semaphore_mem>>) src(%dma_wait3A_143 : memref<128xi32, #tpu.memory_space<hbm>>) dst(%arg7 : memref<128xi32, #tpu.memory_space<vmem>>)
        tpu.yield
      }) : () -> ()
      "tpu.region"() ({
        %run_scoped3A_139 = tpu.sem_alloc : memref<!tpu.dma_semaphore, #tpu.memory_space<semaphore_mem>>
        %dma_start3A_140 = tpu.memref_slice %arg4[%add3A_122] : memref<160000xi32, #tpu.memory_space<hbm>> -> memref<128xi32, #tpu.memory_space<hbm>>
        %dma_start3A_141 = tpu.memref_slice %arg4[%add3A_122] : memref<160000xi32, #tpu.memory_space<hbm>> -> memref<128xi32, #tpu.memory_space<hbm>>
        tpu.enqueue_dma source(%dma_start3A_141 : memref<128xi32, #tpu.memory_space<hbm>>) target(%arg8 : memref<128xi32, #tpu.memory_space<vmem>>) target_semaphore(%run_scoped3A_139 : memref<!tpu.dma_semaphore, #tpu.memory_space<semaphore_mem>>)
        %dma_wait3A_142 = tpu.memref_slice %arg4[%add3A_122] : memref<160000xi32, #tpu.memory_space<hbm>> -> memref<128xi32, #tpu.memory_space<hbm>>
        %dma_wait3A_143 = tpu.memref_slice %arg4[%add3A_122] : memref<160000xi32, #tpu.memory_space<hbm>> -> memref<128xi32, #tpu.memory_space<hbm>>
        tpu.wait_dma2 semaphore(%run_scoped3A_139 : memref<!tpu.dma_semaphore, #tpu.memory_space<semaphore_mem>>) src(%dma_wait3A_143 : memref<128xi32, #tpu.memory_space<hbm>>) dst(%arg8 : memref<128xi32, #tpu.memory_space<vmem>>)
        tpu.yield
      }) : () -> ()
      %dma_start3A_123 = arith.constant 3 : i32
      %dma_start3A_124 = arith.constant 0 : i32
      %dma_start3A_125 = arith.constant 0 : i32
      %dma_start3A_126 = tpu.memref_slice %arg2[%dma_start3A_123, %dma_start3A_124, %dma_start3A_125] : memref<4x10000x128xf32, #tpu.memory_space<hbm>> -> memref<1x10000x128xf32, #tpu.memory_space<hbm>>
      %dma_start3A_127 = tpu.memref_squeeze %dma_start3A_126 : memref<1x10000x128xf32, #tpu.memory_space<hbm>> -> memref<10000x128xf32, #tpu.memory_space<hbm>>
      %dma_start3A_128 = arith.constant 0 : i32
      %dma_start3A_129 = arith.constant 0 : i32
      %dma_start3A_130 = tpu.memref_slice %dma_start3A_127[%dma_start3A_128, %dma_start3A_129] : memref<10000x128xf32, #tpu.memory_space<hbm>> -> memref<10000x128xf32, #tpu.memory_space<hbm>>
      tpu.enqueue_indirect_dma source(%dma_start3A_130 : memref<10000x128xf32, #tpu.memory_space<hbm>>) target(%arg9 : memref<128x128xf32, #tpu.memory_space<vmem>>) offsets(%arg7 : memref<128xi32, #tpu.memory_space<vmem>>) semaphore(%arg14 : memref<!tpu.dma_semaphore, #tpu.memory_space<semaphore_mem>>)
      %dma_wait3A_131 = arith.constant 3 : i32
      %dma_wait3A_132 = arith.constant 0 : i32
      %dma_wait3A_133 = arith.constant 0 : i32
      %dma_wait3A_134 = tpu.memref_slice %arg2[%dma_wait3A_131, %dma_wait3A_132, %dma_wait3A_133] : memref<4x10000x128xf32, #tpu.memory_space<hbm>> -> memref<1x10000x128xf32, #tpu.memory_space<hbm>>
      %dma_wait3A_135 = tpu.memref_squeeze %dma_wait3A_134 : memref<1x10000x128xf32, #tpu.memory_space<hbm>> -> memref<10000x128xf32, #tpu.memory_space<hbm>>
      %dma_wait3A_136 = arith.constant 0 : i32
      %dma_wait3A_137 = arith.constant 0 : i32
      %dma_wait3A_138 = tpu.memref_slice %dma_wait3A_135[%dma_wait3A_136, %dma_wait3A_137] : memref<10000x128xf32, #tpu.memory_space<hbm>> -> memref<10000x128xf32, #tpu.memory_space<hbm>>
      tpu.wait_indirect_dma semaphore(%arg14 : memref<!tpu.dma_semaphore, #tpu.memory_space<semaphore_mem>>) src(%dma_wait3A_138 : memref<10000x128xf32, #tpu.memory_space<hbm>>) dst(%arg9 : memref<128x128xf32, #tpu.memory_space<vmem>>)
      "tpu.region"() ({
        %run_scoped3A_139 = tpu.sem_alloc : memref<!tpu.dma_semaphore, #tpu.memory_space<semaphore_mem>>
        %dma_start3A_140 = arith.constant 0 : i32
        %dma_start3A_141 = arith.constant 0 : i32
        %dma_start3A_142 = tpu.memref_slice %arg13[%dma_start3A_140, %dma_start3A_141] : memref<10112x128xf32, #tpu.memory_space<vmem_shared>> -> memref<10112x128xf32, #tpu.memory_space<vmem_shared>>
        tpu.enqueue_indirect_dma source(%arg9 : memref<128x128xf32, #tpu.memory_space<vmem>>) target(%dma_start3A_142 : memref<10112x128xf32, #tpu.memory_space<vmem_shared>>) offsets(%arg8 : memref<128xi32, #tpu.memory_space<vmem>>) semaphore(%run_scoped3A_139 : memref<!tpu.dma_semaphore, #tpu.memory_space<semaphore_mem>>) {add = true}
        %dma_wait3A_143 = arith.constant 0 : i32
        %dma_wait3A_144 = arith.constant 0 : i32
        %dma_wait3A_145 = tpu.memref_slice %arg13[%dma_wait3A_143, %dma_wait3A_144] : memref<10112x128xf32, #tpu.memory_space<vmem_shared>> -> memref<10112x128xf32, #tpu.memory_space<vmem_shared>>
        tpu.wait_indirect_dma semaphore(%run_scoped3A_139 : memref<!tpu.dma_semaphore, #tpu.memory_space<semaphore_mem>>) src(%arg9 : memref<128x128xf32, #tpu.memory_space<vmem>>) dst(%dma_wait3A_145 : memref<10112x128xf32, #tpu.memory_space<vmem_shared>>)
        tpu.yield
      }) : () -> ()
    }
    %scan3A_95 = arith.constant 39 : i32
    %add3A_96 = arith.constant 4992 : i32
    %add3A_97 = arith.addi %mul3A_2, %add3A_96 : i32
    "tpu.region"() ({
      %run_scoped3A_119 = tpu.sem_alloc : memref<!tpu.dma_semaphore, #tpu.memory_space<semaphore_mem>>
      %dma_start3A_120 = tpu.memref_slice %arg3[%add3A_97] : memref<160000xi32, #tpu.memory_space<hbm>> -> memref<8xi32, #tpu.memory_space<hbm>>
      %dma_start3A_121 = tpu.memref_slice %arg3[%add3A_97] : memref<160000xi32, #tpu.memory_space<hbm>> -> memref<8xi32, #tpu.memory_space<hbm>>
      tpu.enqueue_dma source(%dma_start3A_121 : memref<8xi32, #tpu.memory_space<hbm>>) target(%arg10 : memref<8xi32, #tpu.memory_space<vmem>>) target_semaphore(%run_scoped3A_119 : memref<!tpu.dma_semaphore, #tpu.memory_space<semaphore_mem>>)
      %dma_wait3A_122 = tpu.memref_slice %arg3[%add3A_97] : memref<160000xi32, #tpu.memory_space<hbm>> -> memref<8xi32, #tpu.memory_space<hbm>>
      %dma_wait3A_123 = tpu.memref_slice %arg3[%add3A_97] : memref<160000xi32, #tpu.memory_space<hbm>> -> memref<8xi32, #tpu.memory_space<hbm>>
      tpu.wait_dma2 semaphore(%run_scoped3A_119 : memref<!tpu.dma_semaphore, #tpu.memory_space<semaphore_mem>>) src(%dma_wait3A_123 : memref<8xi32, #tpu.memory_space<hbm>>) dst(%arg10 : memref<8xi32, #tpu.memory_space<vmem>>)
      tpu.yield
    }) : () -> ()
    "tpu.region"() ({
      %run_scoped3A_119 = tpu.sem_alloc : memref<!tpu.dma_semaphore, #tpu.memory_space<semaphore_mem>>
      %dma_start3A_120 = tpu.memref_slice %arg4[%add3A_97] : memref<160000xi32, #tpu.memory_space<hbm>> -> memref<8xi32, #tpu.memory_space<hbm>>
      %dma_start3A_121 = tpu.memref_slice %arg4[%add3A_97] : memref<160000xi32, #tpu.memory_space<hbm>> -> memref<8xi32, #tpu.memory_space<hbm>>
      tpu.enqueue_dma source(%dma_start3A_121 : memref<8xi32, #tpu.memory_space<hbm>>) target(%arg11 : memref<8xi32, #tpu.memory_space<vmem>>) target_semaphore(%run_scoped3A_119 : memref<!tpu.dma_semaphore, #tpu.memory_space<semaphore_mem>>)
      %dma_wait3A_122 = tpu.memref_slice %arg4[%add3A_97] : memref<160000xi32, #tpu.memory_space<hbm>> -> memref<8xi32, #tpu.memory_space<hbm>>
      %dma_wait3A_123 = tpu.memref_slice %arg4[%add3A_97] : memref<160000xi32, #tpu.memory_space<hbm>> -> memref<8xi32, #tpu.memory_space<hbm>>
      tpu.wait_dma2 semaphore(%run_scoped3A_119 : memref<!tpu.dma_semaphore, #tpu.memory_space<semaphore_mem>>) src(%dma_wait3A_123 : memref<8xi32, #tpu.memory_space<hbm>>) dst(%arg11 : memref<8xi32, #tpu.memory_space<vmem>>)
      tpu.yield
    }) : () -> ()
    %dma_start3A_98 = arith.constant 3 : i32
    %dma_start3A_99 = arith.constant 0 : i32
    %dma_start3A_100 = arith.constant 0 : i32
    %dma_start3A_101 = tpu.memref_slice %arg2[%dma_start3A_98, %dma_start3A_99, %dma_start3A_100] : memref<4x10000x128xf32, #tpu.memory_space<hbm>> -> memref<1x10000x128xf32, #tpu.memory_space<hbm>>
    %dma_start3A_102 = tpu.memref_squeeze %dma_start3A_101 : memref<1x10000x128xf32, #tpu.memory_space<hbm>> -> memref<10000x128xf32, #tpu.memory_space<hbm>>
    %dma_start3A_103 = arith.constant 0 : i32
    %dma_start3A_104 = arith.constant 0 : i32
    %dma_start3A_105 = tpu.memref_slice %dma_start3A_102[%dma_start3A_103, %dma_start3A_104] : memref<10000x128xf32, #tpu.memory_space<hbm>> -> memref<10000x128xf32, #tpu.memory_space<hbm>>
    tpu.enqueue_indirect_dma source(%dma_start3A_105 : memref<10000x128xf32, #tpu.memory_space<hbm>>) target(%arg12 : memref<8x128xf32, #tpu.memory_space<vmem>>) offsets(%arg10 : memref<8xi32, #tpu.memory_space<vmem>>) semaphore(%arg14 : memref<!tpu.dma_semaphore, #tpu.memory_space<semaphore_mem>>)
    %dma_wait3A_106 = arith.constant 3 : i32
    %dma_wait3A_107 = arith.constant 0 : i32
    %dma_wait3A_108 = arith.constant 0 : i32
    %dma_wait3A_109 = tpu.memref_slice %arg2[%dma_wait3A_106, %dma_wait3A_107, %dma_wait3A_108] : memref<4x10000x128xf32, #tpu.memory_space<hbm>> -> memref<1x10000x128xf32, #tpu.memory_space<hbm>>
    %dma_wait3A_110 = tpu.memref_squeeze %dma_wait3A_109 : memref<1x10000x128xf32, #tpu.memory_space<hbm>> -> memref<10000x128xf32, #tpu.memory_space<hbm>>
    %dma_wait3A_111 = arith.constant 0 : i32
    %dma_wait3A_112 = arith.constant 0 : i32
    %dma_wait3A_113 = tpu.memref_slice %dma_wait3A_110[%dma_wait3A_111, %dma_wait3A_112] : memref<10000x128xf32, #tpu.memory_space<hbm>> -> memref<10000x128xf32, #tpu.memory_space<hbm>>
    tpu.wait_indirect_dma semaphore(%arg14 : memref<!tpu.dma_semaphore, #tpu.memory_space<semaphore_mem>>) src(%dma_wait3A_113 : memref<10000x128xf32, #tpu.memory_space<hbm>>) dst(%arg12 : memref<8x128xf32, #tpu.memory_space<vmem>>)
    "tpu.region"() ({
      %run_scoped3A_119 = tpu.sem_alloc : memref<!tpu.dma_semaphore, #tpu.memory_space<semaphore_mem>>
      %dma_start3A_120 = arith.constant 0 : i32
      %dma_start3A_121 = arith.constant 0 : i32
      %dma_start3A_122 = tpu.memref_slice %arg13[%dma_start3A_120, %dma_start3A_121] : memref<10112x128xf32, #tpu.memory_space<vmem_shared>> -> memref<10112x128xf32, #tpu.memory_space<vmem_shared>>
      tpu.enqueue_indirect_dma source(%arg12 : memref<8x128xf32, #tpu.memory_space<vmem>>) target(%dma_start3A_122 : memref<10112x128xf32, #tpu.memory_space<vmem_shared>>) offsets(%arg11 : memref<8xi32, #tpu.memory_space<vmem>>) semaphore(%run_scoped3A_119 : memref<!tpu.dma_semaphore, #tpu.memory_space<semaphore_mem>>) {add = true}
      %dma_wait3A_123 = arith.constant 0 : i32
      %dma_wait3A_124 = arith.constant 0 : i32
      %dma_wait3A_125 = tpu.memref_slice %arg13[%dma_wait3A_123, %dma_wait3A_124] : memref<10112x128xf32, #tpu.memory_space<vmem_shared>> -> memref<10112x128xf32, #tpu.memory_space<vmem_shared>>
      tpu.wait_indirect_dma semaphore(%run_scoped3A_119 : memref<!tpu.dma_semaphore, #tpu.memory_space<semaphore_mem>>) src(%arg12 : memref<8x128xf32, #tpu.memory_space<vmem>>) dst(%dma_wait3A_125 : memref<10112x128xf32, #tpu.memory_space<vmem_shared>>)
      tpu.yield
    }) : () -> ()
    %barrier3A_114 = arith.constant 0 : index
    tpu.barrier barrier_id(%barrier3A_114)
    %delay3A_115 = arith.constant 1024 : i32
    tpu.delay %delay3A_115
    %barrier3A_116 = arith.constant 0 : index
    tpu.barrier barrier_id(%barrier3A_116)
    %run_scoped3A_117 = arith.constant 3 : i32
    "tpu.region"() ({
      %run_scoped3A_119 = tpu.sem_alloc : memref<!tpu.dma_semaphore, #tpu.memory_space<semaphore_mem>>
      %dma_start3A_120 = arith.constant 0 : i32
      %dma_start3A_121 = tpu.memref_slice %arg6[%run_scoped3A_117, %arg0, %mul3A_4, %dma_start3A_120] : memref<4x2x10112x128xf32, #tpu.memory_space<hbm>> -> memref<1x1x632x128xf32, #tpu.memory_space<hbm>>
      %dma_start3A_122 = tpu.memref_squeeze %dma_start3A_121 : memref<1x1x632x128xf32, #tpu.memory_space<hbm>> -> memref<632x128xf32, #tpu.memory_space<hbm>>
      %dma_start3A_123 = arith.constant 0 : i32
      %dma_start3A_124 = tpu.memref_slice %arg13[%mul3A_4, %dma_start3A_123] : memref<10112x128xf32, #tpu.memory_space<vmem_shared>> -> memref<632x128xf32, #tpu.memory_space<vmem_shared>>
      tpu.enqueue_dma source(%dma_start3A_124 : memref<632x128xf32, #tpu.memory_space<vmem_shared>>) target(%dma_start3A_122 : memref<632x128xf32, #tpu.memory_space<hbm>>) target_semaphore(%run_scoped3A_119 : memref<!tpu.dma_semaphore, #tpu.memory_space<semaphore_mem>>)
      %dma_wait3A_125 = arith.constant 0 : i32
      %dma_wait3A_126 = tpu.memref_slice %arg6[%run_scoped3A_117, %arg0, %mul3A_4, %dma_wait3A_125] : memref<4x2x10112x128xf32, #tpu.memory_space<hbm>> -> memref<1x1x632x128xf32, #tpu.memory_space<hbm>>
      %dma_wait3A_127 = tpu.memref_squeeze %dma_wait3A_126 : memref<1x1x632x128xf32, #tpu.memory_space<hbm>> -> memref<632x128xf32, #tpu.memory_space<hbm>>
      %dma_wait3A_128 = arith.constant 0 : i32
      %dma_wait3A_129 = tpu.memref_slice %arg13[%mul3A_4, %dma_wait3A_128] : memref<10112x128xf32, #tpu.memory_space<vmem_shared>> -> memref<632x128xf32, #tpu.memory_space<vmem_shared>>
      tpu.wait_dma2 semaphore(%run_scoped3A_119 : memref<!tpu.dma_semaphore, #tpu.memory_space<semaphore_mem>>) src(%dma_wait3A_129 : memref<632x128xf32, #tpu.memory_space<vmem_shared>>) dst(%dma_wait3A_127 : memref<632x128xf32, #tpu.memory_space<hbm>>)
      tpu.yield
    }) : () -> ()
    %barrier3A_118 = arith.constant 0 : index
    tpu.barrier barrier_id(%barrier3A_118)
    return
  }
}

#map = affine_map<(d0, d1) -> (0, 0, 0)>
#map1 = affine_map<(d0, d1) -> (0)>
#map2 = affine_map<(d0, d1) -> (0, 0)>
#map3 = affine_map<(d0, d1) -> (0, 0, 0, 0)>
module attributes {stable_mosaic.version = 14 : i64} {
  func.func @k(%arg0: i32, %arg1: i32, %arg2: memref<2x10000x128xf32, #tpu.memory_space<hbm>>, %arg3: memref<160000xi32, #tpu.memory_space<hbm>>, %arg4: memref<160000xi32, #tpu.memory_space<hbm>>, %arg5: memref<632x128xf32, #tpu.memory_space<hbm>>, %arg6: memref<2x2x10112x128xf32, #tpu.memory_space<hbm>>, %arg7: memref<128xi32, #tpu.memory_space<vmem>>, %arg8: memref<128xi32, #tpu.memory_space<vmem>>, %arg9: memref<128x128xf32, #tpu.memory_space<vmem>>, %arg10: memref<8xi32, #tpu.memory_space<vmem>>, %arg11: memref<8xi32, #tpu.memory_space<vmem>>, %arg12: memref<8x128xf32, #tpu.memory_space<vmem>>, %arg13: memref<10112x128xf32, #tpu.memory_space<vmem_shared>>, %arg14: memref<!tpu.dma_semaphore, #tpu.memory_space<semaphore_mem>>) attributes {dimension_semantics = [#tpu.dimension_semantics<core_parallel>, #tpu.dimension_semantics<subcore_parallel>], iteration_bounds = array<i64: 2, 16>, scalar_prefetch = 0 : i64, scratch_operands = 8 : i64, tpu.core_type = #tpu.core_type<sc_vector_subcore>, window_params = [{transform_indices = #map}, {transform_indices = #map1}, {transform_indices = #map1}, {transform_indices = #map2}, {transform_indices = #map3}]} {
    %mul3A = arith.constant 2 : i32
    %mul3A_0 = arith.muli %arg1, %mul3A : i32
    %add3A = arith.addi %mul3A_0, %arg0 : i32
    %mul3A_1 = arith.constant 5000 : i32
    %mul3A_2 = arith.muli %add3A, %mul3A_1 : i32
    %mul3A_3 = arith.constant 632 : i32
    %mul3A_4 = arith.muli %arg1, %mul3A_3 : i32
    "tpu.region"() ({
      %run_scoped3A_59 = tpu.sem_alloc : memref<!tpu.dma_semaphore, #tpu.memory_space<semaphore_mem>>
      %dma_start3A_60 = arith.constant 0 : i32
      %dma_start3A_61 = tpu.memref_slice %arg13[%mul3A_4, %dma_start3A_60] : memref<10112x128xf32, #tpu.memory_space<vmem_shared>> -> memref<632x128xf32, #tpu.memory_space<vmem_shared>>
      tpu.enqueue_dma source(%arg5 : memref<632x128xf32, #tpu.memory_space<hbm>>) target(%dma_start3A_61 : memref<632x128xf32, #tpu.memory_space<vmem_shared>>) target_semaphore(%run_scoped3A_59 : memref<!tpu.dma_semaphore, #tpu.memory_space<semaphore_mem>>)
      %dma_wait3A_62 = arith.constant 0 : i32
      %dma_wait3A_63 = tpu.memref_slice %arg13[%mul3A_4, %dma_wait3A_62] : memref<10112x128xf32, #tpu.memory_space<vmem_shared>> -> memref<632x128xf32, #tpu.memory_space<vmem_shared>>
      tpu.wait_dma2 semaphore(%run_scoped3A_59 : memref<!tpu.dma_semaphore, #tpu.memory_space<semaphore_mem>>) src(%arg5 : memref<632x128xf32, #tpu.memory_space<hbm>>) dst(%dma_wait3A_63 : memref<632x128xf32, #tpu.memory_space<vmem_shared>>)
      tpu.yield
    }) : () -> ()
    %barrier3A = arith.constant 0 : index
    tpu.barrier barrier_id(%barrier3A)
    %scan3A = arith.constant 0 : i32
    %scan3A_5 = arith.constant 0 : i32
    %scan3A_6 = arith.constant 39 : i32
    %scan3A_7 = arith.addi %scan3A_5, %scan3A_6 : i32
    %scan3A_8 = arith.constant 1 : i32
    scf.for %scan3A_59 = %scan3A_5 to %scan3A_7 step %scan3A_8  : i32 {
      %mul3A_60 = arith.constant 128 : i32
      %mul3A_61 = arith.muli %scan3A_59, %mul3A_60 : i32
      %add3A_62 = arith.addi %mul3A_2, %mul3A_61 : i32
      "tpu.region"() ({
        %run_scoped3A_79 = tpu.sem_alloc : memref<!tpu.dma_semaphore, #tpu.memory_space<semaphore_mem>>
        %dma_start3A_80 = tpu.memref_slice %arg3[%add3A_62] : memref<160000xi32, #tpu.memory_space<hbm>> -> memref<128xi32, #tpu.memory_space<hbm>>
        %dma_start3A_81 = tpu.memref_slice %arg3[%add3A_62] : memref<160000xi32, #tpu.memory_space<hbm>> -> memref<128xi32, #tpu.memory_space<hbm>>
        tpu.enqueue_dma source(%dma_start3A_81 : memref<128xi32, #tpu.memory_space<hbm>>) target(%arg7 : memref<128xi32, #tpu.memory_space<vmem>>) target_semaphore(%run_scoped3A_79 : memref<!tpu.dma_semaphore, #tpu.memory_space<semaphore_mem>>)
        %dma_wait3A_82 = tpu.memref_slice %arg3[%add3A_62] : memref<160000xi32, #tpu.memory_space<hbm>> -> memref<128xi32, #tpu.memory_space<hbm>>
        %dma_wait3A_83 = tpu.memref_slice %arg3[%add3A_62] : memref<160000xi32, #tpu.memory_space<hbm>> -> memref<128xi32, #tpu.memory_space<hbm>>
        tpu.wait_dma2 semaphore(%run_scoped3A_79 : memref<!tpu.dma_semaphore, #tpu.memory_space<semaphore_mem>>) src(%dma_wait3A_83 : memref<128xi32, #tpu.memory_space<hbm>>) dst(%arg7 : memref<128xi32, #tpu.memory_space<vmem>>)
        tpu.yield
      }) : () -> ()
      "tpu.region"() ({
        %run_scoped3A_79 = tpu.sem_alloc : memref<!tpu.dma_semaphore, #tpu.memory_space<semaphore_mem>>
        %dma_start3A_80 = tpu.memref_slice %arg4[%add3A_62] : memref<160000xi32, #tpu.memory_space<hbm>> -> memref<128xi32, #tpu.memory_space<hbm>>
        %dma_start3A_81 = tpu.memref_slice %arg4[%add3A_62] : memref<160000xi32, #tpu.memory_space<hbm>> -> memref<128xi32, #tpu.memory_space<hbm>>
        tpu.enqueue_dma source(%dma_start3A_81 : memref<128xi32, #tpu.memory_space<hbm>>) target(%arg8 : memref<128xi32, #tpu.memory_space<vmem>>) target_semaphore(%run_scoped3A_79 : memref<!tpu.dma_semaphore, #tpu.memory_space<semaphore_mem>>)
        %dma_wait3A_82 = tpu.memref_slice %arg4[%add3A_62] : memref<160000xi32, #tpu.memory_space<hbm>> -> memref<128xi32, #tpu.memory_space<hbm>>
        %dma_wait3A_83 = tpu.memref_slice %arg4[%add3A_62] : memref<160000xi32, #tpu.memory_space<hbm>> -> memref<128xi32, #tpu.memory_space<hbm>>
        tpu.wait_dma2 semaphore(%run_scoped3A_79 : memref<!tpu.dma_semaphore, #tpu.memory_space<semaphore_mem>>) src(%dma_wait3A_83 : memref<128xi32, #tpu.memory_space<hbm>>) dst(%arg8 : memref<128xi32, #tpu.memory_space<vmem>>)
        tpu.yield
      }) : () -> ()
      %dma_start3A_63 = arith.constant 0 : i32
      %dma_start3A_64 = arith.constant 0 : i32
      %dma_start3A_65 = arith.constant 0 : i32
      %dma_start3A_66 = tpu.memref_slice %arg2[%dma_start3A_63, %dma_start3A_64, %dma_start3A_65] : memref<2x10000x128xf32, #tpu.memory_space<hbm>> -> memref<1x10000x128xf32, #tpu.memory_space<hbm>>
      %dma_start3A_67 = tpu.memref_squeeze %dma_start3A_66 : memref<1x10000x128xf32, #tpu.memory_space<hbm>> -> memref<10000x128xf32, #tpu.memory_space<hbm>>
      %dma_start3A_68 = arith.constant 0 : i32
      %dma_start3A_69 = arith.constant 0 : i32
      %dma_start3A_70 = tpu.memref_slice %dma_start3A_67[%dma_start3A_68, %dma_start3A_69] : memref<10000x128xf32, #tpu.memory_space<hbm>> -> memref<10000x128xf32, #tpu.memory_space<hbm>>
      tpu.enqueue_indirect_dma source(%dma_start3A_70 : memref<10000x128xf32, #tpu.memory_space<hbm>>) target(%arg9 : memref<128x128xf32, #tpu.memory_space<vmem>>) offsets(%arg7 : memref<128xi32, #tpu.memory_space<vmem>>) semaphore(%arg14 : memref<!tpu.dma_semaphore, #tpu.memory_space<semaphore_mem>>)
      %dma_wait3A_71 = arith.constant 0 : i32
      %dma_wait3A_72 = arith.constant 0 : i32
      %dma_wait3A_73 = arith.constant 0 : i32
      %dma_wait3A_74 = tpu.memref_slice %arg2[%dma_wait3A_71, %dma_wait3A_72, %dma_wait3A_73] : memref<2x10000x128xf32, #tpu.memory_space<hbm>> -> memref<1x10000x128xf32, #tpu.memory_space<hbm>>
      %dma_wait3A_75 = tpu.memref_squeeze %dma_wait3A_74 : memref<1x10000x128xf32, #tpu.memory_space<hbm>> -> memref<10000x128xf32, #tpu.memory_space<hbm>>
      %dma_wait3A_76 = arith.constant 0 : i32
      %dma_wait3A_77 = arith.constant 0 : i32
      %dma_wait3A_78 = tpu.memref_slice %dma_wait3A_75[%dma_wait3A_76, %dma_wait3A_77] : memref<10000x128xf32, #tpu.memory_space<hbm>> -> memref<10000x128xf32, #tpu.memory_space<hbm>>
      tpu.wait_indirect_dma semaphore(%arg14 : memref<!tpu.dma_semaphore, #tpu.memory_space<semaphore_mem>>) src(%dma_wait3A_78 : memref<10000x128xf32, #tpu.memory_space<hbm>>) dst(%arg9 : memref<128x128xf32, #tpu.memory_space<vmem>>)
      "tpu.region"() ({
        %run_scoped3A_79 = tpu.sem_alloc : memref<!tpu.dma_semaphore, #tpu.memory_space<semaphore_mem>>
        %dma_start3A_80 = arith.constant 0 : i32
        %dma_start3A_81 = arith.constant 0 : i32
        %dma_start3A_82 = tpu.memref_slice %arg13[%dma_start3A_80, %dma_start3A_81] : memref<10112x128xf32, #tpu.memory_space<vmem_shared>> -> memref<10112x128xf32, #tpu.memory_space<vmem_shared>>
        tpu.enqueue_indirect_dma source(%arg9 : memref<128x128xf32, #tpu.memory_space<vmem>>) target(%dma_start3A_82 : memref<10112x128xf32, #tpu.memory_space<vmem_shared>>) offsets(%arg8 : memref<128xi32, #tpu.memory_space<vmem>>) semaphore(%run_scoped3A_79 : memref<!tpu.dma_semaphore, #tpu.memory_space<semaphore_mem>>) {add = true}
        %dma_wait3A_83 = arith.constant 0 : i32
        %dma_wait3A_84 = arith.constant 0 : i32
        %dma_wait3A_85 = tpu.memref_slice %arg13[%dma_wait3A_83, %dma_wait3A_84] : memref<10112x128xf32, #tpu.memory_space<vmem_shared>> -> memref<10112x128xf32, #tpu.memory_space<vmem_shared>>
        tpu.wait_indirect_dma semaphore(%run_scoped3A_79 : memref<!tpu.dma_semaphore, #tpu.memory_space<semaphore_mem>>) src(%arg9 : memref<128x128xf32, #tpu.memory_space<vmem>>) dst(%dma_wait3A_85 : memref<10112x128xf32, #tpu.memory_space<vmem_shared>>)
        tpu.yield
      }) : () -> ()
    }
    %scan3A_9 = arith.constant 39 : i32
    %add3A_10 = arith.constant 4992 : i32
    %add3A_11 = arith.addi %mul3A_2, %add3A_10 : i32
    "tpu.region"() ({
      %run_scoped3A_59 = tpu.sem_alloc : memref<!tpu.dma_semaphore, #tpu.memory_space<semaphore_mem>>
      %dma_start3A_60 = tpu.memref_slice %arg3[%add3A_11] : memref<160000xi32, #tpu.memory_space<hbm>> -> memref<8xi32, #tpu.memory_space<hbm>>
      %dma_start3A_61 = tpu.memref_slice %arg3[%add3A_11] : memref<160000xi32, #tpu.memory_space<hbm>> -> memref<8xi32, #tpu.memory_space<hbm>>
      tpu.enqueue_dma source(%dma_start3A_61 : memref<8xi32, #tpu.memory_space<hbm>>) target(%arg10 : memref<8xi32, #tpu.memory_space<vmem>>) target_semaphore(%run_scoped3A_59 : memref<!tpu.dma_semaphore, #tpu.memory_space<semaphore_mem>>)
      %dma_wait3A_62 = tpu.memref_slice %arg3[%add3A_11] : memref<160000xi32, #tpu.memory_space<hbm>> -> memref<8xi32, #tpu.memory_space<hbm>>
      %dma_wait3A_63 = tpu.memref_slice %arg3[%add3A_11] : memref<160000xi32, #tpu.memory_space<hbm>> -> memref<8xi32, #tpu.memory_space<hbm>>
      tpu.wait_dma2 semaphore(%run_scoped3A_59 : memref<!tpu.dma_semaphore, #tpu.memory_space<semaphore_mem>>) src(%dma_wait3A_63 : memref<8xi32, #tpu.memory_space<hbm>>) dst(%arg10 : memref<8xi32, #tpu.memory_space<vmem>>)
      tpu.yield
    }) : () -> ()
    "tpu.region"() ({
      %run_scoped3A_59 = tpu.sem_alloc : memref<!tpu.dma_semaphore, #tpu.memory_space<semaphore_mem>>
      %dma_start3A_60 = tpu.memref_slice %arg4[%add3A_11] : memref<160000xi32, #tpu.memory_space<hbm>> -> memref<8xi32, #tpu.memory_space<hbm>>
      %dma_start3A_61 = tpu.memref_slice %arg4[%add3A_11] : memref<160000xi32, #tpu.memory_space<hbm>> -> memref<8xi32, #tpu.memory_space<hbm>>
      tpu.enqueue_dma source(%dma_start3A_61 : memref<8xi32, #tpu.memory_space<hbm>>) target(%arg11 : memref<8xi32, #tpu.memory_space<vmem>>) target_semaphore(%run_scoped3A_59 : memref<!tpu.dma_semaphore, #tpu.memory_space<semaphore_mem>>)
      %dma_wait3A_62 = tpu.memref_slice %arg4[%add3A_11] : memref<160000xi32, #tpu.memory_space<hbm>> -> memref<8xi32, #tpu.memory_space<hbm>>
      %dma_wait3A_63 = tpu.memref_slice %arg4[%add3A_11] : memref<160000xi32, #tpu.memory_space<hbm>> -> memref<8xi32, #tpu.memory_space<hbm>>
      tpu.wait_dma2 semaphore(%run_scoped3A_59 : memref<!tpu.dma_semaphore, #tpu.memory_space<semaphore_mem>>) src(%dma_wait3A_63 : memref<8xi32, #tpu.memory_space<hbm>>) dst(%arg11 : memref<8xi32, #tpu.memory_space<vmem>>)
      tpu.yield
    }) : () -> ()
    %dma_start3A = arith.constant 0 : i32
    %dma_start3A_12 = arith.constant 0 : i32
    %dma_start3A_13 = arith.constant 0 : i32
    %dma_start3A_14 = tpu.memref_slice %arg2[%dma_start3A, %dma_start3A_12, %dma_start3A_13] : memref<2x10000x128xf32, #tpu.memory_space<hbm>> -> memref<1x10000x128xf32, #tpu.memory_space<hbm>>
    %dma_start3A_15 = tpu.memref_squeeze %dma_start3A_14 : memref<1x10000x128xf32, #tpu.memory_space<hbm>> -> memref<10000x128xf32, #tpu.memory_space<hbm>>
    %dma_start3A_16 = arith.constant 0 : i32
    %dma_start3A_17 = arith.constant 0 : i32
    %dma_start3A_18 = tpu.memref_slice %dma_start3A_15[%dma_start3A_16, %dma_start3A_17] : memref<10000x128xf32, #tpu.memory_space<hbm>> -> memref<10000x128xf32, #tpu.memory_space<hbm>>
    tpu.enqueue_indirect_dma source(%dma_start3A_18 : memref<10000x128xf32, #tpu.memory_space<hbm>>) target(%arg12 : memref<8x128xf32, #tpu.memory_space<vmem>>) offsets(%arg10 : memref<8xi32, #tpu.memory_space<vmem>>) semaphore(%arg14 : memref<!tpu.dma_semaphore, #tpu.memory_space<semaphore_mem>>)
    %dma_wait3A = arith.constant 0 : i32
    %dma_wait3A_19 = arith.constant 0 : i32
    %dma_wait3A_20 = arith.constant 0 : i32
    %dma_wait3A_21 = tpu.memref_slice %arg2[%dma_wait3A, %dma_wait3A_19, %dma_wait3A_20] : memref<2x10000x128xf32, #tpu.memory_space<hbm>> -> memref<1x10000x128xf32, #tpu.memory_space<hbm>>
    %dma_wait3A_22 = tpu.memref_squeeze %dma_wait3A_21 : memref<1x10000x128xf32, #tpu.memory_space<hbm>> -> memref<10000x128xf32, #tpu.memory_space<hbm>>
    %dma_wait3A_23 = arith.constant 0 : i32
    %dma_wait3A_24 = arith.constant 0 : i32
    %dma_wait3A_25 = tpu.memref_slice %dma_wait3A_22[%dma_wait3A_23, %dma_wait3A_24] : memref<10000x128xf32, #tpu.memory_space<hbm>> -> memref<10000x128xf32, #tpu.memory_space<hbm>>
    tpu.wait_indirect_dma semaphore(%arg14 : memref<!tpu.dma_semaphore, #tpu.memory_space<semaphore_mem>>) src(%dma_wait3A_25 : memref<10000x128xf32, #tpu.memory_space<hbm>>) dst(%arg12 : memref<8x128xf32, #tpu.memory_space<vmem>>)
    "tpu.region"() ({
      %run_scoped3A_59 = tpu.sem_alloc : memref<!tpu.dma_semaphore, #tpu.memory_space<semaphore_mem>>
      %dma_start3A_60 = arith.constant 0 : i32
      %dma_start3A_61 = arith.constant 0 : i32
      %dma_start3A_62 = tpu.memref_slice %arg13[%dma_start3A_60, %dma_start3A_61] : memref<10112x128xf32, #tpu.memory_space<vmem_shared>> -> memref<10112x128xf32, #tpu.memory_space<vmem_shared>>
      tpu.enqueue_indirect_dma source(%arg12 : memref<8x128xf32, #tpu.memory_space<vmem>>) target(%dma_start3A_62 : memref<10112x128xf32, #tpu.memory_space<vmem_shared>>) offsets(%arg11 : memref<8xi32, #tpu.memory_space<vmem>>) semaphore(%run_scoped3A_59 : memref<!tpu.dma_semaphore, #tpu.memory_space<semaphore_mem>>) {add = true}
      %dma_wait3A_63 = arith.constant 0 : i32
      %dma_wait3A_64 = arith.constant 0 : i32
      %dma_wait3A_65 = tpu.memref_slice %arg13[%dma_wait3A_63, %dma_wait3A_64] : memref<10112x128xf32, #tpu.memory_space<vmem_shared>> -> memref<10112x128xf32, #tpu.memory_space<vmem_shared>>
      tpu.wait_indirect_dma semaphore(%run_scoped3A_59 : memref<!tpu.dma_semaphore, #tpu.memory_space<semaphore_mem>>) src(%arg12 : memref<8x128xf32, #tpu.memory_space<vmem>>) dst(%dma_wait3A_65 : memref<10112x128xf32, #tpu.memory_space<vmem_shared>>)
      tpu.yield
    }) : () -> ()
    %barrier3A_26 = arith.constant 0 : index
    tpu.barrier barrier_id(%barrier3A_26)
    %delay3A = arith.constant 1024 : i32
    tpu.delay %delay3A
    %barrier3A_27 = arith.constant 0 : index
    tpu.barrier barrier_id(%barrier3A_27)
    %run_scoped3A = arith.constant 0 : i32
    "tpu.region"() ({
      %run_scoped3A_59 = tpu.sem_alloc : memref<!tpu.dma_semaphore, #tpu.memory_space<semaphore_mem>>
      %dma_start3A_60 = arith.constant 0 : i32
      %dma_start3A_61 = tpu.memref_slice %arg6[%run_scoped3A, %arg0, %mul3A_4, %dma_start3A_60] : memref<2x2x10112x128xf32, #tpu.memory_space<hbm>> -> memref<1x1x632x128xf32, #tpu.memory_space<hbm>>
      %dma_start3A_62 = tpu.memref_squeeze %dma_start3A_61 : memref<1x1x632x128xf32, #tpu.memory_space<hbm>> -> memref<632x128xf32, #tpu.memory_space<hbm>>
      %dma_start3A_63 = arith.constant 0 : i32
      %dma_start3A_64 = tpu.memref_slice %arg13[%mul3A_4, %dma_start3A_63] : memref<10112x128xf32, #tpu.memory_space<vmem_shared>> -> memref<632x128xf32, #tpu.memory_space<vmem_shared>>
      tpu.enqueue_dma source(%dma_start3A_64 : memref<632x128xf32, #tpu.memory_space<vmem_shared>>) target(%dma_start3A_62 : memref<632x128xf32, #tpu.memory_space<hbm>>) target_semaphore(%run_scoped3A_59 : memref<!tpu.dma_semaphore, #tpu.memory_space<semaphore_mem>>)
      %dma_wait3A_65 = arith.constant 0 : i32
      %dma_wait3A_66 = tpu.memref_slice %arg6[%run_scoped3A, %arg0, %mul3A_4, %dma_wait3A_65] : memref<2x2x10112x128xf32, #tpu.memory_space<hbm>> -> memref<1x1x632x128xf32, #tpu.memory_space<hbm>>
      %dma_wait3A_67 = tpu.memref_squeeze %dma_wait3A_66 : memref<1x1x632x128xf32, #tpu.memory_space<hbm>> -> memref<632x128xf32, #tpu.memory_space<hbm>>
      %dma_wait3A_68 = arith.constant 0 : i32
      %dma_wait3A_69 = tpu.memref_slice %arg13[%mul3A_4, %dma_wait3A_68] : memref<10112x128xf32, #tpu.memory_space<vmem_shared>> -> memref<632x128xf32, #tpu.memory_space<vmem_shared>>
      tpu.wait_dma2 semaphore(%run_scoped3A_59 : memref<!tpu.dma_semaphore, #tpu.memory_space<semaphore_mem>>) src(%dma_wait3A_69 : memref<632x128xf32, #tpu.memory_space<vmem_shared>>) dst(%dma_wait3A_67 : memref<632x128xf32, #tpu.memory_space<hbm>>)
      tpu.yield
    }) : () -> ()
    %barrier3A_28 = arith.constant 0 : index
    tpu.barrier barrier_id(%barrier3A_28)
    "tpu.region"() ({
      %run_scoped3A_59 = tpu.sem_alloc : memref<!tpu.dma_semaphore, #tpu.memory_space<semaphore_mem>>
      %dma_start3A_60 = arith.constant 0 : i32
      %dma_start3A_61 = tpu.memref_slice %arg13[%mul3A_4, %dma_start3A_60] : memref<10112x128xf32, #tpu.memory_space<vmem_shared>> -> memref<632x128xf32, #tpu.memory_space<vmem_shared>>
      tpu.enqueue_dma source(%arg5 : memref<632x128xf32, #tpu.memory_space<hbm>>) target(%dma_start3A_61 : memref<632x128xf32, #tpu.memory_space<vmem_shared>>) target_semaphore(%run_scoped3A_59 : memref<!tpu.dma_semaphore, #tpu.memory_space<semaphore_mem>>)
      %dma_wait3A_62 = arith.constant 0 : i32
      %dma_wait3A_63 = tpu.memref_slice %arg13[%mul3A_4, %dma_wait3A_62] : memref<10112x128xf32, #tpu.memory_space<vmem_shared>> -> memref<632x128xf32, #tpu.memory_space<vmem_shared>>
      tpu.wait_dma2 semaphore(%run_scoped3A_59 : memref<!tpu.dma_semaphore, #tpu.memory_space<semaphore_mem>>) src(%arg5 : memref<632x128xf32, #tpu.memory_space<hbm>>) dst(%dma_wait3A_63 : memref<632x128xf32, #tpu.memory_space<vmem_shared>>)
      tpu.yield
    }) : () -> ()
    %barrier3A_29 = arith.constant 0 : index
    tpu.barrier barrier_id(%barrier3A_29)
    %scan3A_30 = arith.constant 0 : i32
    %scan3A_31 = arith.constant 0 : i32
    %scan3A_32 = arith.constant 39 : i32
    %scan3A_33 = arith.addi %scan3A_31, %scan3A_32 : i32
    %scan3A_34 = arith.constant 1 : i32
    scf.for %scan3A_59 = %scan3A_31 to %scan3A_33 step %scan3A_34  : i32 {
      %mul3A_60 = arith.constant 128 : i32
      %mul3A_61 = arith.muli %scan3A_59, %mul3A_60 : i32
      %add3A_62 = arith.addi %mul3A_2, %mul3A_61 : i32
      "tpu.region"() ({
        %run_scoped3A_79 = tpu.sem_alloc : memref<!tpu.dma_semaphore, #tpu.memory_space<semaphore_mem>>
        %dma_start3A_80 = tpu.memref_slice %arg3[%add3A_62] : memref<160000xi32, #tpu.memory_space<hbm>> -> memref<128xi32, #tpu.memory_space<hbm>>
        %dma_start3A_81 = tpu.memref_slice %arg3[%add3A_62] : memref<160000xi32, #tpu.memory_space<hbm>> -> memref<128xi32, #tpu.memory_space<hbm>>
        tpu.enqueue_dma source(%dma_start3A_81 : memref<128xi32, #tpu.memory_space<hbm>>) target(%arg7 : memref<128xi32, #tpu.memory_space<vmem>>) target_semaphore(%run_scoped3A_79 : memref<!tpu.dma_semaphore, #tpu.memory_space<semaphore_mem>>)
        %dma_wait3A_82 = tpu.memref_slice %arg3[%add3A_62] : memref<160000xi32, #tpu.memory_space<hbm>> -> memref<128xi32, #tpu.memory_space<hbm>>
        %dma_wait3A_83 = tpu.memref_slice %arg3[%add3A_62] : memref<160000xi32, #tpu.memory_space<hbm>> -> memref<128xi32, #tpu.memory_space<hbm>>
        tpu.wait_dma2 semaphore(%run_scoped3A_79 : memref<!tpu.dma_semaphore, #tpu.memory_space<semaphore_mem>>) src(%dma_wait3A_83 : memref<128xi32, #tpu.memory_space<hbm>>) dst(%arg7 : memref<128xi32, #tpu.memory_space<vmem>>)
        tpu.yield
      }) : () -> ()
      "tpu.region"() ({
        %run_scoped3A_79 = tpu.sem_alloc : memref<!tpu.dma_semaphore, #tpu.memory_space<semaphore_mem>>
        %dma_start3A_80 = tpu.memref_slice %arg4[%add3A_62] : memref<160000xi32, #tpu.memory_space<hbm>> -> memref<128xi32, #tpu.memory_space<hbm>>
        %dma_start3A_81 = tpu.memref_slice %arg4[%add3A_62] : memref<160000xi32, #tpu.memory_space<hbm>> -> memref<128xi32, #tpu.memory_space<hbm>>
        tpu.enqueue_dma source(%dma_start3A_81 : memref<128xi32, #tpu.memory_space<hbm>>) target(%arg8 : memref<128xi32, #tpu.memory_space<vmem>>) target_semaphore(%run_scoped3A_79 : memref<!tpu.dma_semaphore, #tpu.memory_space<semaphore_mem>>)
        %dma_wait3A_82 = tpu.memref_slice %arg4[%add3A_62] : memref<160000xi32, #tpu.memory_space<hbm>> -> memref<128xi32, #tpu.memory_space<hbm>>
        %dma_wait3A_83 = tpu.memref_slice %arg4[%add3A_62] : memref<160000xi32, #tpu.memory_space<hbm>> -> memref<128xi32, #tpu.memory_space<hbm>>
        tpu.wait_dma2 semaphore(%run_scoped3A_79 : memref<!tpu.dma_semaphore, #tpu.memory_space<semaphore_mem>>) src(%dma_wait3A_83 : memref<128xi32, #tpu.memory_space<hbm>>) dst(%arg8 : memref<128xi32, #tpu.memory_space<vmem>>)
        tpu.yield
      }) : () -> ()
      %dma_start3A_63 = arith.constant 1 : i32
      %dma_start3A_64 = arith.constant 0 : i32
      %dma_start3A_65 = arith.constant 0 : i32
      %dma_start3A_66 = tpu.memref_slice %arg2[%dma_start3A_63, %dma_start3A_64, %dma_start3A_65] : memref<2x10000x128xf32, #tpu.memory_space<hbm>> -> memref<1x10000x128xf32, #tpu.memory_space<hbm>>
      %dma_start3A_67 = tpu.memref_squeeze %dma_start3A_66 : memref<1x10000x128xf32, #tpu.memory_space<hbm>> -> memref<10000x128xf32, #tpu.memory_space<hbm>>
      %dma_start3A_68 = arith.constant 0 : i32
      %dma_start3A_69 = arith.constant 0 : i32
      %dma_start3A_70 = tpu.memref_slice %dma_start3A_67[%dma_start3A_68, %dma_start3A_69] : memref<10000x128xf32, #tpu.memory_space<hbm>> -> memref<10000x128xf32, #tpu.memory_space<hbm>>
      tpu.enqueue_indirect_dma source(%dma_start3A_70 : memref<10000x128xf32, #tpu.memory_space<hbm>>) target(%arg9 : memref<128x128xf32, #tpu.memory_space<vmem>>) offsets(%arg7 : memref<128xi32, #tpu.memory_space<vmem>>) semaphore(%arg14 : memref<!tpu.dma_semaphore, #tpu.memory_space<semaphore_mem>>)
      %dma_wait3A_71 = arith.constant 1 : i32
      %dma_wait3A_72 = arith.constant 0 : i32
      %dma_wait3A_73 = arith.constant 0 : i32
      %dma_wait3A_74 = tpu.memref_slice %arg2[%dma_wait3A_71, %dma_wait3A_72, %dma_wait3A_73] : memref<2x10000x128xf32, #tpu.memory_space<hbm>> -> memref<1x10000x128xf32, #tpu.memory_space<hbm>>
      %dma_wait3A_75 = tpu.memref_squeeze %dma_wait3A_74 : memref<1x10000x128xf32, #tpu.memory_space<hbm>> -> memref<10000x128xf32, #tpu.memory_space<hbm>>
      %dma_wait3A_76 = arith.constant 0 : i32
      %dma_wait3A_77 = arith.constant 0 : i32
      %dma_wait3A_78 = tpu.memref_slice %dma_wait3A_75[%dma_wait3A_76, %dma_wait3A_77] : memref<10000x128xf32, #tpu.memory_space<hbm>> -> memref<10000x128xf32, #tpu.memory_space<hbm>>
      tpu.wait_indirect_dma semaphore(%arg14 : memref<!tpu.dma_semaphore, #tpu.memory_space<semaphore_mem>>) src(%dma_wait3A_78 : memref<10000x128xf32, #tpu.memory_space<hbm>>) dst(%arg9 : memref<128x128xf32, #tpu.memory_space<vmem>>)
      "tpu.region"() ({
        %run_scoped3A_79 = tpu.sem_alloc : memref<!tpu.dma_semaphore, #tpu.memory_space<semaphore_mem>>
        %dma_start3A_80 = arith.constant 0 : i32
        %dma_start3A_81 = arith.constant 0 : i32
        %dma_start3A_82 = tpu.memref_slice %arg13[%dma_start3A_80, %dma_start3A_81] : memref<10112x128xf32, #tpu.memory_space<vmem_shared>> -> memref<10112x128xf32, #tpu.memory_space<vmem_shared>>
        tpu.enqueue_indirect_dma source(%arg9 : memref<128x128xf32, #tpu.memory_space<vmem>>) target(%dma_start3A_82 : memref<10112x128xf32, #tpu.memory_space<vmem_shared>>) offsets(%arg8 : memref<128xi32, #tpu.memory_space<vmem>>) semaphore(%run_scoped3A_79 : memref<!tpu.dma_semaphore, #tpu.memory_space<semaphore_mem>>) {add = true}
        %dma_wait3A_83 = arith.constant 0 : i32
        %dma_wait3A_84 = arith.constant 0 : i32
        %dma_wait3A_85 = tpu.memref_slice %arg13[%dma_wait3A_83, %dma_wait3A_84] : memref<10112x128xf32, #tpu.memory_space<vmem_shared>> -> memref<10112x128xf32, #tpu.memory_space<vmem_shared>>
        tpu.wait_indirect_dma semaphore(%run_scoped3A_79 : memref<!tpu.dma_semaphore, #tpu.memory_space<semaphore_mem>>) src(%arg9 : memref<128x128xf32, #tpu.memory_space<vmem>>) dst(%dma_wait3A_85 : memref<10112x128xf32, #tpu.memory_space<vmem_shared>>)
        tpu.yield
      }) : () -> ()
    }
    %scan3A_35 = arith.constant 39 : i32
    %add3A_36 = arith.constant 4992 : i32
    %add3A_37 = arith.addi %mul3A_2, %add3A_36 : i32
    "tpu.region"() ({
      %run_scoped3A_59 = tpu.sem_alloc : memref<!tpu.dma_semaphore, #tpu.memory_space<semaphore_mem>>
      %dma_start3A_60 = tpu.memref_slice %arg3[%add3A_37] : memref<160000xi32, #tpu.memory_space<hbm>> -> memref<8xi32, #tpu.memory_space<hbm>>
      %dma_start3A_61 = tpu.memref_slice %arg3[%add3A_37] : memref<160000xi32, #tpu.memory_space<hbm>> -> memref<8xi32, #tpu.memory_space<hbm>>
      tpu.enqueue_dma source(%dma_start3A_61 : memref<8xi32, #tpu.memory_space<hbm>>) target(%arg10 : memref<8xi32, #tpu.memory_space<vmem>>) target_semaphore(%run_scoped3A_59 : memref<!tpu.dma_semaphore, #tpu.memory_space<semaphore_mem>>)
      %dma_wait3A_62 = tpu.memref_slice %arg3[%add3A_37] : memref<160000xi32, #tpu.memory_space<hbm>> -> memref<8xi32, #tpu.memory_space<hbm>>
      %dma_wait3A_63 = tpu.memref_slice %arg3[%add3A_37] : memref<160000xi32, #tpu.memory_space<hbm>> -> memref<8xi32, #tpu.memory_space<hbm>>
      tpu.wait_dma2 semaphore(%run_scoped3A_59 : memref<!tpu.dma_semaphore, #tpu.memory_space<semaphore_mem>>) src(%dma_wait3A_63 : memref<8xi32, #tpu.memory_space<hbm>>) dst(%arg10 : memref<8xi32, #tpu.memory_space<vmem>>)
      tpu.yield
    }) : () -> ()
    "tpu.region"() ({
      %run_scoped3A_59 = tpu.sem_alloc : memref<!tpu.dma_semaphore, #tpu.memory_space<semaphore_mem>>
      %dma_start3A_60 = tpu.memref_slice %arg4[%add3A_37] : memref<160000xi32, #tpu.memory_space<hbm>> -> memref<8xi32, #tpu.memory_space<hbm>>
      %dma_start3A_61 = tpu.memref_slice %arg4[%add3A_37] : memref<160000xi32, #tpu.memory_space<hbm>> -> memref<8xi32, #tpu.memory_space<hbm>>
      tpu.enqueue_dma source(%dma_start3A_61 : memref<8xi32, #tpu.memory_space<hbm>>) target(%arg11 : memref<8xi32, #tpu.memory_space<vmem>>) target_semaphore(%run_scoped3A_59 : memref<!tpu.dma_semaphore, #tpu.memory_space<semaphore_mem>>)
      %dma_wait3A_62 = tpu.memref_slice %arg4[%add3A_37] : memref<160000xi32, #tpu.memory_space<hbm>> -> memref<8xi32, #tpu.memory_space<hbm>>
      %dma_wait3A_63 = tpu.memref_slice %arg4[%add3A_37] : memref<160000xi32, #tpu.memory_space<hbm>> -> memref<8xi32, #tpu.memory_space<hbm>>
      tpu.wait_dma2 semaphore(%run_scoped3A_59 : memref<!tpu.dma_semaphore, #tpu.memory_space<semaphore_mem>>) src(%dma_wait3A_63 : memref<8xi32, #tpu.memory_space<hbm>>) dst(%arg11 : memref<8xi32, #tpu.memory_space<vmem>>)
      tpu.yield
    }) : () -> ()
    %dma_start3A_38 = arith.constant 1 : i32
    %dma_start3A_39 = arith.constant 0 : i32
    %dma_start3A_40 = arith.constant 0 : i32
    %dma_start3A_41 = tpu.memref_slice %arg2[%dma_start3A_38, %dma_start3A_39, %dma_start3A_40] : memref<2x10000x128xf32, #tpu.memory_space<hbm>> -> memref<1x10000x128xf32, #tpu.memory_space<hbm>>
    %dma_start3A_42 = tpu.memref_squeeze %dma_start3A_41 : memref<1x10000x128xf32, #tpu.memory_space<hbm>> -> memref<10000x128xf32, #tpu.memory_space<hbm>>
    %dma_start3A_43 = arith.constant 0 : i32
    %dma_start3A_44 = arith.constant 0 : i32
    %dma_start3A_45 = tpu.memref_slice %dma_start3A_42[%dma_start3A_43, %dma_start3A_44] : memref<10000x128xf32, #tpu.memory_space<hbm>> -> memref<10000x128xf32, #tpu.memory_space<hbm>>
    tpu.enqueue_indirect_dma source(%dma_start3A_45 : memref<10000x128xf32, #tpu.memory_space<hbm>>) target(%arg12 : memref<8x128xf32, #tpu.memory_space<vmem>>) offsets(%arg10 : memref<8xi32, #tpu.memory_space<vmem>>) semaphore(%arg14 : memref<!tpu.dma_semaphore, #tpu.memory_space<semaphore_mem>>)
    %dma_wait3A_46 = arith.constant 1 : i32
    %dma_wait3A_47 = arith.constant 0 : i32
    %dma_wait3A_48 = arith.constant 0 : i32
    %dma_wait3A_49 = tpu.memref_slice %arg2[%dma_wait3A_46, %dma_wait3A_47, %dma_wait3A_48] : memref<2x10000x128xf32, #tpu.memory_space<hbm>> -> memref<1x10000x128xf32, #tpu.memory_space<hbm>>
    %dma_wait3A_50 = tpu.memref_squeeze %dma_wait3A_49 : memref<1x10000x128xf32, #tpu.memory_space<hbm>> -> memref<10000x128xf32, #tpu.memory_space<hbm>>
    %dma_wait3A_51 = arith.constant 0 : i32
    %dma_wait3A_52 = arith.constant 0 : i32
    %dma_wait3A_53 = tpu.memref_slice %dma_wait3A_50[%dma_wait3A_51, %dma_wait3A_52] : memref<10000x128xf32, #tpu.memory_space<hbm>> -> memref<10000x128xf32, #tpu.memory_space<hbm>>
    tpu.wait_indirect_dma semaphore(%arg14 : memref<!tpu.dma_semaphore, #tpu.memory_space<semaphore_mem>>) src(%dma_wait3A_53 : memref<10000x128xf32, #tpu.memory_space<hbm>>) dst(%arg12 : memref<8x128xf32, #tpu.memory_space<vmem>>)
    "tpu.region"() ({
      %run_scoped3A_59 = tpu.sem_alloc : memref<!tpu.dma_semaphore, #tpu.memory_space<semaphore_mem>>
      %dma_start3A_60 = arith.constant 0 : i32
      %dma_start3A_61 = arith.constant 0 : i32
      %dma_start3A_62 = tpu.memref_slice %arg13[%dma_start3A_60, %dma_start3A_61] : memref<10112x128xf32, #tpu.memory_space<vmem_shared>> -> memref<10112x128xf32, #tpu.memory_space<vmem_shared>>
      tpu.enqueue_indirect_dma source(%arg12 : memref<8x128xf32, #tpu.memory_space<vmem>>) target(%dma_start3A_62 : memref<10112x128xf32, #tpu.memory_space<vmem_shared>>) offsets(%arg11 : memref<8xi32, #tpu.memory_space<vmem>>) semaphore(%run_scoped3A_59 : memref<!tpu.dma_semaphore, #tpu.memory_space<semaphore_mem>>) {add = true}
      %dma_wait3A_63 = arith.constant 0 : i32
      %dma_wait3A_64 = arith.constant 0 : i32
      %dma_wait3A_65 = tpu.memref_slice %arg13[%dma_wait3A_63, %dma_wait3A_64] : memref<10112x128xf32, #tpu.memory_space<vmem_shared>> -> memref<10112x128xf32, #tpu.memory_space<vmem_shared>>
      tpu.wait_indirect_dma semaphore(%run_scoped3A_59 : memref<!tpu.dma_semaphore, #tpu.memory_space<semaphore_mem>>) src(%arg12 : memref<8x128xf32, #tpu.memory_space<vmem>>) dst(%dma_wait3A_65 : memref<10112x128xf32, #tpu.memory_space<vmem_shared>>)
      tpu.yield
    }) : () -> ()
    %barrier3A_54 = arith.constant 0 : index
    tpu.barrier barrier_id(%barrier3A_54)
    %delay3A_55 = arith.constant 1024 : i32
    tpu.delay %delay3A_55
    %barrier3A_56 = arith.constant 0 : index
    tpu.barrier barrier_id(%barrier3A_56)
    %run_scoped3A_57 = arith.constant 1 : i32
    "tpu.region"() ({
      %run_scoped3A_59 = tpu.sem_alloc : memref<!tpu.dma_semaphore, #tpu.memory_space<semaphore_mem>>
      %dma_start3A_60 = arith.constant 0 : i32
      %dma_start3A_61 = tpu.memref_slice %arg6[%run_scoped3A_57, %arg0, %mul3A_4, %dma_start3A_60] : memref<2x2x10112x128xf32, #tpu.memory_space<hbm>> -> memref<1x1x632x128xf32, #tpu.memory_space<hbm>>
      %dma_start3A_62 = tpu.memref_squeeze %dma_start3A_61 : memref<1x1x632x128xf32, #tpu.memory_space<hbm>> -> memref<632x128xf32, #tpu.memory_space<hbm>>
      %dma_start3A_63 = arith.constant 0 : i32
      %dma_start3A_64 = tpu.memref_slice %arg13[%mul3A_4, %dma_start3A_63] : memref<10112x128xf32, #tpu.memory_space<vmem_shared>> -> memref<632x128xf32, #tpu.memory_space<vmem_shared>>
      tpu.enqueue_dma source(%dma_start3A_64 : memref<632x128xf32, #tpu.memory_space<vmem_shared>>) target(%dma_start3A_62 : memref<632x128xf32, #tpu.memory_space<hbm>>) target_semaphore(%run_scoped3A_59 : memref<!tpu.dma_semaphore, #tpu.memory_space<semaphore_mem>>)
      %dma_wait3A_65 = arith.constant 0 : i32
      %dma_wait3A_66 = tpu.memref_slice %arg6[%run_scoped3A_57, %arg0, %mul3A_4, %dma_wait3A_65] : memref<2x2x10112x128xf32, #tpu.memory_space<hbm>> -> memref<1x1x632x128xf32, #tpu.memory_space<hbm>>
      %dma_wait3A_67 = tpu.memref_squeeze %dma_wait3A_66 : memref<1x1x632x128xf32, #tpu.memory_space<hbm>> -> memref<632x128xf32, #tpu.memory_space<hbm>>
      %dma_wait3A_68 = arith.constant 0 : i32
      %dma_wait3A_69 = tpu.memref_slice %arg13[%mul3A_4, %dma_wait3A_68] : memref<10112x128xf32, #tpu.memory_space<vmem_shared>> -> memref<632x128xf32, #tpu.memory_space<vmem_shared>>
      tpu.wait_dma2 semaphore(%run_scoped3A_59 : memref<!tpu.dma_semaphore, #tpu.memory_space<semaphore_mem>>) src(%dma_wait3A_69 : memref<632x128xf32, #tpu.memory_space<vmem_shared>>) dst(%dma_wait3A_67 : memref<632x128xf32, #tpu.memory_space<hbm>>)
      tpu.yield
    }) : () -> ()
    %barrier3A_58 = arith.constant 0 : index
    tpu.barrier barrier_id(%barrier3A_58)
    return
  }
}

#map = affine_map<(d0, d1) -> (0, 0, 0)>
#map1 = affine_map<(d0, d1) -> (0)>
#map2 = affine_map<(d0, d1) -> (0, 0)>
#map3 = affine_map<(d0, d1) -> (0, 0, 0, 0)>
module attributes {stable_mosaic.version = 14 : i64} {
  func.func @k(%arg0: i32, %arg1: i32, %arg2: memref<4x10000x128xf32, #tpu.memory_space<hbm>>, %arg3: memref<160000xi32, #tpu.memory_space<hbm>>, %arg4: memref<160000xi32, #tpu.memory_space<hbm>>, %arg5: memref<632x128xf32, #tpu.memory_space<hbm>>, %arg6: memref<4x2x10112x128xf32, #tpu.memory_space<hbm>>, %arg7: memref<128xi32, #tpu.memory_space<vmem>>, %arg8: memref<128xi32, #tpu.memory_space<vmem>>, %arg9: memref<128x128xf32, #tpu.memory_space<vmem>>, %arg10: memref<8xi32, #tpu.memory_space<vmem>>, %arg11: memref<8xi32, #tpu.memory_space<vmem>>, %arg12: memref<8x128xf32, #tpu.memory_space<vmem>>, %arg13: memref<10112x128xf32, #tpu.memory_space<vmem_shared>>, %arg14: memref<!tpu.dma_semaphore, #tpu.memory_space<semaphore_mem>>) attributes {dimension_semantics = [#tpu.dimension_semantics<core_parallel>, #tpu.dimension_semantics<subcore_parallel>], iteration_bounds = array<i64: 2, 16>, scalar_prefetch = 0 : i64, scratch_operands = 8 : i64, tpu.core_type = #tpu.core_type<sc_vector_subcore>, window_params = [{transform_indices = #map}, {transform_indices = #map1}, {transform_indices = #map1}, {transform_indices = #map2}, {transform_indices = #map3}]} {
    %mul3A = arith.constant 2 : i32
    %mul3A_0 = arith.muli %arg1, %mul3A : i32
    %add3A = arith.addi %mul3A_0, %arg0 : i32
    %mul3A_1 = arith.constant 5000 : i32
    %mul3A_2 = arith.muli %add3A, %mul3A_1 : i32
    %mul3A_3 = arith.constant 632 : i32
    %mul3A_4 = arith.muli %arg1, %mul3A_3 : i32
    "tpu.region"() ({
      %run_scoped3A_119 = tpu.sem_alloc : memref<!tpu.dma_semaphore, #tpu.memory_space<semaphore_mem>>
      %dma_start3A_120 = arith.constant 0 : i32
      %dma_start3A_121 = tpu.memref_slice %arg13[%mul3A_4, %dma_start3A_120] : memref<10112x128xf32, #tpu.memory_space<vmem_shared>> -> memref<632x128xf32, #tpu.memory_space<vmem_shared>>
      tpu.enqueue_dma source(%arg5 : memref<632x128xf32, #tpu.memory_space<hbm>>) target(%dma_start3A_121 : memref<632x128xf32, #tpu.memory_space<vmem_shared>>) target_semaphore(%run_scoped3A_119 : memref<!tpu.dma_semaphore, #tpu.memory_space<semaphore_mem>>)
      %dma_wait3A_122 = arith.constant 0 : i32
      %dma_wait3A_123 = tpu.memref_slice %arg13[%mul3A_4, %dma_wait3A_122] : memref<10112x128xf32, #tpu.memory_space<vmem_shared>> -> memref<632x128xf32, #tpu.memory_space<vmem_shared>>
      tpu.wait_dma2 semaphore(%run_scoped3A_119 : memref<!tpu.dma_semaphore, #tpu.memory_space<semaphore_mem>>) src(%arg5 : memref<632x128xf32, #tpu.memory_space<hbm>>) dst(%dma_wait3A_123 : memref<632x128xf32, #tpu.memory_space<vmem_shared>>)
      tpu.yield
    }) : () -> ()
    %barrier3A = arith.constant 0 : index
    tpu.barrier barrier_id(%barrier3A)
    %scan3A = arith.constant 0 : i32
    %scan3A_5 = arith.constant 0 : i32
    %scan3A_6 = arith.constant 39 : i32
    %scan3A_7 = arith.addi %scan3A_5, %scan3A_6 : i32
    %scan3A_8 = arith.constant 1 : i32
    scf.for %scan3A_119 = %scan3A_5 to %scan3A_7 step %scan3A_8  : i32 {
      %mul3A_120 = arith.constant 128 : i32
      %mul3A_121 = arith.muli %scan3A_119, %mul3A_120 : i32
      %add3A_122 = arith.addi %mul3A_2, %mul3A_121 : i32
      "tpu.region"() ({
        %run_scoped3A_139 = tpu.sem_alloc : memref<!tpu.dma_semaphore, #tpu.memory_space<semaphore_mem>>
        %dma_start3A_140 = tpu.memref_slice %arg3[%add3A_122] : memref<160000xi32, #tpu.memory_space<hbm>> -> memref<128xi32, #tpu.memory_space<hbm>>
        %dma_start3A_141 = tpu.memref_slice %arg3[%add3A_122] : memref<160000xi32, #tpu.memory_space<hbm>> -> memref<128xi32, #tpu.memory_space<hbm>>
        tpu.enqueue_dma source(%dma_start3A_141 : memref<128xi32, #tpu.memory_space<hbm>>) target(%arg7 : memref<128xi32, #tpu.memory_space<vmem>>) target_semaphore(%run_scoped3A_139 : memref<!tpu.dma_semaphore, #tpu.memory_space<semaphore_mem>>)
        %dma_wait3A_142 = tpu.memref_slice %arg3[%add3A_122] : memref<160000xi32, #tpu.memory_space<hbm>> -> memref<128xi32, #tpu.memory_space<hbm>>
        %dma_wait3A_143 = tpu.memref_slice %arg3[%add3A_122] : memref<160000xi32, #tpu.memory_space<hbm>> -> memref<128xi32, #tpu.memory_space<hbm>>
        tpu.wait_dma2 semaphore(%run_scoped3A_139 : memref<!tpu.dma_semaphore, #tpu.memory_space<semaphore_mem>>) src(%dma_wait3A_143 : memref<128xi32, #tpu.memory_space<hbm>>) dst(%arg7 : memref<128xi32, #tpu.memory_space<vmem>>)
        tpu.yield
      }) : () -> ()
      "tpu.region"() ({
        %run_scoped3A_139 = tpu.sem_alloc : memref<!tpu.dma_semaphore, #tpu.memory_space<semaphore_mem>>
        %dma_start3A_140 = tpu.memref_slice %arg4[%add3A_122] : memref<160000xi32, #tpu.memory_space<hbm>> -> memref<128xi32, #tpu.memory_space<hbm>>
        %dma_start3A_141 = tpu.memref_slice %arg4[%add3A_122] : memref<160000xi32, #tpu.memory_space<hbm>> -> memref<128xi32, #tpu.memory_space<hbm>>
        tpu.enqueue_dma source(%dma_start3A_141 : memref<128xi32, #tpu.memory_space<hbm>>) target(%arg8 : memref<128xi32, #tpu.memory_space<vmem>>) target_semaphore(%run_scoped3A_139 : memref<!tpu.dma_semaphore, #tpu.memory_space<semaphore_mem>>)
        %dma_wait3A_142 = tpu.memref_slice %arg4[%add3A_122] : memref<160000xi32, #tpu.memory_space<hbm>> -> memref<128xi32, #tpu.memory_space<hbm>>
        %dma_wait3A_143 = tpu.memref_slice %arg4[%add3A_122] : memref<160000xi32, #tpu.memory_space<hbm>> -> memref<128xi32, #tpu.memory_space<hbm>>
        tpu.wait_dma2 semaphore(%run_scoped3A_139 : memref<!tpu.dma_semaphore, #tpu.memory_space<semaphore_mem>>) src(%dma_wait3A_143 : memref<128xi32, #tpu.memory_space<hbm>>) dst(%arg8 : memref<128xi32, #tpu.memory_space<vmem>>)
        tpu.yield
      }) : () -> ()
      %dma_start3A_123 = arith.constant 0 : i32
      %dma_start3A_124 = arith.constant 0 : i32
      %dma_start3A_125 = arith.constant 0 : i32
      %dma_start3A_126 = tpu.memref_slice %arg2[%dma_start3A_123, %dma_start3A_124, %dma_start3A_125] : memref<4x10000x128xf32, #tpu.memory_space<hbm>> -> memref<1x10000x128xf32, #tpu.memory_space<hbm>>
      %dma_start3A_127 = tpu.memref_squeeze %dma_start3A_126 : memref<1x10000x128xf32, #tpu.memory_space<hbm>> -> memref<10000x128xf32, #tpu.memory_space<hbm>>
      %dma_start3A_128 = arith.constant 0 : i32
      %dma_start3A_129 = arith.constant 0 : i32
      %dma_start3A_130 = tpu.memref_slice %dma_start3A_127[%dma_start3A_128, %dma_start3A_129] : memref<10000x128xf32, #tpu.memory_space<hbm>> -> memref<10000x128xf32, #tpu.memory_space<hbm>>
      tpu.enqueue_indirect_dma source(%dma_start3A_130 : memref<10000x128xf32, #tpu.memory_space<hbm>>) target(%arg9 : memref<128x128xf32, #tpu.memory_space<vmem>>) offsets(%arg7 : memref<128xi32, #tpu.memory_space<vmem>>) semaphore(%arg14 : memref<!tpu.dma_semaphore, #tpu.memory_space<semaphore_mem>>)
      %dma_wait3A_131 = arith.constant 0 : i32
      %dma_wait3A_132 = arith.constant 0 : i32
      %dma_wait3A_133 = arith.constant 0 : i32
      %dma_wait3A_134 = tpu.memref_slice %arg2[%dma_wait3A_131, %dma_wait3A_132, %dma_wait3A_133] : memref<4x10000x128xf32, #tpu.memory_space<hbm>> -> memref<1x10000x128xf32, #tpu.memory_space<hbm>>
      %dma_wait3A_135 = tpu.memref_squeeze %dma_wait3A_134 : memref<1x10000x128xf32, #tpu.memory_space<hbm>> -> memref<10000x128xf32, #tpu.memory_space<hbm>>
      %dma_wait3A_136 = arith.constant 0 : i32
      %dma_wait3A_137 = arith.constant 0 : i32
      %dma_wait3A_138 = tpu.memref_slice %dma_wait3A_135[%dma_wait3A_136, %dma_wait3A_137] : memref<10000x128xf32, #tpu.memory_space<hbm>> -> memref<10000x128xf32, #tpu.memory_space<hbm>>
      tpu.wait_indirect_dma semaphore(%arg14 : memref<!tpu.dma_semaphore, #tpu.memory_space<semaphore_mem>>) src(%dma_wait3A_138 : memref<10000x128xf32, #tpu.memory_space<hbm>>) dst(%arg9 : memref<128x128xf32, #tpu.memory_space<vmem>>)
      "tpu.region"() ({
        %run_scoped3A_139 = tpu.sem_alloc : memref<!tpu.dma_semaphore, #tpu.memory_space<semaphore_mem>>
        %dma_start3A_140 = arith.constant 0 : i32
        %dma_start3A_141 = arith.constant 0 : i32
        %dma_start3A_142 = tpu.memref_slice %arg13[%dma_start3A_140, %dma_start3A_141] : memref<10112x128xf32, #tpu.memory_space<vmem_shared>> -> memref<10112x128xf32, #tpu.memory_space<vmem_shared>>
        tpu.enqueue_indirect_dma source(%arg9 : memref<128x128xf32, #tpu.memory_space<vmem>>) target(%dma_start3A_142 : memref<10112x128xf32, #tpu.memory_space<vmem_shared>>) offsets(%arg8 : memref<128xi32, #tpu.memory_space<vmem>>) semaphore(%run_scoped3A_139 : memref<!tpu.dma_semaphore, #tpu.memory_space<semaphore_mem>>) {add = true}
        %dma_wait3A_143 = arith.constant 0 : i32
        %dma_wait3A_144 = arith.constant 0 : i32
        %dma_wait3A_145 = tpu.memref_slice %arg13[%dma_wait3A_143, %dma_wait3A_144] : memref<10112x128xf32, #tpu.memory_space<vmem_shared>> -> memref<10112x128xf32, #tpu.memory_space<vmem_shared>>
        tpu.wait_indirect_dma semaphore(%run_scoped3A_139 : memref<!tpu.dma_semaphore, #tpu.memory_space<semaphore_mem>>) src(%arg9 : memref<128x128xf32, #tpu.memory_space<vmem>>) dst(%dma_wait3A_145 : memref<10112x128xf32, #tpu.memory_space<vmem_shared>>)
        tpu.yield
      }) : () -> ()
    }
    %scan3A_9 = arith.constant 39 : i32
    %add3A_10 = arith.constant 4992 : i32
    %add3A_11 = arith.addi %mul3A_2, %add3A_10 : i32
    "tpu.region"() ({
      %run_scoped3A_119 = tpu.sem_alloc : memref<!tpu.dma_semaphore, #tpu.memory_space<semaphore_mem>>
      %dma_start3A_120 = tpu.memref_slice %arg3[%add3A_11] : memref<160000xi32, #tpu.memory_space<hbm>> -> memref<8xi32, #tpu.memory_space<hbm>>
      %dma_start3A_121 = tpu.memref_slice %arg3[%add3A_11] : memref<160000xi32, #tpu.memory_space<hbm>> -> memref<8xi32, #tpu.memory_space<hbm>>
      tpu.enqueue_dma source(%dma_start3A_121 : memref<8xi32, #tpu.memory_space<hbm>>) target(%arg10 : memref<8xi32, #tpu.memory_space<vmem>>) target_semaphore(%run_scoped3A_119 : memref<!tpu.dma_semaphore, #tpu.memory_space<semaphore_mem>>)
      %dma_wait3A_122 = tpu.memref_slice %arg3[%add3A_11] : memref<160000xi32, #tpu.memory_space<hbm>> -> memref<8xi32, #tpu.memory_space<hbm>>
      %dma_wait3A_123 = tpu.memref_slice %arg3[%add3A_11] : memref<160000xi32, #tpu.memory_space<hbm>> -> memref<8xi32, #tpu.memory_space<hbm>>
      tpu.wait_dma2 semaphore(%run_scoped3A_119 : memref<!tpu.dma_semaphore, #tpu.memory_space<semaphore_mem>>) src(%dma_wait3A_123 : memref<8xi32, #tpu.memory_space<hbm>>) dst(%arg10 : memref<8xi32, #tpu.memory_space<vmem>>)
      tpu.yield
    }) : () -> ()
    "tpu.region"() ({
      %run_scoped3A_119 = tpu.sem_alloc : memref<!tpu.dma_semaphore, #tpu.memory_space<semaphore_mem>>
      %dma_start3A_120 = tpu.memref_slice %arg4[%add3A_11] : memref<160000xi32, #tpu.memory_space<hbm>> -> memref<8xi32, #tpu.memory_space<hbm>>
      %dma_start3A_121 = tpu.memref_slice %arg4[%add3A_11] : memref<160000xi32, #tpu.memory_space<hbm>> -> memref<8xi32, #tpu.memory_space<hbm>>
      tpu.enqueue_dma source(%dma_start3A_121 : memref<8xi32, #tpu.memory_space<hbm>>) target(%arg11 : memref<8xi32, #tpu.memory_space<vmem>>) target_semaphore(%run_scoped3A_119 : memref<!tpu.dma_semaphore, #tpu.memory_space<semaphore_mem>>)
      %dma_wait3A_122 = tpu.memref_slice %arg4[%add3A_11] : memref<160000xi32, #tpu.memory_space<hbm>> -> memref<8xi32, #tpu.memory_space<hbm>>
      %dma_wait3A_123 = tpu.memref_slice %arg4[%add3A_11] : memref<160000xi32, #tpu.memory_space<hbm>> -> memref<8xi32, #tpu.memory_space<hbm>>
      tpu.wait_dma2 semaphore(%run_scoped3A_119 : memref<!tpu.dma_semaphore, #tpu.memory_space<semaphore_mem>>) src(%dma_wait3A_123 : memref<8xi32, #tpu.memory_space<hbm>>) dst(%arg11 : memref<8xi32, #tpu.memory_space<vmem>>)
      tpu.yield
    }) : () -> ()
    %dma_start3A = arith.constant 0 : i32
    %dma_start3A_12 = arith.constant 0 : i32
    %dma_start3A_13 = arith.constant 0 : i32
    %dma_start3A_14 = tpu.memref_slice %arg2[%dma_start3A, %dma_start3A_12, %dma_start3A_13] : memref<4x10000x128xf32, #tpu.memory_space<hbm>> -> memref<1x10000x128xf32, #tpu.memory_space<hbm>>
    %dma_start3A_15 = tpu.memref_squeeze %dma_start3A_14 : memref<1x10000x128xf32, #tpu.memory_space<hbm>> -> memref<10000x128xf32, #tpu.memory_space<hbm>>
    %dma_start3A_16 = arith.constant 0 : i32
    %dma_start3A_17 = arith.constant 0 : i32
    %dma_start3A_18 = tpu.memref_slice %dma_start3A_15[%dma_start3A_16, %dma_start3A_17] : memref<10000x128xf32, #tpu.memory_space<hbm>> -> memref<10000x128xf32, #tpu.memory_space<hbm>>
    tpu.enqueue_indirect_dma source(%dma_start3A_18 : memref<10000x128xf32, #tpu.memory_space<hbm>>) target(%arg12 : memref<8x128xf32, #tpu.memory_space<vmem>>) offsets(%arg10 : memref<8xi32, #tpu.memory_space<vmem>>) semaphore(%arg14 : memref<!tpu.dma_semaphore, #tpu.memory_space<semaphore_mem>>)
    %dma_wait3A = arith.constant 0 : i32
    %dma_wait3A_19 = arith.constant 0 : i32
    %dma_wait3A_20 = arith.constant 0 : i32
    %dma_wait3A_21 = tpu.memref_slice %arg2[%dma_wait3A, %dma_wait3A_19, %dma_wait3A_20] : memref<4x10000x128xf32, #tpu.memory_space<hbm>> -> memref<1x10000x128xf32, #tpu.memory_space<hbm>>
    %dma_wait3A_22 = tpu.memref_squeeze %dma_wait3A_21 : memref<1x10000x128xf32, #tpu.memory_space<hbm>> -> memref<10000x128xf32, #tpu.memory_space<hbm>>
    %dma_wait3A_23 = arith.constant 0 : i32
    %dma_wait3A_24 = arith.constant 0 : i32
    %dma_wait3A_25 = tpu.memref_slice %dma_wait3A_22[%dma_wait3A_23, %dma_wait3A_24] : memref<10000x128xf32, #tpu.memory_space<hbm>> -> memref<10000x128xf32, #tpu.memory_space<hbm>>
    tpu.wait_indirect_dma semaphore(%arg14 : memref<!tpu.dma_semaphore, #tpu.memory_space<semaphore_mem>>) src(%dma_wait3A_25 : memref<10000x128xf32, #tpu.memory_space<hbm>>) dst(%arg12 : memref<8x128xf32, #tpu.memory_space<vmem>>)
    "tpu.region"() ({
      %run_scoped3A_119 = tpu.sem_alloc : memref<!tpu.dma_semaphore, #tpu.memory_space<semaphore_mem>>
      %dma_start3A_120 = arith.constant 0 : i32
      %dma_start3A_121 = arith.constant 0 : i32
      %dma_start3A_122 = tpu.memref_slice %arg13[%dma_start3A_120, %dma_start3A_121] : memref<10112x128xf32, #tpu.memory_space<vmem_shared>> -> memref<10112x128xf32, #tpu.memory_space<vmem_shared>>
      tpu.enqueue_indirect_dma source(%arg12 : memref<8x128xf32, #tpu.memory_space<vmem>>) target(%dma_start3A_122 : memref<10112x128xf32, #tpu.memory_space<vmem_shared>>) offsets(%arg11 : memref<8xi32, #tpu.memory_space<vmem>>) semaphore(%run_scoped3A_119 : memref<!tpu.dma_semaphore, #tpu.memory_space<semaphore_mem>>) {add = true}
      %dma_wait3A_123 = arith.constant 0 : i32
      %dma_wait3A_124 = arith.constant 0 : i32
      %dma_wait3A_125 = tpu.memref_slice %arg13[%dma_wait3A_123, %dma_wait3A_124] : memref<10112x128xf32, #tpu.memory_space<vmem_shared>> -> memref<10112x128xf32, #tpu.memory_space<vmem_shared>>
      tpu.wait_indirect_dma semaphore(%run_scoped3A_119 : memref<!tpu.dma_semaphore, #tpu.memory_space<semaphore_mem>>) src(%arg12 : memref<8x128xf32, #tpu.memory_space<vmem>>) dst(%dma_wait3A_125 : memref<10112x128xf32, #tpu.memory_space<vmem_shared>>)
      tpu.yield
    }) : () -> ()
    %barrier3A_26 = arith.constant 0 : index
    tpu.barrier barrier_id(%barrier3A_26)
    %delay3A = arith.constant 1024 : i32
    tpu.delay %delay3A
    %barrier3A_27 = arith.constant 0 : index
    tpu.barrier barrier_id(%barrier3A_27)
    %run_scoped3A = arith.constant 0 : i32
    "tpu.region"() ({
      %run_scoped3A_119 = tpu.sem_alloc : memref<!tpu.dma_semaphore, #tpu.memory_space<semaphore_mem>>
      %dma_start3A_120 = arith.constant 0 : i32
      %dma_start3A_121 = tpu.memref_slice %arg6[%run_scoped3A, %arg0, %mul3A_4, %dma_start3A_120] : memref<4x2x10112x128xf32, #tpu.memory_space<hbm>> -> memref<1x1x632x128xf32, #tpu.memory_space<hbm>>
      %dma_start3A_122 = tpu.memref_squeeze %dma_start3A_121 : memref<1x1x632x128xf32, #tpu.memory_space<hbm>> -> memref<632x128xf32, #tpu.memory_space<hbm>>
      %dma_start3A_123 = arith.constant 0 : i32
      %dma_start3A_124 = tpu.memref_slice %arg13[%mul3A_4, %dma_start3A_123] : memref<10112x128xf32, #tpu.memory_space<vmem_shared>> -> memref<632x128xf32, #tpu.memory_space<vmem_shared>>
      tpu.enqueue_dma source(%dma_start3A_124 : memref<632x128xf32, #tpu.memory_space<vmem_shared>>) target(%dma_start3A_122 : memref<632x128xf32, #tpu.memory_space<hbm>>) target_semaphore(%run_scoped3A_119 : memref<!tpu.dma_semaphore, #tpu.memory_space<semaphore_mem>>)
      %dma_wait3A_125 = arith.constant 0 : i32
      %dma_wait3A_126 = tpu.memref_slice %arg6[%run_scoped3A, %arg0, %mul3A_4, %dma_wait3A_125] : memref<4x2x10112x128xf32, #tpu.memory_space<hbm>> -> memref<1x1x632x128xf32, #tpu.memory_space<hbm>>
      %dma_wait3A_127 = tpu.memref_squeeze %dma_wait3A_126 : memref<1x1x632x128xf32, #tpu.memory_space<hbm>> -> memref<632x128xf32, #tpu.memory_space<hbm>>
      %dma_wait3A_128 = arith.constant 0 : i32
      %dma_wait3A_129 = tpu.memref_slice %arg13[%mul3A_4, %dma_wait3A_128] : memref<10112x128xf32, #tpu.memory_space<vmem_shared>> -> memref<632x128xf32, #tpu.memory_space<vmem_shared>>
      tpu.wait_dma2 semaphore(%run_scoped3A_119 : memref<!tpu.dma_semaphore, #tpu.memory_space<semaphore_mem>>) src(%dma_wait3A_129 : memref<632x128xf32, #tpu.memory_space<vmem_shared>>) dst(%dma_wait3A_127 : memref<632x128xf32, #tpu.memory_space<hbm>>)
      tpu.yield
    }) : () -> ()
    %barrier3A_28 = arith.constant 0 : index
    tpu.barrier barrier_id(%barrier3A_28)
    "tpu.region"() ({
      %run_scoped3A_119 = tpu.sem_alloc : memref<!tpu.dma_semaphore, #tpu.memory_space<semaphore_mem>>
      %dma_start3A_120 = arith.constant 0 : i32
      %dma_start3A_121 = tpu.memref_slice %arg13[%mul3A_4, %dma_start3A_120] : memref<10112x128xf32, #tpu.memory_space<vmem_shared>> -> memref<632x128xf32, #tpu.memory_space<vmem_shared>>
      tpu.enqueue_dma source(%arg5 : memref<632x128xf32, #tpu.memory_space<hbm>>) target(%dma_start3A_121 : memref<632x128xf32, #tpu.memory_space<vmem_shared>>) target_semaphore(%run_scoped3A_119 : memref<!tpu.dma_semaphore, #tpu.memory_space<semaphore_mem>>)
      %dma_wait3A_122 = arith.constant 0 : i32
      %dma_wait3A_123 = tpu.memref_slice %arg13[%mul3A_4, %dma_wait3A_122] : memref<10112x128xf32, #tpu.memory_space<vmem_shared>> -> memref<632x128xf32, #tpu.memory_space<vmem_shared>>
      tpu.wait_dma2 semaphore(%run_scoped3A_119 : memref<!tpu.dma_semaphore, #tpu.memory_space<semaphore_mem>>) src(%arg5 : memref<632x128xf32, #tpu.memory_space<hbm>>) dst(%dma_wait3A_123 : memref<632x128xf32, #tpu.memory_space<vmem_shared>>)
      tpu.yield
    }) : () -> ()
    %barrier3A_29 = arith.constant 0 : index
    tpu.barrier barrier_id(%barrier3A_29)
    %scan3A_30 = arith.constant 0 : i32
    %scan3A_31 = arith.constant 0 : i32
    %scan3A_32 = arith.constant 39 : i32
    %scan3A_33 = arith.addi %scan3A_31, %scan3A_32 : i32
    %scan3A_34 = arith.constant 1 : i32
    scf.for %scan3A_119 = %scan3A_31 to %scan3A_33 step %scan3A_34  : i32 {
      %mul3A_120 = arith.constant 128 : i32
      %mul3A_121 = arith.muli %scan3A_119, %mul3A_120 : i32
      %add3A_122 = arith.addi %mul3A_2, %mul3A_121 : i32
      "tpu.region"() ({
        %run_scoped3A_139 = tpu.sem_alloc : memref<!tpu.dma_semaphore, #tpu.memory_space<semaphore_mem>>
        %dma_start3A_140 = tpu.memref_slice %arg3[%add3A_122] : memref<160000xi32, #tpu.memory_space<hbm>> -> memref<128xi32, #tpu.memory_space<hbm>>
        %dma_start3A_141 = tpu.memref_slice %arg3[%add3A_122] : memref<160000xi32, #tpu.memory_space<hbm>> -> memref<128xi32, #tpu.memory_space<hbm>>
        tpu.enqueue_dma source(%dma_start3A_141 : memref<128xi32, #tpu.memory_space<hbm>>) target(%arg7 : memref<128xi32, #tpu.memory_space<vmem>>) target_semaphore(%run_scoped3A_139 : memref<!tpu.dma_semaphore, #tpu.memory_space<semaphore_mem>>)
        %dma_wait3A_142 = tpu.memref_slice %arg3[%add3A_122] : memref<160000xi32, #tpu.memory_space<hbm>> -> memref<128xi32, #tpu.memory_space<hbm>>
        %dma_wait3A_143 = tpu.memref_slice %arg3[%add3A_122] : memref<160000xi32, #tpu.memory_space<hbm>> -> memref<128xi32, #tpu.memory_space<hbm>>
        tpu.wait_dma2 semaphore(%run_scoped3A_139 : memref<!tpu.dma_semaphore, #tpu.memory_space<semaphore_mem>>) src(%dma_wait3A_143 : memref<128xi32, #tpu.memory_space<hbm>>) dst(%arg7 : memref<128xi32, #tpu.memory_space<vmem>>)
        tpu.yield
      }) : () -> ()
      "tpu.region"() ({
        %run_scoped3A_139 = tpu.sem_alloc : memref<!tpu.dma_semaphore, #tpu.memory_space<semaphore_mem>>
        %dma_start3A_140 = tpu.memref_slice %arg4[%add3A_122] : memref<160000xi32, #tpu.memory_space<hbm>> -> memref<128xi32, #tpu.memory_space<hbm>>
        %dma_start3A_141 = tpu.memref_slice %arg4[%add3A_122] : memref<160000xi32, #tpu.memory_space<hbm>> -> memref<128xi32, #tpu.memory_space<hbm>>
        tpu.enqueue_dma source(%dma_start3A_141 : memref<128xi32, #tpu.memory_space<hbm>>) target(%arg8 : memref<128xi32, #tpu.memory_space<vmem>>) target_semaphore(%run_scoped3A_139 : memref<!tpu.dma_semaphore, #tpu.memory_space<semaphore_mem>>)
        %dma_wait3A_142 = tpu.memref_slice %arg4[%add3A_122] : memref<160000xi32, #tpu.memory_space<hbm>> -> memref<128xi32, #tpu.memory_space<hbm>>
        %dma_wait3A_143 = tpu.memref_slice %arg4[%add3A_122] : memref<160000xi32, #tpu.memory_space<hbm>> -> memref<128xi32, #tpu.memory_space<hbm>>
        tpu.wait_dma2 semaphore(%run_scoped3A_139 : memref<!tpu.dma_semaphore, #tpu.memory_space<semaphore_mem>>) src(%dma_wait3A_143 : memref<128xi32, #tpu.memory_space<hbm>>) dst(%arg8 : memref<128xi32, #tpu.memory_space<vmem>>)
        tpu.yield
      }) : () -> ()
      %dma_start3A_123 = arith.constant 1 : i32
      %dma_start3A_124 = arith.constant 0 : i32
      %dma_start3A_125 = arith.constant 0 : i32
      %dma_start3A_126 = tpu.memref_slice %arg2[%dma_start3A_123, %dma_start3A_124, %dma_start3A_125] : memref<4x10000x128xf32, #tpu.memory_space<hbm>> -> memref<1x10000x128xf32, #tpu.memory_space<hbm>>
      %dma_start3A_127 = tpu.memref_squeeze %dma_start3A_126 : memref<1x10000x128xf32, #tpu.memory_space<hbm>> -> memref<10000x128xf32, #tpu.memory_space<hbm>>
      %dma_start3A_128 = arith.constant 0 : i32
      %dma_start3A_129 = arith.constant 0 : i32
      %dma_start3A_130 = tpu.memref_slice %dma_start3A_127[%dma_start3A_128, %dma_start3A_129] : memref<10000x128xf32, #tpu.memory_space<hbm>> -> memref<10000x128xf32, #tpu.memory_space<hbm>>
      tpu.enqueue_indirect_dma source(%dma_start3A_130 : memref<10000x128xf32, #tpu.memory_space<hbm>>) target(%arg9 : memref<128x128xf32, #tpu.memory_space<vmem>>) offsets(%arg7 : memref<128xi32, #tpu.memory_space<vmem>>) semaphore(%arg14 : memref<!tpu.dma_semaphore, #tpu.memory_space<semaphore_mem>>)
      %dma_wait3A_131 = arith.constant 1 : i32
      %dma_wait3A_132 = arith.constant 0 : i32
      %dma_wait3A_133 = arith.constant 0 : i32
      %dma_wait3A_134 = tpu.memref_slice %arg2[%dma_wait3A_131, %dma_wait3A_132, %dma_wait3A_133] : memref<4x10000x128xf32, #tpu.memory_space<hbm>> -> memref<1x10000x128xf32, #tpu.memory_space<hbm>>
      %dma_wait3A_135 = tpu.memref_squeeze %dma_wait3A_134 : memref<1x10000x128xf32, #tpu.memory_space<hbm>> -> memref<10000x128xf32, #tpu.memory_space<hbm>>
      %dma_wait3A_136 = arith.constant 0 : i32
      %dma_wait3A_137 = arith.constant 0 : i32
      %dma_wait3A_138 = tpu.memref_slice %dma_wait3A_135[%dma_wait3A_136, %dma_wait3A_137] : memref<10000x128xf32, #tpu.memory_space<hbm>> -> memref<10000x128xf32, #tpu.memory_space<hbm>>
      tpu.wait_indirect_dma semaphore(%arg14 : memref<!tpu.dma_semaphore, #tpu.memory_space<semaphore_mem>>) src(%dma_wait3A_138 : memref<10000x128xf32, #tpu.memory_space<hbm>>) dst(%arg9 : memref<128x128xf32, #tpu.memory_space<vmem>>)
      "tpu.region"() ({
        %run_scoped3A_139 = tpu.sem_alloc : memref<!tpu.dma_semaphore, #tpu.memory_space<semaphore_mem>>
        %dma_start3A_140 = arith.constant 0 : i32
        %dma_start3A_141 = arith.constant 0 : i32
        %dma_start3A_142 = tpu.memref_slice %arg13[%dma_start3A_140, %dma_start3A_141] : memref<10112x128xf32, #tpu.memory_space<vmem_shared>> -> memref<10112x128xf32, #tpu.memory_space<vmem_shared>>
        tpu.enqueue_indirect_dma source(%arg9 : memref<128x128xf32, #tpu.memory_space<vmem>>) target(%dma_start3A_142 : memref<10112x128xf32, #tpu.memory_space<vmem_shared>>) offsets(%arg8 : memref<128xi32, #tpu.memory_space<vmem>>) semaphore(%run_scoped3A_139 : memref<!tpu.dma_semaphore, #tpu.memory_space<semaphore_mem>>) {add = true}
        %dma_wait3A_143 = arith.constant 0 : i32
        %dma_wait3A_144 = arith.constant 0 : i32
        %dma_wait3A_145 = tpu.memref_slice %arg13[%dma_wait3A_143, %dma_wait3A_144] : memref<10112x128xf32, #tpu.memory_space<vmem_shared>> -> memref<10112x128xf32, #tpu.memory_space<vmem_shared>>
        tpu.wait_indirect_dma semaphore(%run_scoped3A_139 : memref<!tpu.dma_semaphore, #tpu.memory_space<semaphore_mem>>) src(%arg9 : memref<128x128xf32, #tpu.memory_space<vmem>>) dst(%dma_wait3A_145 : memref<10112x128xf32, #tpu.memory_space<vmem_shared>>)
        tpu.yield
      }) : () -> ()
    }
    %scan3A_35 = arith.constant 39 : i32
    %add3A_36 = arith.constant 4992 : i32
    %add3A_37 = arith.addi %mul3A_2, %add3A_36 : i32
    "tpu.region"() ({
      %run_scoped3A_119 = tpu.sem_alloc : memref<!tpu.dma_semaphore, #tpu.memory_space<semaphore_mem>>
      %dma_start3A_120 = tpu.memref_slice %arg3[%add3A_37] : memref<160000xi32, #tpu.memory_space<hbm>> -> memref<8xi32, #tpu.memory_space<hbm>>
      %dma_start3A_121 = tpu.memref_slice %arg3[%add3A_37] : memref<160000xi32, #tpu.memory_space<hbm>> -> memref<8xi32, #tpu.memory_space<hbm>>
      tpu.enqueue_dma source(%dma_start3A_121 : memref<8xi32, #tpu.memory_space<hbm>>) target(%arg10 : memref<8xi32, #tpu.memory_space<vmem>>) target_semaphore(%run_scoped3A_119 : memref<!tpu.dma_semaphore, #tpu.memory_space<semaphore_mem>>)
      %dma_wait3A_122 = tpu.memref_slice %arg3[%add3A_37] : memref<160000xi32, #tpu.memory_space<hbm>> -> memref<8xi32, #tpu.memory_space<hbm>>
      %dma_wait3A_123 = tpu.memref_slice %arg3[%add3A_37] : memref<160000xi32, #tpu.memory_space<hbm>> -> memref<8xi32, #tpu.memory_space<hbm>>
      tpu.wait_dma2 semaphore(%run_scoped3A_119 : memref<!tpu.dma_semaphore, #tpu.memory_space<semaphore_mem>>) src(%dma_wait3A_123 : memref<8xi32, #tpu.memory_space<hbm>>) dst(%arg10 : memref<8xi32, #tpu.memory_space<vmem>>)
      tpu.yield
    }) : () -> ()
    "tpu.region"() ({
      %run_scoped3A_119 = tpu.sem_alloc : memref<!tpu.dma_semaphore, #tpu.memory_space<semaphore_mem>>
      %dma_start3A_120 = tpu.memref_slice %arg4[%add3A_37] : memref<160000xi32, #tpu.memory_space<hbm>> -> memref<8xi32, #tpu.memory_space<hbm>>
      %dma_start3A_121 = tpu.memref_slice %arg4[%add3A_37] : memref<160000xi32, #tpu.memory_space<hbm>> -> memref<8xi32, #tpu.memory_space<hbm>>
      tpu.enqueue_dma source(%dma_start3A_121 : memref<8xi32, #tpu.memory_space<hbm>>) target(%arg11 : memref<8xi32, #tpu.memory_space<vmem>>) target_semaphore(%run_scoped3A_119 : memref<!tpu.dma_semaphore, #tpu.memory_space<semaphore_mem>>)
      %dma_wait3A_122 = tpu.memref_slice %arg4[%add3A_37] : memref<160000xi32, #tpu.memory_space<hbm>> -> memref<8xi32, #tpu.memory_space<hbm>>
      %dma_wait3A_123 = tpu.memref_slice %arg4[%add3A_37] : memref<160000xi32, #tpu.memory_space<hbm>> -> memref<8xi32, #tpu.memory_space<hbm>>
      tpu.wait_dma2 semaphore(%run_scoped3A_119 : memref<!tpu.dma_semaphore, #tpu.memory_space<semaphore_mem>>) src(%dma_wait3A_123 : memref<8xi32, #tpu.memory_space<hbm>>) dst(%arg11 : memref<8xi32, #tpu.memory_space<vmem>>)
      tpu.yield
    }) : () -> ()
    %dma_start3A_38 = arith.constant 1 : i32
    %dma_start3A_39 = arith.constant 0 : i32
    %dma_start3A_40 = arith.constant 0 : i32
    %dma_start3A_41 = tpu.memref_slice %arg2[%dma_start3A_38, %dma_start3A_39, %dma_start3A_40] : memref<4x10000x128xf32, #tpu.memory_space<hbm>> -> memref<1x10000x128xf32, #tpu.memory_space<hbm>>
    %dma_start3A_42 = tpu.memref_squeeze %dma_start3A_41 : memref<1x10000x128xf32, #tpu.memory_space<hbm>> -> memref<10000x128xf32, #tpu.memory_space<hbm>>
    %dma_start3A_43 = arith.constant 0 : i32
    %dma_start3A_44 = arith.constant 0 : i32
    %dma_start3A_45 = tpu.memref_slice %dma_start3A_42[%dma_start3A_43, %dma_start3A_44] : memref<10000x128xf32, #tpu.memory_space<hbm>> -> memref<10000x128xf32, #tpu.memory_space<hbm>>
    tpu.enqueue_indirect_dma source(%dma_start3A_45 : memref<10000x128xf32, #tpu.memory_space<hbm>>) target(%arg12 : memref<8x128xf32, #tpu.memory_space<vmem>>) offsets(%arg10 : memref<8xi32, #tpu.memory_space<vmem>>) semaphore(%arg14 : memref<!tpu.dma_semaphore, #tpu.memory_space<semaphore_mem>>)
    %dma_wait3A_46 = arith.constant 1 : i32
    %dma_wait3A_47 = arith.constant 0 : i32
    %dma_wait3A_48 = arith.constant 0 : i32
    %dma_wait3A_49 = tpu.memref_slice %arg2[%dma_wait3A_46, %dma_wait3A_47, %dma_wait3A_48] : memref<4x10000x128xf32, #tpu.memory_space<hbm>> -> memref<1x10000x128xf32, #tpu.memory_space<hbm>>
    %dma_wait3A_50 = tpu.memref_squeeze %dma_wait3A_49 : memref<1x10000x128xf32, #tpu.memory_space<hbm>> -> memref<10000x128xf32, #tpu.memory_space<hbm>>
    %dma_wait3A_51 = arith.constant 0 : i32
    %dma_wait3A_52 = arith.constant 0 : i32
    %dma_wait3A_53 = tpu.memref_slice %dma_wait3A_50[%dma_wait3A_51, %dma_wait3A_52] : memref<10000x128xf32, #tpu.memory_space<hbm>> -> memref<10000x128xf32, #tpu.memory_space<hbm>>
    tpu.wait_indirect_dma semaphore(%arg14 : memref<!tpu.dma_semaphore, #tpu.memory_space<semaphore_mem>>) src(%dma_wait3A_53 : memref<10000x128xf32, #tpu.memory_space<hbm>>) dst(%arg12 : memref<8x128xf32, #tpu.memory_space<vmem>>)
    "tpu.region"() ({
      %run_scoped3A_119 = tpu.sem_alloc : memref<!tpu.dma_semaphore, #tpu.memory_space<semaphore_mem>>
      %dma_start3A_120 = arith.constant 0 : i32
      %dma_start3A_121 = arith.constant 0 : i32
      %dma_start3A_122 = tpu.memref_slice %arg13[%dma_start3A_120, %dma_start3A_121] : memref<10112x128xf32, #tpu.memory_space<vmem_shared>> -> memref<10112x128xf32, #tpu.memory_space<vmem_shared>>
      tpu.enqueue_indirect_dma source(%arg12 : memref<8x128xf32, #tpu.memory_space<vmem>>) target(%dma_start3A_122 : memref<10112x128xf32, #tpu.memory_space<vmem_shared>>) offsets(%arg11 : memref<8xi32, #tpu.memory_space<vmem>>) semaphore(%run_scoped3A_119 : memref<!tpu.dma_semaphore, #tpu.memory_space<semaphore_mem>>) {add = true}
      %dma_wait3A_123 = arith.constant 0 : i32
      %dma_wait3A_124 = arith.constant 0 : i32
      %dma_wait3A_125 = tpu.memref_slice %arg13[%dma_wait3A_123, %dma_wait3A_124] : memref<10112x128xf32, #tpu.memory_space<vmem_shared>> -> memref<10112x128xf32, #tpu.memory_space<vmem_shared>>
      tpu.wait_indirect_dma semaphore(%run_scoped3A_119 : memref<!tpu.dma_semaphore, #tpu.memory_space<semaphore_mem>>) src(%arg12 : memref<8x128xf32, #tpu.memory_space<vmem>>) dst(%dma_wait3A_125 : memref<10112x128xf32, #tpu.memory_space<vmem_shared>>)
      tpu.yield
    }) : () -> ()
    %barrier3A_54 = arith.constant 0 : index
    tpu.barrier barrier_id(%barrier3A_54)
    %delay3A_55 = arith.constant 1024 : i32
    tpu.delay %delay3A_55
    %barrier3A_56 = arith.constant 0 : index
    tpu.barrier barrier_id(%barrier3A_56)
    %run_scoped3A_57 = arith.constant 1 : i32
    "tpu.region"() ({
      %run_scoped3A_119 = tpu.sem_alloc : memref<!tpu.dma_semaphore, #tpu.memory_space<semaphore_mem>>
      %dma_start3A_120 = arith.constant 0 : i32
      %dma_start3A_121 = tpu.memref_slice %arg6[%run_scoped3A_57, %arg0, %mul3A_4, %dma_start3A_120] : memref<4x2x10112x128xf32, #tpu.memory_space<hbm>> -> memref<1x1x632x128xf32, #tpu.memory_space<hbm>>
      %dma_start3A_122 = tpu.memref_squeeze %dma_start3A_121 : memref<1x1x632x128xf32, #tpu.memory_space<hbm>> -> memref<632x128xf32, #tpu.memory_space<hbm>>
      %dma_start3A_123 = arith.constant 0 : i32
      %dma_start3A_124 = tpu.memref_slice %arg13[%mul3A_4, %dma_start3A_123] : memref<10112x128xf32, #tpu.memory_space<vmem_shared>> -> memref<632x128xf32, #tpu.memory_space<vmem_shared>>
      tpu.enqueue_dma source(%dma_start3A_124 : memref<632x128xf32, #tpu.memory_space<vmem_shared>>) target(%dma_start3A_122 : memref<632x128xf32, #tpu.memory_space<hbm>>) target_semaphore(%run_scoped3A_119 : memref<!tpu.dma_semaphore, #tpu.memory_space<semaphore_mem>>)
      %dma_wait3A_125 = arith.constant 0 : i32
      %dma_wait3A_126 = tpu.memref_slice %arg6[%run_scoped3A_57, %arg0, %mul3A_4, %dma_wait3A_125] : memref<4x2x10112x128xf32, #tpu.memory_space<hbm>> -> memref<1x1x632x128xf32, #tpu.memory_space<hbm>>
      %dma_wait3A_127 = tpu.memref_squeeze %dma_wait3A_126 : memref<1x1x632x128xf32, #tpu.memory_space<hbm>> -> memref<632x128xf32, #tpu.memory_space<hbm>>
      %dma_wait3A_128 = arith.constant 0 : i32
      %dma_wait3A_129 = tpu.memref_slice %arg13[%mul3A_4, %dma_wait3A_128] : memref<10112x128xf32, #tpu.memory_space<vmem_shared>> -> memref<632x128xf32, #tpu.memory_space<vmem_shared>>
      tpu.wait_dma2 semaphore(%run_scoped3A_119 : memref<!tpu.dma_semaphore, #tpu.memory_space<semaphore_mem>>) src(%dma_wait3A_129 : memref<632x128xf32, #tpu.memory_space<vmem_shared>>) dst(%dma_wait3A_127 : memref<632x128xf32, #tpu.memory_space<hbm>>)
      tpu.yield
    }) : () -> ()
    %barrier3A_58 = arith.constant 0 : index
    tpu.barrier barrier_id(%barrier3A_58)
    "tpu.region"() ({
      %run_scoped3A_119 = tpu.sem_alloc : memref<!tpu.dma_semaphore, #tpu.memory_space<semaphore_mem>>
      %dma_start3A_120 = arith.constant 0 : i32
      %dma_start3A_121 = tpu.memref_slice %arg13[%mul3A_4, %dma_start3A_120] : memref<10112x128xf32, #tpu.memory_space<vmem_shared>> -> memref<632x128xf32, #tpu.memory_space<vmem_shared>>
      tpu.enqueue_dma source(%arg5 : memref<632x128xf32, #tpu.memory_space<hbm>>) target(%dma_start3A_121 : memref<632x128xf32, #tpu.memory_space<vmem_shared>>) target_semaphore(%run_scoped3A_119 : memref<!tpu.dma_semaphore, #tpu.memory_space<semaphore_mem>>)
      %dma_wait3A_122 = arith.constant 0 : i32
      %dma_wait3A_123 = tpu.memref_slice %arg13[%mul3A_4, %dma_wait3A_122] : memref<10112x128xf32, #tpu.memory_space<vmem_shared>> -> memref<632x128xf32, #tpu.memory_space<vmem_shared>>
      tpu.wait_dma2 semaphore(%run_scoped3A_119 : memref<!tpu.dma_semaphore, #tpu.memory_space<semaphore_mem>>) src(%arg5 : memref<632x128xf32, #tpu.memory_space<hbm>>) dst(%dma_wait3A_123 : memref<632x128xf32, #tpu.memory_space<vmem_shared>>)
      tpu.yield
    }) : () -> ()
    %barrier3A_59 = arith.constant 0 : index
    tpu.barrier barrier_id(%barrier3A_59)
    %scan3A_60 = arith.constant 0 : i32
    %scan3A_61 = arith.constant 0 : i32
    %scan3A_62 = arith.constant 39 : i32
    %scan3A_63 = arith.addi %scan3A_61, %scan3A_62 : i32
    %scan3A_64 = arith.constant 1 : i32
    scf.for %scan3A_119 = %scan3A_61 to %scan3A_63 step %scan3A_64  : i32 {
      %mul3A_120 = arith.constant 128 : i32
      %mul3A_121 = arith.muli %scan3A_119, %mul3A_120 : i32
      %add3A_122 = arith.addi %mul3A_2, %mul3A_121 : i32
      "tpu.region"() ({
        %run_scoped3A_139 = tpu.sem_alloc : memref<!tpu.dma_semaphore, #tpu.memory_space<semaphore_mem>>
        %dma_start3A_140 = tpu.memref_slice %arg3[%add3A_122] : memref<160000xi32, #tpu.memory_space<hbm>> -> memref<128xi32, #tpu.memory_space<hbm>>
        %dma_start3A_141 = tpu.memref_slice %arg3[%add3A_122] : memref<160000xi32, #tpu.memory_space<hbm>> -> memref<128xi32, #tpu.memory_space<hbm>>
        tpu.enqueue_dma source(%dma_start3A_141 : memref<128xi32, #tpu.memory_space<hbm>>) target(%arg7 : memref<128xi32, #tpu.memory_space<vmem>>) target_semaphore(%run_scoped3A_139 : memref<!tpu.dma_semaphore, #tpu.memory_space<semaphore_mem>>)
        %dma_wait3A_142 = tpu.memref_slice %arg3[%add3A_122] : memref<160000xi32, #tpu.memory_space<hbm>> -> memref<128xi32, #tpu.memory_space<hbm>>
        %dma_wait3A_143 = tpu.memref_slice %arg3[%add3A_122] : memref<160000xi32, #tpu.memory_space<hbm>> -> memref<128xi32, #tpu.memory_space<hbm>>
        tpu.wait_dma2 semaphore(%run_scoped3A_139 : memref<!tpu.dma_semaphore, #tpu.memory_space<semaphore_mem>>) src(%dma_wait3A_143 : memref<128xi32, #tpu.memory_space<hbm>>) dst(%arg7 : memref<128xi32, #tpu.memory_space<vmem>>)
        tpu.yield
      }) : () -> ()
      "tpu.region"() ({
        %run_scoped3A_139 = tpu.sem_alloc : memref<!tpu.dma_semaphore, #tpu.memory_space<semaphore_mem>>
        %dma_start3A_140 = tpu.memref_slice %arg4[%add3A_122] : memref<160000xi32, #tpu.memory_space<hbm>> -> memref<128xi32, #tpu.memory_space<hbm>>
        %dma_start3A_141 = tpu.memref_slice %arg4[%add3A_122] : memref<160000xi32, #tpu.memory_space<hbm>> -> memref<128xi32, #tpu.memory_space<hbm>>
        tpu.enqueue_dma source(%dma_start3A_141 : memref<128xi32, #tpu.memory_space<hbm>>) target(%arg8 : memref<128xi32, #tpu.memory_space<vmem>>) target_semaphore(%run_scoped3A_139 : memref<!tpu.dma_semaphore, #tpu.memory_space<semaphore_mem>>)
        %dma_wait3A_142 = tpu.memref_slice %arg4[%add3A_122] : memref<160000xi32, #tpu.memory_space<hbm>> -> memref<128xi32, #tpu.memory_space<hbm>>
        %dma_wait3A_143 = tpu.memref_slice %arg4[%add3A_122] : memref<160000xi32, #tpu.memory_space<hbm>> -> memref<128xi32, #tpu.memory_space<hbm>>
        tpu.wait_dma2 semaphore(%run_scoped3A_139 : memref<!tpu.dma_semaphore, #tpu.memory_space<semaphore_mem>>) src(%dma_wait3A_143 : memref<128xi32, #tpu.memory_space<hbm>>) dst(%arg8 : memref<128xi32, #tpu.memory_space<vmem>>)
        tpu.yield
      }) : () -> ()
      %dma_start3A_123 = arith.constant 2 : i32
      %dma_start3A_124 = arith.constant 0 : i32
      %dma_start3A_125 = arith.constant 0 : i32
      %dma_start3A_126 = tpu.memref_slice %arg2[%dma_start3A_123, %dma_start3A_124, %dma_start3A_125] : memref<4x10000x128xf32, #tpu.memory_space<hbm>> -> memref<1x10000x128xf32, #tpu.memory_space<hbm>>
      %dma_start3A_127 = tpu.memref_squeeze %dma_start3A_126 : memref<1x10000x128xf32, #tpu.memory_space<hbm>> -> memref<10000x128xf32, #tpu.memory_space<hbm>>
      %dma_start3A_128 = arith.constant 0 : i32
      %dma_start3A_129 = arith.constant 0 : i32
      %dma_start3A_130 = tpu.memref_slice %dma_start3A_127[%dma_start3A_128, %dma_start3A_129] : memref<10000x128xf32, #tpu.memory_space<hbm>> -> memref<10000x128xf32, #tpu.memory_space<hbm>>
      tpu.enqueue_indirect_dma source(%dma_start3A_130 : memref<10000x128xf32, #tpu.memory_space<hbm>>) target(%arg9 : memref<128x128xf32, #tpu.memory_space<vmem>>) offsets(%arg7 : memref<128xi32, #tpu.memory_space<vmem>>) semaphore(%arg14 : memref<!tpu.dma_semaphore, #tpu.memory_space<semaphore_mem>>)
      %dma_wait3A_131 = arith.constant 2 : i32
      %dma_wait3A_132 = arith.constant 0 : i32
      %dma_wait3A_133 = arith.constant 0 : i32
      %dma_wait3A_134 = tpu.memref_slice %arg2[%dma_wait3A_131, %dma_wait3A_132, %dma_wait3A_133] : memref<4x10000x128xf32, #tpu.memory_space<hbm>> -> memref<1x10000x128xf32, #tpu.memory_space<hbm>>
      %dma_wait3A_135 = tpu.memref_squeeze %dma_wait3A_134 : memref<1x10000x128xf32, #tpu.memory_space<hbm>> -> memref<10000x128xf32, #tpu.memory_space<hbm>>
      %dma_wait3A_136 = arith.constant 0 : i32
      %dma_wait3A_137 = arith.constant 0 : i32
      %dma_wait3A_138 = tpu.memref_slice %dma_wait3A_135[%dma_wait3A_136, %dma_wait3A_137] : memref<10000x128xf32, #tpu.memory_space<hbm>> -> memref<10000x128xf32, #tpu.memory_space<hbm>>
      tpu.wait_indirect_dma semaphore(%arg14 : memref<!tpu.dma_semaphore, #tpu.memory_space<semaphore_mem>>) src(%dma_wait3A_138 : memref<10000x128xf32, #tpu.memory_space<hbm>>) dst(%arg9 : memref<128x128xf32, #tpu.memory_space<vmem>>)
      "tpu.region"() ({
        %run_scoped3A_139 = tpu.sem_alloc : memref<!tpu.dma_semaphore, #tpu.memory_space<semaphore_mem>>
        %dma_start3A_140 = arith.constant 0 : i32
        %dma_start3A_141 = arith.constant 0 : i32
        %dma_start3A_142 = tpu.memref_slice %arg13[%dma_start3A_140, %dma_start3A_141] : memref<10112x128xf32, #tpu.memory_space<vmem_shared>> -> memref<10112x128xf32, #tpu.memory_space<vmem_shared>>
        tpu.enqueue_indirect_dma source(%arg9 : memref<128x128xf32, #tpu.memory_space<vmem>>) target(%dma_start3A_142 : memref<10112x128xf32, #tpu.memory_space<vmem_shared>>) offsets(%arg8 : memref<128xi32, #tpu.memory_space<vmem>>) semaphore(%run_scoped3A_139 : memref<!tpu.dma_semaphore, #tpu.memory_space<semaphore_mem>>) {add = true}
        %dma_wait3A_143 = arith.constant 0 : i32
        %dma_wait3A_144 = arith.constant 0 : i32
        %dma_wait3A_145 = tpu.memref_slice %arg13[%dma_wait3A_143, %dma_wait3A_144] : memref<10112x128xf32, #tpu.memory_space<vmem_shared>> -> memref<10112x128xf32, #tpu.memory_space<vmem_shared>>
        tpu.wait_indirect_dma semaphore(%run_scoped3A_139 : memref<!tpu.dma_semaphore, #tpu.memory_space<semaphore_mem>>) src(%arg9 : memref<128x128xf32, #tpu.memory_space<vmem>>) dst(%dma_wait3A_145 : memref<10112x128xf32, #tpu.memory_space<vmem_shared>>)
        tpu.yield
      }) : () -> ()
    }
    %scan3A_65 = arith.constant 39 : i32
    %add3A_66 = arith.constant 4992 : i32
    %add3A_67 = arith.addi %mul3A_2, %add3A_66 : i32
    "tpu.region"() ({
      %run_scoped3A_119 = tpu.sem_alloc : memref<!tpu.dma_semaphore, #tpu.memory_space<semaphore_mem>>
      %dma_start3A_120 = tpu.memref_slice %arg3[%add3A_67] : memref<160000xi32, #tpu.memory_space<hbm>> -> memref<8xi32, #tpu.memory_space<hbm>>
      %dma_start3A_121 = tpu.memref_slice %arg3[%add3A_67] : memref<160000xi32, #tpu.memory_space<hbm>> -> memref<8xi32, #tpu.memory_space<hbm>>
      tpu.enqueue_dma source(%dma_start3A_121 : memref<8xi32, #tpu.memory_space<hbm>>) target(%arg10 : memref<8xi32, #tpu.memory_space<vmem>>) target_semaphore(%run_scoped3A_119 : memref<!tpu.dma_semaphore, #tpu.memory_space<semaphore_mem>>)
      %dma_wait3A_122 = tpu.memref_slice %arg3[%add3A_67] : memref<160000xi32, #tpu.memory_space<hbm>> -> memref<8xi32, #tpu.memory_space<hbm>>
      %dma_wait3A_123 = tpu.memref_slice %arg3[%add3A_67] : memref<160000xi32, #tpu.memory_space<hbm>> -> memref<8xi32, #tpu.memory_space<hbm>>
      tpu.wait_dma2 semaphore(%run_scoped3A_119 : memref<!tpu.dma_semaphore, #tpu.memory_space<semaphore_mem>>) src(%dma_wait3A_123 : memref<8xi32, #tpu.memory_space<hbm>>) dst(%arg10 : memref<8xi32, #tpu.memory_space<vmem>>)
      tpu.yield
    }) : () -> ()
    "tpu.region"() ({
      %run_scoped3A_119 = tpu.sem_alloc : memref<!tpu.dma_semaphore, #tpu.memory_space<semaphore_mem>>
      %dma_start3A_120 = tpu.memref_slice %arg4[%add3A_67] : memref<160000xi32, #tpu.memory_space<hbm>> -> memref<8xi32, #tpu.memory_space<hbm>>
      %dma_start3A_121 = tpu.memref_slice %arg4[%add3A_67] : memref<160000xi32, #tpu.memory_space<hbm>> -> memref<8xi32, #tpu.memory_space<hbm>>
      tpu.enqueue_dma source(%dma_start3A_121 : memref<8xi32, #tpu.memory_space<hbm>>) target(%arg11 : memref<8xi32, #tpu.memory_space<vmem>>) target_semaphore(%run_scoped3A_119 : memref<!tpu.dma_semaphore, #tpu.memory_space<semaphore_mem>>)
      %dma_wait3A_122 = tpu.memref_slice %arg4[%add3A_67] : memref<160000xi32, #tpu.memory_space<hbm>> -> memref<8xi32, #tpu.memory_space<hbm>>
      %dma_wait3A_123 = tpu.memref_slice %arg4[%add3A_67] : memref<160000xi32, #tpu.memory_space<hbm>> -> memref<8xi32, #tpu.memory_space<hbm>>
      tpu.wait_dma2 semaphore(%run_scoped3A_119 : memref<!tpu.dma_semaphore, #tpu.memory_space<semaphore_mem>>) src(%dma_wait3A_123 : memref<8xi32, #tpu.memory_space<hbm>>) dst(%arg11 : memref<8xi32, #tpu.memory_space<vmem>>)
      tpu.yield
    }) : () -> ()
    %dma_start3A_68 = arith.constant 2 : i32
    %dma_start3A_69 = arith.constant 0 : i32
    %dma_start3A_70 = arith.constant 0 : i32
    %dma_start3A_71 = tpu.memref_slice %arg2[%dma_start3A_68, %dma_start3A_69, %dma_start3A_70] : memref<4x10000x128xf32, #tpu.memory_space<hbm>> -> memref<1x10000x128xf32, #tpu.memory_space<hbm>>
    %dma_start3A_72 = tpu.memref_squeeze %dma_start3A_71 : memref<1x10000x128xf32, #tpu.memory_space<hbm>> -> memref<10000x128xf32, #tpu.memory_space<hbm>>
    %dma_start3A_73 = arith.constant 0 : i32
    %dma_start3A_74 = arith.constant 0 : i32
    %dma_start3A_75 = tpu.memref_slice %dma_start3A_72[%dma_start3A_73, %dma_start3A_74] : memref<10000x128xf32, #tpu.memory_space<hbm>> -> memref<10000x128xf32, #tpu.memory_space<hbm>>
    tpu.enqueue_indirect_dma source(%dma_start3A_75 : memref<10000x128xf32, #tpu.memory_space<hbm>>) target(%arg12 : memref<8x128xf32, #tpu.memory_space<vmem>>) offsets(%arg10 : memref<8xi32, #tpu.memory_space<vmem>>) semaphore(%arg14 : memref<!tpu.dma_semaphore, #tpu.memory_space<semaphore_mem>>)
    %dma_wait3A_76 = arith.constant 2 : i32
    %dma_wait3A_77 = arith.constant 0 : i32
    %dma_wait3A_78 = arith.constant 0 : i32
    %dma_wait3A_79 = tpu.memref_slice %arg2[%dma_wait3A_76, %dma_wait3A_77, %dma_wait3A_78] : memref<4x10000x128xf32, #tpu.memory_space<hbm>> -> memref<1x10000x128xf32, #tpu.memory_space<hbm>>
    %dma_wait3A_80 = tpu.memref_squeeze %dma_wait3A_79 : memref<1x10000x128xf32, #tpu.memory_space<hbm>> -> memref<10000x128xf32, #tpu.memory_space<hbm>>
    %dma_wait3A_81 = arith.constant 0 : i32
    %dma_wait3A_82 = arith.constant 0 : i32
    %dma_wait3A_83 = tpu.memref_slice %dma_wait3A_80[%dma_wait3A_81, %dma_wait3A_82] : memref<10000x128xf32, #tpu.memory_space<hbm>> -> memref<10000x128xf32, #tpu.memory_space<hbm>>
    tpu.wait_indirect_dma semaphore(%arg14 : memref<!tpu.dma_semaphore, #tpu.memory_space<semaphore_mem>>) src(%dma_wait3A_83 : memref<10000x128xf32, #tpu.memory_space<hbm>>) dst(%arg12 : memref<8x128xf32, #tpu.memory_space<vmem>>)
    "tpu.region"() ({
      %run_scoped3A_119 = tpu.sem_alloc : memref<!tpu.dma_semaphore, #tpu.memory_space<semaphore_mem>>
      %dma_start3A_120 = arith.constant 0 : i32
      %dma_start3A_121 = arith.constant 0 : i32
      %dma_start3A_122 = tpu.memref_slice %arg13[%dma_start3A_120, %dma_start3A_121] : memref<10112x128xf32, #tpu.memory_space<vmem_shared>> -> memref<10112x128xf32, #tpu.memory_space<vmem_shared>>
      tpu.enqueue_indirect_dma source(%arg12 : memref<8x128xf32, #tpu.memory_space<vmem>>) target(%dma_start3A_122 : memref<10112x128xf32, #tpu.memory_space<vmem_shared>>) offsets(%arg11 : memref<8xi32, #tpu.memory_space<vmem>>) semaphore(%run_scoped3A_119 : memref<!tpu.dma_semaphore, #tpu.memory_space<semaphore_mem>>) {add = true}
      %dma_wait3A_123 = arith.constant 0 : i32
      %dma_wait3A_124 = arith.constant 0 : i32
      %dma_wait3A_125 = tpu.memref_slice %arg13[%dma_wait3A_123, %dma_wait3A_124] : memref<10112x128xf32, #tpu.memory_space<vmem_shared>> -> memref<10112x128xf32, #tpu.memory_space<vmem_shared>>
      tpu.wait_indirect_dma semaphore(%run_scoped3A_119 : memref<!tpu.dma_semaphore, #tpu.memory_space<semaphore_mem>>) src(%arg12 : memref<8x128xf32, #tpu.memory_space<vmem>>) dst(%dma_wait3A_125 : memref<10112x128xf32, #tpu.memory_space<vmem_shared>>)
      tpu.yield
    }) : () -> ()
    %barrier3A_84 = arith.constant 0 : index
    tpu.barrier barrier_id(%barrier3A_84)
    %delay3A_85 = arith.constant 1024 : i32
    tpu.delay %delay3A_85
    %barrier3A_86 = arith.constant 0 : index
    tpu.barrier barrier_id(%barrier3A_86)
    %run_scoped3A_87 = arith.constant 2 : i32
    "tpu.region"() ({
      %run_scoped3A_119 = tpu.sem_alloc : memref<!tpu.dma_semaphore, #tpu.memory_space<semaphore_mem>>
      %dma_start3A_120 = arith.constant 0 : i32
      %dma_start3A_121 = tpu.memref_slice %arg6[%run_scoped3A_87, %arg0, %mul3A_4, %dma_start3A_120] : memref<4x2x10112x128xf32, #tpu.memory_space<hbm>> -> memref<1x1x632x128xf32, #tpu.memory_space<hbm>>
      %dma_start3A_122 = tpu.memref_squeeze %dma_start3A_121 : memref<1x1x632x128xf32, #tpu.memory_space<hbm>> -> memref<632x128xf32, #tpu.memory_space<hbm>>
      %dma_start3A_123 = arith.constant 0 : i32
      %dma_start3A_124 = tpu.memref_slice %arg13[%mul3A_4, %dma_start3A_123] : memref<10112x128xf32, #tpu.memory_space<vmem_shared>> -> memref<632x128xf32, #tpu.memory_space<vmem_shared>>
      tpu.enqueue_dma source(%dma_start3A_124 : memref<632x128xf32, #tpu.memory_space<vmem_shared>>) target(%dma_start3A_122 : memref<632x128xf32, #tpu.memory_space<hbm>>) target_semaphore(%run_scoped3A_119 : memref<!tpu.dma_semaphore, #tpu.memory_space<semaphore_mem>>)
      %dma_wait3A_125 = arith.constant 0 : i32
      %dma_wait3A_126 = tpu.memref_slice %arg6[%run_scoped3A_87, %arg0, %mul3A_4, %dma_wait3A_125] : memref<4x2x10112x128xf32, #tpu.memory_space<hbm>> -> memref<1x1x632x128xf32, #tpu.memory_space<hbm>>
      %dma_wait3A_127 = tpu.memref_squeeze %dma_wait3A_126 : memref<1x1x632x128xf32, #tpu.memory_space<hbm>> -> memref<632x128xf32, #tpu.memory_space<hbm>>
      %dma_wait3A_128 = arith.constant 0 : i32
      %dma_wait3A_129 = tpu.memref_slice %arg13[%mul3A_4, %dma_wait3A_128] : memref<10112x128xf32, #tpu.memory_space<vmem_shared>> -> memref<632x128xf32, #tpu.memory_space<vmem_shared>>
      tpu.wait_dma2 semaphore(%run_scoped3A_119 : memref<!tpu.dma_semaphore, #tpu.memory_space<semaphore_mem>>) src(%dma_wait3A_129 : memref<632x128xf32, #tpu.memory_space<vmem_shared>>) dst(%dma_wait3A_127 : memref<632x128xf32, #tpu.memory_space<hbm>>)
      tpu.yield
    }) : () -> ()
    %barrier3A_88 = arith.constant 0 : index
    tpu.barrier barrier_id(%barrier3A_88)
    "tpu.region"() ({
      %run_scoped3A_119 = tpu.sem_alloc : memref<!tpu.dma_semaphore, #tpu.memory_space<semaphore_mem>>
      %dma_start3A_120 = arith.constant 0 : i32
      %dma_start3A_121 = tpu.memref_slice %arg13[%mul3A_4, %dma_start3A_120] : memref<10112x128xf32, #tpu.memory_space<vmem_shared>> -> memref<632x128xf32, #tpu.memory_space<vmem_shared>>
      tpu.enqueue_dma source(%arg5 : memref<632x128xf32, #tpu.memory_space<hbm>>) target(%dma_start3A_121 : memref<632x128xf32, #tpu.memory_space<vmem_shared>>) target_semaphore(%run_scoped3A_119 : memref<!tpu.dma_semaphore, #tpu.memory_space<semaphore_mem>>)
      %dma_wait3A_122 = arith.constant 0 : i32
      %dma_wait3A_123 = tpu.memref_slice %arg13[%mul3A_4, %dma_wait3A_122] : memref<10112x128xf32, #tpu.memory_space<vmem_shared>> -> memref<632x128xf32, #tpu.memory_space<vmem_shared>>
      tpu.wait_dma2 semaphore(%run_scoped3A_119 : memref<!tpu.dma_semaphore, #tpu.memory_space<semaphore_mem>>) src(%arg5 : memref<632x128xf32, #tpu.memory_space<hbm>>) dst(%dma_wait3A_123 : memref<632x128xf32, #tpu.memory_space<vmem_shared>>)
      tpu.yield
    }) : () -> ()
    %barrier3A_89 = arith.constant 0 : index
    tpu.barrier barrier_id(%barrier3A_89)
    %scan3A_90 = arith.constant 0 : i32
    %scan3A_91 = arith.constant 0 : i32
    %scan3A_92 = arith.constant 39 : i32
    %scan3A_93 = arith.addi %scan3A_91, %scan3A_92 : i32
    %scan3A_94 = arith.constant 1 : i32
    scf.for %scan3A_119 = %scan3A_91 to %scan3A_93 step %scan3A_94  : i32 {
      %mul3A_120 = arith.constant 128 : i32
      %mul3A_121 = arith.muli %scan3A_119, %mul3A_120 : i32
      %add3A_122 = arith.addi %mul3A_2, %mul3A_121 : i32
      "tpu.region"() ({
        %run_scoped3A_139 = tpu.sem_alloc : memref<!tpu.dma_semaphore, #tpu.memory_space<semaphore_mem>>
        %dma_start3A_140 = tpu.memref_slice %arg3[%add3A_122] : memref<160000xi32, #tpu.memory_space<hbm>> -> memref<128xi32, #tpu.memory_space<hbm>>
        %dma_start3A_141 = tpu.memref_slice %arg3[%add3A_122] : memref<160000xi32, #tpu.memory_space<hbm>> -> memref<128xi32, #tpu.memory_space<hbm>>
        tpu.enqueue_dma source(%dma_start3A_141 : memref<128xi32, #tpu.memory_space<hbm>>) target(%arg7 : memref<128xi32, #tpu.memory_space<vmem>>) target_semaphore(%run_scoped3A_139 : memref<!tpu.dma_semaphore, #tpu.memory_space<semaphore_mem>>)
        %dma_wait3A_142 = tpu.memref_slice %arg3[%add3A_122] : memref<160000xi32, #tpu.memory_space<hbm>> -> memref<128xi32, #tpu.memory_space<hbm>>
        %dma_wait3A_143 = tpu.memref_slice %arg3[%add3A_122] : memref<160000xi32, #tpu.memory_space<hbm>> -> memref<128xi32, #tpu.memory_space<hbm>>
        tpu.wait_dma2 semaphore(%run_scoped3A_139 : memref<!tpu.dma_semaphore, #tpu.memory_space<semaphore_mem>>) src(%dma_wait3A_143 : memref<128xi32, #tpu.memory_space<hbm>>) dst(%arg7 : memref<128xi32, #tpu.memory_space<vmem>>)
        tpu.yield
      }) : () -> ()
      "tpu.region"() ({
        %run_scoped3A_139 = tpu.sem_alloc : memref<!tpu.dma_semaphore, #tpu.memory_space<semaphore_mem>>
        %dma_start3A_140 = tpu.memref_slice %arg4[%add3A_122] : memref<160000xi32, #tpu.memory_space<hbm>> -> memref<128xi32, #tpu.memory_space<hbm>>
        %dma_start3A_141 = tpu.memref_slice %arg4[%add3A_122] : memref<160000xi32, #tpu.memory_space<hbm>> -> memref<128xi32, #tpu.memory_space<hbm>>
        tpu.enqueue_dma source(%dma_start3A_141 : memref<128xi32, #tpu.memory_space<hbm>>) target(%arg8 : memref<128xi32, #tpu.memory_space<vmem>>) target_semaphore(%run_scoped3A_139 : memref<!tpu.dma_semaphore, #tpu.memory_space<semaphore_mem>>)
        %dma_wait3A_142 = tpu.memref_slice %arg4[%add3A_122] : memref<160000xi32, #tpu.memory_space<hbm>> -> memref<128xi32, #tpu.memory_space<hbm>>
        %dma_wait3A_143 = tpu.memref_slice %arg4[%add3A_122] : memref<160000xi32, #tpu.memory_space<hbm>> -> memref<128xi32, #tpu.memory_space<hbm>>
        tpu.wait_dma2 semaphore(%run_scoped3A_139 : memref<!tpu.dma_semaphore, #tpu.memory_space<semaphore_mem>>) src(%dma_wait3A_143 : memref<128xi32, #tpu.memory_space<hbm>>) dst(%arg8 : memref<128xi32, #tpu.memory_space<vmem>>)
        tpu.yield
      }) : () -> ()
      %dma_start3A_123 = arith.constant 3 : i32
      %dma_start3A_124 = arith.constant 0 : i32
      %dma_start3A_125 = arith.constant 0 : i32
      %dma_start3A_126 = tpu.memref_slice %arg2[%dma_start3A_123, %dma_start3A_124, %dma_start3A_125] : memref<4x10000x128xf32, #tpu.memory_space<hbm>> -> memref<1x10000x128xf32, #tpu.memory_space<hbm>>
      %dma_start3A_127 = tpu.memref_squeeze %dma_start3A_126 : memref<1x10000x128xf32, #tpu.memory_space<hbm>> -> memref<10000x128xf32, #tpu.memory_space<hbm>>
      %dma_start3A_128 = arith.constant 0 : i32
      %dma_start3A_129 = arith.constant 0 : i32
      %dma_start3A_130 = tpu.memref_slice %dma_start3A_127[%dma_start3A_128, %dma_start3A_129] : memref<10000x128xf32, #tpu.memory_space<hbm>> -> memref<10000x128xf32, #tpu.memory_space<hbm>>
      tpu.enqueue_indirect_dma source(%dma_start3A_130 : memref<10000x128xf32, #tpu.memory_space<hbm>>) target(%arg9 : memref<128x128xf32, #tpu.memory_space<vmem>>) offsets(%arg7 : memref<128xi32, #tpu.memory_space<vmem>>) semaphore(%arg14 : memref<!tpu.dma_semaphore, #tpu.memory_space<semaphore_mem>>)
      %dma_wait3A_131 = arith.constant 3 : i32
      %dma_wait3A_132 = arith.constant 0 : i32
      %dma_wait3A_133 = arith.constant 0 : i32
      %dma_wait3A_134 = tpu.memref_slice %arg2[%dma_wait3A_131, %dma_wait3A_132, %dma_wait3A_133] : memref<4x10000x128xf32, #tpu.memory_space<hbm>> -> memref<1x10000x128xf32, #tpu.memory_space<hbm>>
      %dma_wait3A_135 = tpu.memref_squeeze %dma_wait3A_134 : memref<1x10000x128xf32, #tpu.memory_space<hbm>> -> memref<10000x128xf32, #tpu.memory_space<hbm>>
      %dma_wait3A_136 = arith.constant 0 : i32
      %dma_wait3A_137 = arith.constant 0 : i32
      %dma_wait3A_138 = tpu.memref_slice %dma_wait3A_135[%dma_wait3A_136, %dma_wait3A_137] : memref<10000x128xf32, #tpu.memory_space<hbm>> -> memref<10000x128xf32, #tpu.memory_space<hbm>>
      tpu.wait_indirect_dma semaphore(%arg14 : memref<!tpu.dma_semaphore, #tpu.memory_space<semaphore_mem>>) src(%dma_wait3A_138 : memref<10000x128xf32, #tpu.memory_space<hbm>>) dst(%arg9 : memref<128x128xf32, #tpu.memory_space<vmem>>)
      "tpu.region"() ({
        %run_scoped3A_139 = tpu.sem_alloc : memref<!tpu.dma_semaphore, #tpu.memory_space<semaphore_mem>>
        %dma_start3A_140 = arith.constant 0 : i32
        %dma_start3A_141 = arith.constant 0 : i32
        %dma_start3A_142 = tpu.memref_slice %arg13[%dma_start3A_140, %dma_start3A_141] : memref<10112x128xf32, #tpu.memory_space<vmem_shared>> -> memref<10112x128xf32, #tpu.memory_space<vmem_shared>>
        tpu.enqueue_indirect_dma source(%arg9 : memref<128x128xf32, #tpu.memory_space<vmem>>) target(%dma_start3A_142 : memref<10112x128xf32, #tpu.memory_space<vmem_shared>>) offsets(%arg8 : memref<128xi32, #tpu.memory_space<vmem>>) semaphore(%run_scoped3A_139 : memref<!tpu.dma_semaphore, #tpu.memory_space<semaphore_mem>>) {add = true}
        %dma_wait3A_143 = arith.constant 0 : i32
        %dma_wait3A_144 = arith.constant 0 : i32
        %dma_wait3A_145 = tpu.memref_slice %arg13[%dma_wait3A_143, %dma_wait3A_144] : memref<10112x128xf32, #tpu.memory_space<vmem_shared>> -> memref<10112x128xf32, #tpu.memory_space<vmem_shared>>
        tpu.wait_indirect_dma semaphore(%run_scoped3A_139 : memref<!tpu.dma_semaphore, #tpu.memory_space<semaphore_mem>>) src(%arg9 : memref<128x128xf32, #tpu.memory_space<vmem>>) dst(%dma_wait3A_145 : memref<10112x128xf32, #tpu.memory_space<vmem_shared>>)
        tpu.yield
      }) : () -> ()
    }
    %scan3A_95 = arith.constant 39 : i32
    %add3A_96 = arith.constant 4992 : i32
    %add3A_97 = arith.addi %mul3A_2, %add3A_96 : i32
    "tpu.region"() ({
      %run_scoped3A_119 = tpu.sem_alloc : memref<!tpu.dma_semaphore, #tpu.memory_space<semaphore_mem>>
      %dma_start3A_120 = tpu.memref_slice %arg3[%add3A_97] : memref<160000xi32, #tpu.memory_space<hbm>> -> memref<8xi32, #tpu.memory_space<hbm>>
      %dma_start3A_121 = tpu.memref_slice %arg3[%add3A_97] : memref<160000xi32, #tpu.memory_space<hbm>> -> memref<8xi32, #tpu.memory_space<hbm>>
      tpu.enqueue_dma source(%dma_start3A_121 : memref<8xi32, #tpu.memory_space<hbm>>) target(%arg10 : memref<8xi32, #tpu.memory_space<vmem>>) target_semaphore(%run_scoped3A_119 : memref<!tpu.dma_semaphore, #tpu.memory_space<semaphore_mem>>)
      %dma_wait3A_122 = tpu.memref_slice %arg3[%add3A_97] : memref<160000xi32, #tpu.memory_space<hbm>> -> memref<8xi32, #tpu.memory_space<hbm>>
      %dma_wait3A_123 = tpu.memref_slice %arg3[%add3A_97] : memref<160000xi32, #tpu.memory_space<hbm>> -> memref<8xi32, #tpu.memory_space<hbm>>
      tpu.wait_dma2 semaphore(%run_scoped3A_119 : memref<!tpu.dma_semaphore, #tpu.memory_space<semaphore_mem>>) src(%dma_wait3A_123 : memref<8xi32, #tpu.memory_space<hbm>>) dst(%arg10 : memref<8xi32, #tpu.memory_space<vmem>>)
      tpu.yield
    }) : () -> ()
    "tpu.region"() ({
      %run_scoped3A_119 = tpu.sem_alloc : memref<!tpu.dma_semaphore, #tpu.memory_space<semaphore_mem>>
      %dma_start3A_120 = tpu.memref_slice %arg4[%add3A_97] : memref<160000xi32, #tpu.memory_space<hbm>> -> memref<8xi32, #tpu.memory_space<hbm>>
      %dma_start3A_121 = tpu.memref_slice %arg4[%add3A_97] : memref<160000xi32, #tpu.memory_space<hbm>> -> memref<8xi32, #tpu.memory_space<hbm>>
      tpu.enqueue_dma source(%dma_start3A_121 : memref<8xi32, #tpu.memory_space<hbm>>) target(%arg11 : memref<8xi32, #tpu.memory_space<vmem>>) target_semaphore(%run_scoped3A_119 : memref<!tpu.dma_semaphore, #tpu.memory_space<semaphore_mem>>)
      %dma_wait3A_122 = tpu.memref_slice %arg4[%add3A_97] : memref<160000xi32, #tpu.memory_space<hbm>> -> memref<8xi32, #tpu.memory_space<hbm>>
      %dma_wait3A_123 = tpu.memref_slice %arg4[%add3A_97] : memref<160000xi32, #tpu.memory_space<hbm>> -> memref<8xi32, #tpu.memory_space<hbm>>
      tpu.wait_dma2 semaphore(%run_scoped3A_119 : memref<!tpu.dma_semaphore, #tpu.memory_space<semaphore_mem>>) src(%dma_wait3A_123 : memref<8xi32, #tpu.memory_space<hbm>>) dst(%arg11 : memref<8xi32, #tpu.memory_space<vmem>>)
      tpu.yield
    }) : () -> ()
    %dma_start3A_98 = arith.constant 3 : i32
    %dma_start3A_99 = arith.constant 0 : i32
    %dma_start3A_100 = arith.constant 0 : i32
    %dma_start3A_101 = tpu.memref_slice %arg2[%dma_start3A_98, %dma_start3A_99, %dma_start3A_100] : memref<4x10000x128xf32, #tpu.memory_space<hbm>> -> memref<1x10000x128xf32, #tpu.memory_space<hbm>>
    %dma_start3A_102 = tpu.memref_squeeze %dma_start3A_101 : memref<1x10000x128xf32, #tpu.memory_space<hbm>> -> memref<10000x128xf32, #tpu.memory_space<hbm>>
    %dma_start3A_103 = arith.constant 0 : i32
    %dma_start3A_104 = arith.constant 0 : i32
    %dma_start3A_105 = tpu.memref_slice %dma_start3A_102[%dma_start3A_103, %dma_start3A_104] : memref<10000x128xf32, #tpu.memory_space<hbm>> -> memref<10000x128xf32, #tpu.memory_space<hbm>>
    tpu.enqueue_indirect_dma source(%dma_start3A_105 : memref<10000x128xf32, #tpu.memory_space<hbm>>) target(%arg12 : memref<8x128xf32, #tpu.memory_space<vmem>>) offsets(%arg10 : memref<8xi32, #tpu.memory_space<vmem>>) semaphore(%arg14 : memref<!tpu.dma_semaphore, #tpu.memory_space<semaphore_mem>>)
    %dma_wait3A_106 = arith.constant 3 : i32
    %dma_wait3A_107 = arith.constant 0 : i32
    %dma_wait3A_108 = arith.constant 0 : i32
    %dma_wait3A_109 = tpu.memref_slice %arg2[%dma_wait3A_106, %dma_wait3A_107, %dma_wait3A_108] : memref<4x10000x128xf32, #tpu.memory_space<hbm>> -> memref<1x10000x128xf32, #tpu.memory_space<hbm>>
    %dma_wait3A_110 = tpu.memref_squeeze %dma_wait3A_109 : memref<1x10000x128xf32, #tpu.memory_space<hbm>> -> memref<10000x128xf32, #tpu.memory_space<hbm>>
    %dma_wait3A_111 = arith.constant 0 : i32
    %dma_wait3A_112 = arith.constant 0 : i32
    %dma_wait3A_113 = tpu.memref_slice %dma_wait3A_110[%dma_wait3A_111, %dma_wait3A_112] : memref<10000x128xf32, #tpu.memory_space<hbm>> -> memref<10000x128xf32, #tpu.memory_space<hbm>>
    tpu.wait_indirect_dma semaphore(%arg14 : memref<!tpu.dma_semaphore, #tpu.memory_space<semaphore_mem>>) src(%dma_wait3A_113 : memref<10000x128xf32, #tpu.memory_space<hbm>>) dst(%arg12 : memref<8x128xf32, #tpu.memory_space<vmem>>)
    "tpu.region"() ({
      %run_scoped3A_119 = tpu.sem_alloc : memref<!tpu.dma_semaphore, #tpu.memory_space<semaphore_mem>>
      %dma_start3A_120 = arith.constant 0 : i32
      %dma_start3A_121 = arith.constant 0 : i32
      %dma_start3A_122 = tpu.memref_slice %arg13[%dma_start3A_120, %dma_start3A_121] : memref<10112x128xf32, #tpu.memory_space<vmem_shared>> -> memref<10112x128xf32, #tpu.memory_space<vmem_shared>>
      tpu.enqueue_indirect_dma source(%arg12 : memref<8x128xf32, #tpu.memory_space<vmem>>) target(%dma_start3A_122 : memref<10112x128xf32, #tpu.memory_space<vmem_shared>>) offsets(%arg11 : memref<8xi32, #tpu.memory_space<vmem>>) semaphore(%run_scoped3A_119 : memref<!tpu.dma_semaphore, #tpu.memory_space<semaphore_mem>>) {add = true}
      %dma_wait3A_123 = arith.constant 0 : i32
      %dma_wait3A_124 = arith.constant 0 : i32
      %dma_wait3A_125 = tpu.memref_slice %arg13[%dma_wait3A_123, %dma_wait3A_124] : memref<10112x128xf32, #tpu.memory_space<vmem_shared>> -> memref<10112x128xf32, #tpu.memory_space<vmem_shared>>
      tpu.wait_indirect_dma semaphore(%run_scoped3A_119 : memref<!tpu.dma_semaphore, #tpu.memory_space<semaphore_mem>>) src(%arg12 : memref<8x128xf32, #tpu.memory_space<vmem>>) dst(%dma_wait3A_125 : memref<10112x128xf32, #tpu.memory_space<vmem_shared>>)
      tpu.yield
    }) : () -> ()
    %barrier3A_114 = arith.constant 0 : index
    tpu.barrier barrier_id(%barrier3A_114)
    %delay3A_115 = arith.constant 1024 : i32
    tpu.delay %delay3A_115
    %barrier3A_116 = arith.constant 0 : index
    tpu.barrier barrier_id(%barrier3A_116)
    %run_scoped3A_117 = arith.constant 3 : i32
    "tpu.region"() ({
      %run_scoped3A_119 = tpu.sem_alloc : memref<!tpu.dma_semaphore, #tpu.memory_space<semaphore_mem>>
      %dma_start3A_120 = arith.constant 0 : i32
      %dma_start3A_121 = tpu.memref_slice %arg6[%run_scoped3A_117, %arg0, %mul3A_4, %dma_start3A_120] : memref<4x2x10112x128xf32, #tpu.memory_space<hbm>> -> memref<1x1x632x128xf32, #tpu.memory_space<hbm>>
      %dma_start3A_122 = tpu.memref_squeeze %dma_start3A_121 : memref<1x1x632x128xf32, #tpu.memory_space<hbm>> -> memref<632x128xf32, #tpu.memory_space<hbm>>
      %dma_start3A_123 = arith.constant 0 : i32
      %dma_start3A_124 = tpu.memref_slice %arg13[%mul3A_4, %dma_start3A_123] : memref<10112x128xf32, #tpu.memory_space<vmem_shared>> -> memref<632x128xf32, #tpu.memory_space<vmem_shared>>
      tpu.enqueue_dma source(%dma_start3A_124 : memref<632x128xf32, #tpu.memory_space<vmem_shared>>) target(%dma_start3A_122 : memref<632x128xf32, #tpu.memory_space<hbm>>) target_semaphore(%run_scoped3A_119 : memref<!tpu.dma_semaphore, #tpu.memory_space<semaphore_mem>>)
      %dma_wait3A_125 = arith.constant 0 : i32
      %dma_wait3A_126 = tpu.memref_slice %arg6[%run_scoped3A_117, %arg0, %mul3A_4, %dma_wait3A_125] : memref<4x2x10112x128xf32, #tpu.memory_space<hbm>> -> memref<1x1x632x128xf32, #tpu.memory_space<hbm>>
      %dma_wait3A_127 = tpu.memref_squeeze %dma_wait3A_126 : memref<1x1x632x128xf32, #tpu.memory_space<hbm>> -> memref<632x128xf32, #tpu.memory_space<hbm>>
      %dma_wait3A_128 = arith.constant 0 : i32
      %dma_wait3A_129 = tpu.memref_slice %arg13[%mul3A_4, %dma_wait3A_128] : memref<10112x128xf32, #tpu.memory_space<vmem_shared>> -> memref<632x128xf32, #tpu.memory_space<vmem_shared>>
      tpu.wait_dma2 semaphore(%run_scoped3A_119 : memref<!tpu.dma_semaphore, #tpu.memory_space<semaphore_mem>>) src(%dma_wait3A_129 : memref<632x128xf32, #tpu.memory_space<vmem_shared>>) dst(%dma_wait3A_127 : memref<632x128xf32, #tpu.memory_space<hbm>>)
      tpu.yield
    }) : () -> ()
    %barrier3A_118 = arith.constant 0 : index
    tpu.barrier barrier_id(%barrier3A_118)
    return
  }
}

module attributes {stable_mosaic.version = 14 : i64} {
  func.func @body(%arg0: i32, %arg1: memref<1000x256xf32, #tpu.memory_space<vmem>>, %arg2: memref<2x1000x256xf32, #tpu.memory_space<vmem>>, %arg3: memref<256x512xf32, #tpu.memory_space<vmem>>, %arg4: memref<1x512xf32, #tpu.memory_space<vmem>>, %arg5: memref<1000x512xf32, #tpu.memory_space<vmem>>) attributes {dimension_semantics = [#tpu.dimension_semantics<arbitrary>], iteration_bounds = array<i64: 10>, scalar_prefetch = 0 : i64, scratch_operands = 0 : i64, tpu.core_type = #tpu.core_type<tc>, window_params = [{transform_indices = @transform_0, window_bounds = array<i64: 1000, 256>}, {transform_indices = @transform_1, window_bounds = array<i64: 2, 1000, 256>}, {pipeline_mode = #tpu.pipeline_mode<synchronous>, transform_indices = @transform_2, window_bounds = array<i64: 256, 512>}, {pipeline_mode = #tpu.pipeline_mode<synchronous>, transform_indices = @transform_3, window_bounds = array<i64: 1, 512>}, {transform_indices = @transform_4, window_bounds = array<i64: 1000, 512>}]} {
    %get3A = arith.constant 0 : index
    %get3A_0 = arith.constant 0 : index
    %get3A_1 = vector.load %arg1[%get3A, %get3A_0] : memref<1000x256xf32, #tpu.memory_space<vmem>>, vector<1000x256xf32>
    %get3A_2 = arith.constant 0 : index
    %get3A_3 = arith.constant 0 : index
    %get3A_4 = arith.constant 0 : index
    %get3A_5 = vector.load %arg2[%get3A_2, %get3A_3, %get3A_4] : memref<2x1000x256xf32, #tpu.memory_space<vmem>>, vector<1x1000x256xf32>
    %get3A_6 = vector.shape_cast %get3A_5 : vector<1x1000x256xf32> to vector<1000x256xf32>
    %add3A = arith.addf %get3A_1, %get3A_6 : vector<1000x256xf32>
    %get3A_7 = arith.constant 1 : index
    %get3A_8 = arith.constant 0 : index
    %get3A_9 = arith.constant 0 : index
    %get3A_10 = vector.load %arg2[%get3A_7, %get3A_8, %get3A_9] : memref<2x1000x256xf32, #tpu.memory_space<vmem>>, vector<1x1000x256xf32>
    %get3A_11 = vector.shape_cast %get3A_10 : vector<1x1000x256xf32> to vector<1000x256xf32>
    %add3A_12 = arith.addf %add3A, %get3A_11 : vector<1000x256xf32>
    %get3A_13 = arith.constant 0 : index
    %get3A_14 = arith.constant 0 : index
    %get3A_15 = vector.load %arg3[%get3A_13, %get3A_14] : memref<256x512xf32, #tpu.memory_space<vmem>>, vector<256x512xf32>
    %dot_general3A = arith.constant dense<0.000000e+00> : vector<1000x512xf32>
    %dot_general3A_16 = tpu.matmul %add3A_12, %get3A_15, %dot_general3A {dimension_numbers = #tpu.dot_dimension_numbers<[1], [0], [0], [1], [0, 0, 1, 1], [], []>, transpose_lhs_hint = false} : vector<1000x256xf32>, vector<256x512xf32>, vector<1000x512xf32> -> vector<1000x512xf32>
    %get3A_17 = arith.constant 0 : index
    %get3A_18 = arith.constant 0 : index
    %get3A_19 = vector.load %arg4[%get3A_17, %get3A_18] : memref<1x512xf32, #tpu.memory_space<vmem>>, vector<1x512xf32>
    %add3A_20 = vector.broadcast %get3A_19 : vector<1x512xf32> to vector<1000x512xf32>
    %add3A_21 = arith.addf %dot_general3A_16, %add3A_20 : vector<1000x512xf32>
    %max3A = arith.constant 0.000000e+00 : f32
    %max3A_22 = vector.broadcast %max3A : f32 to vector<1000x512xf32>
    %max3A_23 = arith.maximumf %add3A_21, %max3A_22 : vector<1000x512xf32>
    %swap3A = arith.constant 0 : index
    %swap3A_24 = arith.constant 0 : index
    %swap3A_25 = vector.load %arg5[%swap3A, %swap3A_24] : memref<1000x512xf32, #tpu.memory_space<vmem>>, vector<1000x512xf32>
    tpu.vector_store %arg5[%swap3A, %swap3A_24], %max3A_23 {strides = array<i32>} : memref<1000x512xf32, #tpu.memory_space<vmem>>, vector<1000x512xf32>,
    return
  }
  func.func @transform_0(%arg0: i32) -> (i32, i32) {
    %c0_i32 = arith.constant 0 : i32
    %c0_i32_0 = arith.constant 0 : i32
    return %arg0, %c0_i32 : i32, i32
  }
  func.func @transform_1(%arg0: i32) -> (i32, i32, i32) {
    %c0_i32 = arith.constant 0 : i32
    %c0_i32_0 = arith.constant 0 : i32
    %c0_i32_1 = arith.constant 0 : i32
    return %c0_i32, %arg0, %c0_i32_0 : i32, i32, i32
  }
  func.func @transform_2(%arg0: i32) -> (i32, i32) {
    %c0_i32 = arith.constant 0 : i32
    %c0_i32_0 = arith.constant 0 : i32
    %c0_i32_1 = arith.constant 0 : i32
    return %c0_i32, %c0_i32_0 : i32, i32
  }
  func.func @transform_3(%arg0: i32) -> (i32, i32) {
    %c0_i32 = arith.constant 0 : i32
    %c0_i32_0 = arith.constant 0 : i32
    %c0_i32_1 = arith.constant 0 : i32
    return %c0_i32, %c0_i32_0 : i32, i32
  }
  func.func @transform_4(%arg0: i32) -> (i32, i32) {
    %c0_i32 = arith.constant 0 : i32
    %c0_i32_0 = arith.constant 0 : i32
    return %arg0, %c0_i32 : i32, i32
  }
}

module attributes {stable_mosaic.version = 14 : i64} {
  func.func @body(%arg0: i32, %arg1: memref<1000x512xf32, #tpu.memory_space<vmem>>, %arg2: memref<512x512xf32, #tpu.memory_space<vmem>>, %arg3: memref<1x512xf32, #tpu.memory_space<vmem>>, %arg4: memref<1000x512xf32, #tpu.memory_space<vmem>>, %arg5: memref<8x512xf32, #tpu.memory_space<vmem>>) attributes {dimension_semantics = [#tpu.dimension_semantics<arbitrary>], iteration_bounds = array<i64: 10>, scalar_prefetch = 0 : i64, scratch_operands = 0 : i64, tpu.core_type = #tpu.core_type<tc>, window_params = [{transform_indices = @transform_0, window_bounds = array<i64: 1000, 512>}, {pipeline_mode = #tpu.pipeline_mode<synchronous>, transform_indices = @transform_1, window_bounds = array<i64: 512, 512>}, {pipeline_mode = #tpu.pipeline_mode<synchronous>, transform_indices = @transform_2, window_bounds = array<i64: 1, 512>}, {transform_indices = @transform_3, window_bounds = array<i64: 1000, 512>}, {pipeline_mode = #tpu.pipeline_mode<synchronous>, transform_indices = @transform_4, window_bounds = array<i64: 8, 512>}]} {
    %get3A = arith.constant 0 : index
    %get3A_0 = arith.constant 0 : index
    %get3A_1 = vector.load %arg1[%get3A, %get3A_0] : memref<1000x512xf32, #tpu.memory_space<vmem>>, vector<1000x512xf32>
    %get3A_2 = arith.constant 0 : index
    %get3A_3 = arith.constant 0 : index
    %get3A_4 = vector.load %arg2[%get3A_2, %get3A_3] : memref<512x512xf32, #tpu.memory_space<vmem>>, vector<512x512xf32>
    %dot_general3A = arith.constant dense<0.000000e+00> : vector<1000x512xf32>
    %dot_general3A_5 = tpu.matmul %get3A_1, %get3A_4, %dot_general3A {dimension_numbers = #tpu.dot_dimension_numbers<[1], [0], [0], [1], [0, 0, 1, 1], [], []>, transpose_lhs_hint = false} : vector<1000x512xf32>, vector<512x512xf32>, vector<1000x512xf32> -> vector<1000x512xf32>
    %get3A_6 = arith.constant 0 : index
    %get3A_7 = arith.constant 0 : index
    %get3A_8 = vector.load %arg3[%get3A_6, %get3A_7] : memref<1x512xf32, #tpu.memory_space<vmem>>, vector<1x512xf32>
    %add3A = vector.broadcast %get3A_8 : vector<1x512xf32> to vector<1000x512xf32>
    %add3A_9 = arith.addf %dot_general3A_5, %add3A : vector<1000x512xf32>
    %swap3A = arith.constant 0 : index
    %swap3A_10 = arith.constant 0 : index
    %swap3A_11 = vector.load %arg4[%swap3A, %swap3A_10] : memref<1000x512xf32, #tpu.memory_space<vmem>>, vector<1000x512xf32>
    tpu.vector_store %arg4[%swap3A, %swap3A_10], %add3A_9 {strides = array<i32>} : memref<1000x512xf32, #tpu.memory_space<vmem>>, vector<1000x512xf32>,
    %max3A = arith.constant 0.000000e+00 : f32
    %max3A_12 = vector.broadcast %max3A : f32 to vector<1000x512xf32>
    %max3A_13 = arith.maximumf %add3A_9, %max3A_12 : vector<1000x512xf32>
    %eq3A = arith.constant 0 : i32
    %eq3A_14 = arith.cmpi eq, %arg0, %eq3A : i32
    %convert_element_type3A = arith.extui %eq3A_14 : i1 to i32
    %cond3A = arith.constant 0 : i32
    %cond3A_15 = arith.cmpi ne, %convert_element_type3A, %cond3A : i32
    scf.if %cond3A_15 {
      %broadcast_in_dim3A_34 = arith.constant 0.000000e+00 : f32
      %broadcast_in_dim3A_35 = vector.broadcast %broadcast_in_dim3A_34 : f32 to vector<8x512xf32>
      %swap3A_36 = arith.constant 0 : index
      %swap3A_37 = arith.constant 0 : index
      %swap3A_38 = vector.load %arg5[%swap3A_36, %swap3A_37] : memref<8x512xf32, #tpu.memory_space<vmem>>, vector<8x512xf32>
      tpu.vector_store %arg5[%swap3A_36, %swap3A_37], %broadcast_in_dim3A_35 {strides = array<i32>} : memref<8x512xf32, #tpu.memory_space<vmem>>, vector<8x512xf32>,
    } else {
    }
    %get3A_16 = arith.constant 0 : index
    %get3A_17 = arith.constant 0 : index
    %get3A_18 = vector.load %arg5[%get3A_16, %get3A_17] : memref<8x512xf32, #tpu.memory_space<vmem>>, vector<1x512xf32>
    %reduce_sum3A = arith.constant dense<0.000000e+00> : vector<512xf32>
    %reduce_sum3A_19 = vector.multi_reduction <add>, %max3A_13, %reduce_sum3A [0] : vector<1000x512xf32> to vector<512xf32>
    %broadcast_in_dim3A = vector.shape_cast %reduce_sum3A_19 : vector<512xf32> to vector<1x512xf32>
    %add3A_20 = arith.addf %get3A_18, %broadcast_in_dim3A : vector<1x512xf32>
    %swap3A_21 = arith.constant 0 : index
    %swap3A_22 = arith.constant 0 : index
    %swap3A_23 = vector.load %arg5[%swap3A_21, %swap3A_22] : memref<8x512xf32, #tpu.memory_space<vmem>>, vector<1x512xf32>
    tpu.vector_store %arg5[%swap3A_21, %swap3A_22], %add3A_20 {strides = array<i32>} : memref<8x512xf32, #tpu.memory_space<vmem>>, vector<1x512xf32>,
    %get3A_24 = arith.constant 1 : index
    %get3A_25 = arith.constant 0 : index
    %get3A_26 = vector.load %arg5[%get3A_24, %get3A_25] : memref<8x512xf32, #tpu.memory_space<vmem>>, vector<1x512xf32>
    %mul3A = arith.mulf %max3A_13, %max3A_13 : vector<1000x512xf32>
    %reduce_sum3A_27 = arith.constant dense<0.000000e+00> : vector<512xf32>
    %reduce_sum3A_28 = vector.multi_reduction <add>, %mul3A, %reduce_sum3A_27 [0] : vector<1000x512xf32> to vector<512xf32>
    %broadcast_in_dim3A_29 = vector.shape_cast %reduce_sum3A_28 : vector<512xf32> to vector<1x512xf32>
    %add3A_30 = arith.addf %get3A_26, %broadcast_in_dim3A_29 : vector<1x512xf32>
    %swap3A_31 = arith.constant 1 : index
    %swap3A_32 = arith.constant 0 : index
    %swap3A_33 = vector.load %arg5[%swap3A_31, %swap3A_32] : memref<8x512xf32, #tpu.memory_space<vmem>>, vector<1x512xf32>
    tpu.vector_store %arg5[%swap3A_31, %swap3A_32], %add3A_30 {strides = array<i32>} : memref<8x512xf32, #tpu.memory_space<vmem>>, vector<1x512xf32>,
    return
  }
  func.func @transform_0(%arg0: i32) -> (i32, i32) {
    %c0_i32 = arith.constant 0 : i32
    %c0_i32_0 = arith.constant 0 : i32
    return %arg0, %c0_i32 : i32, i32
  }
  func.func @transform_1(%arg0: i32) -> (i32, i32) {
    %c0_i32 = arith.constant 0 : i32
    %c0_i32_0 = arith.constant 0 : i32
    %c0_i32_1 = arith.constant 0 : i32
    return %c0_i32, %c0_i32_0 : i32, i32
  }
  func.func @transform_2(%arg0: i32) -> (i32, i32) {
    %c0_i32 = arith.constant 0 : i32
    %c0_i32_0 = arith.constant 0 : i32
    %c0_i32_1 = arith.constant 0 : i32
    return %c0_i32, %c0_i32_0 : i32, i32
  }
  func.func @transform_3(%arg0: i32) -> (i32, i32) {
    %c0_i32 = arith.constant 0 : i32
    %c0_i32_0 = arith.constant 0 : i32
    return %arg0, %c0_i32 : i32, i32
  }
  func.func @transform_4(%arg0: i32) -> (i32, i32) {
    %c0_i32 = arith.constant 0 : i32
    %c0_i32_0 = arith.constant 0 : i32
    %c0_i32_1 = arith.constant 0 : i32
    return %c0_i32, %c0_i32_0 : i32, i32
  }
}

module attributes {stable_mosaic.version = 14 : i64} {
  func.func @body(%arg0: i32, %arg1: memref<1000x512xf32, #tpu.memory_space<vmem>>, %arg2: memref<8x512xf32, #tpu.memory_space<vmem>>, %arg3: memref<1x512xf32, #tpu.memory_space<vmem>>, %arg4: memref<1x512xf32, #tpu.memory_space<vmem>>, %arg5: memref<1000x512xf32, #tpu.memory_space<vmem>>) attributes {dimension_semantics = [#tpu.dimension_semantics<arbitrary>], iteration_bounds = array<i64: 10>, scalar_prefetch = 0 : i64, scratch_operands = 0 : i64, tpu.core_type = #tpu.core_type<tc>, window_params = [{transform_indices = @transform_0, window_bounds = array<i64: 1000, 512>}, {pipeline_mode = #tpu.pipeline_mode<synchronous>, transform_indices = @transform_1, window_bounds = array<i64: 8, 512>}, {pipeline_mode = #tpu.pipeline_mode<synchronous>, transform_indices = @transform_2, window_bounds = array<i64: 1, 512>}, {pipeline_mode = #tpu.pipeline_mode<synchronous>, transform_indices = @transform_3, window_bounds = array<i64: 1, 512>}, {transform_indices = @transform_4, window_bounds = array<i64: 1000, 512>}]} {
    %get3A = arith.constant 0 : index
    %get3A_0 = arith.constant 0 : index
    %get3A_1 = vector.load %arg1[%get3A, %get3A_0] : memref<1000x512xf32, #tpu.memory_space<vmem>>, vector<1000x512xf32>
    %max3A = arith.constant 0.000000e+00 : f32
    %max3A_2 = vector.broadcast %max3A : f32 to vector<1000x512xf32>
    %max3A_3 = arith.maximumf %get3A_1, %max3A_2 : vector<1000x512xf32>
    %get3A_4 = arith.constant 0 : index
    %get3A_5 = arith.constant 0 : index
    %get3A_6 = vector.load %arg2[%get3A_4, %get3A_5] : memref<8x512xf32, #tpu.memory_space<vmem>>, vector<1x512xf32>
    %mul3A = arith.constant 9.99999974E-5 : f32
    %mul3A_7 = vector.broadcast %mul3A : f32 to vector<1x512xf32>
    %mul3A_8 = arith.mulf %get3A_6, %mul3A_7 : vector<1x512xf32>
    %get3A_9 = arith.constant 1 : index
    %get3A_10 = arith.constant 0 : index
    %get3A_11 = vector.load %arg2[%get3A_9, %get3A_10] : memref<8x512xf32, #tpu.memory_space<vmem>>, vector<1x512xf32>
    %mul3A_12 = arith.constant 9.99999974E-5 : f32
    %mul3A_13 = vector.broadcast %mul3A_12 : f32 to vector<1x512xf32>
    %mul3A_14 = arith.mulf %get3A_11, %mul3A_13 : vector<1x512xf32>
    %mul3A_15 = arith.mulf %mul3A_8, %mul3A_8 : vector<1x512xf32>
    %sub3A = arith.subf %mul3A_14, %mul3A_15 : vector<1x512xf32>
    %sub3A_16 = vector.broadcast %mul3A_8 : vector<1x512xf32> to vector<1000x512xf32>
    %sub3A_17 = arith.subf %max3A_3, %sub3A_16 : vector<1000x512xf32>
    %add3A = arith.constant 9.99999974E-6 : f32
    %add3A_18 = vector.broadcast %add3A : f32 to vector<1x512xf32>
    %add3A_19 = arith.addf %sub3A, %add3A_18 : vector<1x512xf32>
    %rsqrt3A = math.rsqrt %add3A_19 : vector<1x512xf32>
    %mul3A_20 = vector.broadcast %rsqrt3A : vector<1x512xf32> to vector<1000x512xf32>
    %mul3A_21 = arith.mulf %sub3A_17, %mul3A_20 : vector<1000x512xf32>
    %get3A_22 = arith.constant 0 : index
    %get3A_23 = arith.constant 0 : index
    %get3A_24 = vector.load %arg3[%get3A_22, %get3A_23] : memref<1x512xf32, #tpu.memory_space<vmem>>, vector<1x512xf32>
    %mul3A_25 = vector.broadcast %get3A_24 : vector<1x512xf32> to vector<1000x512xf32>
    %mul3A_26 = arith.mulf %mul3A_21, %mul3A_25 : vector<1000x512xf32>
    %get3A_27 = arith.constant 0 : index
    %get3A_28 = arith.constant 0 : index
    %get3A_29 = vector.load %arg4[%get3A_27, %get3A_28] : memref<1x512xf32, #tpu.memory_space<vmem>>, vector<1x512xf32>
    %add3A_30 = vector.broadcast %get3A_29 : vector<1x512xf32> to vector<1000x512xf32>
    %add3A_31 = arith.addf %mul3A_26, %add3A_30 : vector<1000x512xf32>
    %swap3A = arith.constant 0 : index
    %swap3A_32 = arith.constant 0 : index
    %swap3A_33 = vector.load %arg5[%swap3A, %swap3A_32] : memref<1000x512xf32, #tpu.memory_space<vmem>>, vector<1000x512xf32>
    tpu.vector_store %arg5[%swap3A, %swap3A_32], %add3A_31 {strides = array<i32>} : memref<1000x512xf32, #tpu.memory_space<vmem>>, vector<1000x512xf32>,
    return
  }
  func.func @transform_0(%arg0: i32) -> (i32, i32) {
    %c0_i32 = arith.constant 0 : i32
    %c0_i32_0 = arith.constant 0 : i32
    return %arg0, %c0_i32 : i32, i32
  }
  func.func @transform_1(%arg0: i32) -> (i32, i32) {
    %c0_i32 = arith.constant 0 : i32
    %c0_i32_0 = arith.constant 0 : i32
    %c0_i32_1 = arith.constant 0 : i32
    return %c0_i32, %c0_i32_0 : i32, i32
  }
  func.func @transform_2(%arg0: i32) -> (i32, i32) {
    %c0_i32 = arith.constant 0 : i32
    %c0_i32_0 = arith.constant 0 : i32
    %c0_i32_1 = arith.constant 0 : i32
    return %c0_i32, %c0_i32_0 : i32, i32
  }
  func.func @transform_3(%arg0: i32) -> (i32, i32) {
    %c0_i32 = arith.constant 0 : i32
    %c0_i32_0 = arith.constant 0 : i32
    %c0_i32_1 = arith.constant 0 : i32
    return %c0_i32, %c0_i32_0 : i32, i32
  }
  func.func @transform_4(%arg0: i32) -> (i32, i32) {
    %c0_i32 = arith.constant 0 : i32
    %c0_i32_0 = arith.constant 0 : i32
    return %arg0, %c0_i32 : i32, i32
  }
}

module attributes {stable_mosaic.version = 14 : i64} {
  func.func @body(%arg0: i32, %arg1: memref<1000x512xf32, #tpu.memory_space<vmem>>, %arg2: memref<2x1000x512xf32, #tpu.memory_space<vmem>>, %arg3: memref<512x512xf32, #tpu.memory_space<vmem>>, %arg4: memref<1x512xf32, #tpu.memory_space<vmem>>, %arg5: memref<1000x512xf32, #tpu.memory_space<vmem>>) attributes {dimension_semantics = [#tpu.dimension_semantics<arbitrary>], iteration_bounds = array<i64: 10>, scalar_prefetch = 0 : i64, scratch_operands = 0 : i64, tpu.core_type = #tpu.core_type<tc>, window_params = [{transform_indices = @transform_0, window_bounds = array<i64: 1000, 512>}, {transform_indices = @transform_1, window_bounds = array<i64: 2, 1000, 512>}, {pipeline_mode = #tpu.pipeline_mode<synchronous>, transform_indices = @transform_2, window_bounds = array<i64: 512, 512>}, {pipeline_mode = #tpu.pipeline_mode<synchronous>, transform_indices = @transform_3, window_bounds = array<i64: 1, 512>}, {transform_indices = @transform_4, window_bounds = array<i64: 1000, 512>}]} {
    %get3A = arith.constant 0 : index
    %get3A_0 = arith.constant 0 : index
    %get3A_1 = vector.load %arg1[%get3A, %get3A_0] : memref<1000x512xf32, #tpu.memory_space<vmem>>, vector<1000x512xf32>
    %get3A_2 = arith.constant 0 : index
    %get3A_3 = arith.constant 0 : index
    %get3A_4 = arith.constant 0 : index
    %get3A_5 = vector.load %arg2[%get3A_2, %get3A_3, %get3A_4] : memref<2x1000x512xf32, #tpu.memory_space<vmem>>, vector<1x1000x512xf32>
    %get3A_6 = vector.shape_cast %get3A_5 : vector<1x1000x512xf32> to vector<1000x512xf32>
    %add3A = arith.addf %get3A_1, %get3A_6 : vector<1000x512xf32>
    %get3A_7 = arith.constant 1 : index
    %get3A_8 = arith.constant 0 : index
    %get3A_9 = arith.constant 0 : index
    %get3A_10 = vector.load %arg2[%get3A_7, %get3A_8, %get3A_9] : memref<2x1000x512xf32, #tpu.memory_space<vmem>>, vector<1x1000x512xf32>
    %get3A_11 = vector.shape_cast %get3A_10 : vector<1x1000x512xf32> to vector<1000x512xf32>
    %add3A_12 = arith.addf %add3A, %get3A_11 : vector<1000x512xf32>
    %get3A_13 = arith.constant 0 : index
    %get3A_14 = arith.constant 0 : index
    %get3A_15 = vector.load %arg3[%get3A_13, %get3A_14] : memref<512x512xf32, #tpu.memory_space<vmem>>, vector<512x512xf32>
    %dot_general3A = arith.constant dense<0.000000e+00> : vector<1000x512xf32>
    %dot_general3A_16 = tpu.matmul %add3A_12, %get3A_15, %dot_general3A {dimension_numbers = #tpu.dot_dimension_numbers<[1], [0], [0], [1], [0, 0, 1, 1], [], []>, transpose_lhs_hint = false} : vector<1000x512xf32>, vector<512x512xf32>, vector<1000x512xf32> -> vector<1000x512xf32>
    %get3A_17 = arith.constant 0 : index
    %get3A_18 = arith.constant 0 : index
    %get3A_19 = vector.load %arg4[%get3A_17, %get3A_18] : memref<1x512xf32, #tpu.memory_space<vmem>>, vector<1x512xf32>
    %add3A_20 = vector.broadcast %get3A_19 : vector<1x512xf32> to vector<1000x512xf32>
    %add3A_21 = arith.addf %dot_general3A_16, %add3A_20 : vector<1000x512xf32>
    %max3A = arith.constant 0.000000e+00 : f32
    %max3A_22 = vector.broadcast %max3A : f32 to vector<1000x512xf32>
    %max3A_23 = arith.maximumf %add3A_21, %max3A_22 : vector<1000x512xf32>
    %swap3A = arith.constant 0 : index
    %swap3A_24 = arith.constant 0 : index
    %swap3A_25 = vector.load %arg5[%swap3A, %swap3A_24] : memref<1000x512xf32, #tpu.memory_space<vmem>>, vector<1000x512xf32>
    tpu.vector_store %arg5[%swap3A, %swap3A_24], %max3A_23 {strides = array<i32>} : memref<1000x512xf32, #tpu.memory_space<vmem>>, vector<1000x512xf32>,
    return
  }
  func.func @transform_0(%arg0: i32) -> (i32, i32) {
    %c0_i32 = arith.constant 0 : i32
    %c0_i32_0 = arith.constant 0 : i32
    return %arg0, %c0_i32 : i32, i32
  }
  func.func @transform_1(%arg0: i32) -> (i32, i32, i32) {
    %c0_i32 = arith.constant 0 : i32
    %c0_i32_0 = arith.constant 0 : i32
    %c0_i32_1 = arith.constant 0 : i32
    return %c0_i32, %arg0, %c0_i32_0 : i32, i32, i32
  }
  func.func @transform_2(%arg0: i32) -> (i32, i32) {
    %c0_i32 = arith.constant 0 : i32
    %c0_i32_0 = arith.constant 0 : i32
    %c0_i32_1 = arith.constant 0 : i32
    return %c0_i32, %c0_i32_0 : i32, i32
  }
  func.func @transform_3(%arg0: i32) -> (i32, i32) {
    %c0_i32 = arith.constant 0 : i32
    %c0_i32_0 = arith.constant 0 : i32
    %c0_i32_1 = arith.constant 0 : i32
    return %c0_i32, %c0_i32_0 : i32, i32
  }
  func.func @transform_4(%arg0: i32) -> (i32, i32) {
    %c0_i32 = arith.constant 0 : i32
    %c0_i32_0 = arith.constant 0 : i32
    return %arg0, %c0_i32 : i32, i32
  }
}

module attributes {stable_mosaic.version = 14 : i64} {
  func.func @body(%arg0: i32, %arg1: memref<1000x512xf32, #tpu.memory_space<vmem>>, %arg2: memref<512x512xf32, #tpu.memory_space<vmem>>, %arg3: memref<1x512xf32, #tpu.memory_space<vmem>>, %arg4: memref<1000x512xf32, #tpu.memory_space<vmem>>) attributes {dimension_semantics = [#tpu.dimension_semantics<arbitrary>], iteration_bounds = array<i64: 10>, scalar_prefetch = 0 : i64, scratch_operands = 0 : i64, tpu.core_type = #tpu.core_type<tc>, window_params = [{transform_indices = @transform_0, window_bounds = array<i64: 1000, 512>}, {pipeline_mode = #tpu.pipeline_mode<synchronous>, transform_indices = @transform_1, window_bounds = array<i64: 512, 512>}, {pipeline_mode = #tpu.pipeline_mode<synchronous>, transform_indices = @transform_2, window_bounds = array<i64: 1, 512>}, {transform_indices = @transform_3, window_bounds = array<i64: 1000, 512>}]} {
    %get3A = arith.constant 0 : index
    %get3A_0 = arith.constant 0 : index
    %get3A_1 = vector.load %arg1[%get3A, %get3A_0] : memref<1000x512xf32, #tpu.memory_space<vmem>>, vector<1000x512xf32>
    %get3A_2 = arith.constant 0 : index
    %get3A_3 = arith.constant 0 : index
    %get3A_4 = vector.load %arg2[%get3A_2, %get3A_3] : memref<512x512xf32, #tpu.memory_space<vmem>>, vector<512x512xf32>
    %dot_general3A = arith.constant dense<0.000000e+00> : vector<1000x512xf32>
    %dot_general3A_5 = tpu.matmul %get3A_1, %get3A_4, %dot_general3A {dimension_numbers = #tpu.dot_dimension_numbers<[1], [0], [0], [1], [0, 0, 1, 1], [], []>, transpose_lhs_hint = false} : vector<1000x512xf32>, vector<512x512xf32>, vector<1000x512xf32> -> vector<1000x512xf32>
    %get3A_6 = arith.constant 0 : index
    %get3A_7 = arith.constant 0 : index
    %get3A_8 = vector.load %arg3[%get3A_6, %get3A_7] : memref<1x512xf32, #tpu.memory_space<vmem>>, vector<1x512xf32>
    %add3A = vector.broadcast %get3A_8 : vector<1x512xf32> to vector<1000x512xf32>
    %add3A_9 = arith.addf %dot_general3A_5, %add3A : vector<1000x512xf32>
    %swap3A = arith.constant 0 : index
    %swap3A_10 = arith.constant 0 : index
    %swap3A_11 = vector.load %arg4[%swap3A, %swap3A_10] : memref<1000x512xf32, #tpu.memory_space<vmem>>, vector<1000x512xf32>
    tpu.vector_store %arg4[%swap3A, %swap3A_10], %add3A_9 {strides = array<i32>} : memref<1000x512xf32, #tpu.memory_space<vmem>>, vector<1000x512xf32>,
    return
  }
  func.func @transform_0(%arg0: i32) -> (i32, i32) {
    %c0_i32 = arith.constant 0 : i32
    %c0_i32_0 = arith.constant 0 : i32
    return %arg0, %c0_i32 : i32, i32
  }
  func.func @transform_1(%arg0: i32) -> (i32, i32) {
    %c0_i32 = arith.constant 0 : i32
    %c0_i32_0 = arith.constant 0 : i32
    %c0_i32_1 = arith.constant 0 : i32
    return %c0_i32, %c0_i32_0 : i32, i32
  }
  func.func @transform_2(%arg0: i32) -> (i32, i32) {
    %c0_i32 = arith.constant 0 : i32
    %c0_i32_0 = arith.constant 0 : i32
    %c0_i32_1 = arith.constant 0 : i32
    return %c0_i32, %c0_i32_0 : i32, i32
  }
  func.func @transform_3(%arg0: i32) -> (i32, i32) {
    %c0_i32 = arith.constant 0 : i32
    %c0_i32_0 = arith.constant 0 : i32
    return %arg0, %c0_i32 : i32, i32
  }
}

module attributes {stable_mosaic.version = 14 : i64} {
  func.func @body(%arg0: i32, %arg1: memref<1000x1xi32, #tpu.memory_space<vmem>>, %arg2: memref<1000x512xf32, #tpu.memory_space<vmem>>, %arg3: memref<1000x512xf32, #tpu.memory_space<vmem>>, %arg4: memref<1000x512xf32, #tpu.memory_space<vmem>>, %arg5: memref<64x1536xf32, #tpu.memory_space<vmem>>, %arg6: memref<64x1536xf32, #tpu.memory_space<vmem>>, %arg7: memref<8x64xf32, #tpu.memory_space<vmem>>) attributes {dimension_semantics = [#tpu.dimension_semantics<arbitrary>], iteration_bounds = array<i64: 10>, scalar_prefetch = 0 : i64, scratch_operands = 2 : i64, tpu.core_type = #tpu.core_type<tc>, window_params = [{transform_indices = @transform_0, window_bounds = array<i64: 1000, 1>}, {transform_indices = @transform_1, window_bounds = array<i64: 1000, 512>}, {transform_indices = @transform_2, window_bounds = array<i64: 1000, 512>}, {transform_indices = @transform_3, window_bounds = array<i64: 1000, 512>}, {pipeline_mode = #tpu.pipeline_mode<synchronous>, transform_indices = @transform_4, window_bounds = array<i64: 64, 1536>}]} {
    %eq3A = arith.constant 0 : i32
    %eq3A_0 = arith.cmpi eq, %arg0, %eq3A : i32
    %convert_element_type3A = arith.extui %eq3A_0 : i1 to i32
    %cond3A = arith.constant 0 : i32
    %cond3A_1 = arith.cmpi ne, %convert_element_type3A, %cond3A : i32
    scf.if %cond3A_1 {
      %broadcast_in_dim3A_54 = arith.constant 0.000000e+00 : f32
      %broadcast_in_dim3A_55 = vector.broadcast %broadcast_in_dim3A_54 : f32 to vector<64x1536xf32>
      %swap3A_56 = arith.constant 0 : index
      %swap3A_57 = arith.constant 0 : index
      %swap3A_58 = vector.load %arg6[%swap3A_56, %swap3A_57] : memref<64x1536xf32, #tpu.memory_space<vmem>>, vector<64x1536xf32>
      tpu.vector_store %arg6[%swap3A_56, %swap3A_57], %broadcast_in_dim3A_55 {strides = array<i32>} : memref<64x1536xf32, #tpu.memory_space<vmem>>, vector<64x1536xf32>,
      %broadcast_in_dim3A_59 = arith.constant 0.000000e+00 : f32
      %broadcast_in_dim3A_60 = vector.broadcast %broadcast_in_dim3A_59 : f32 to vector<8x64xf32>
      %swap3A_61 = arith.constant 0 : index
      %swap3A_62 = arith.constant 0 : index
      %swap3A_63 = vector.load %arg7[%swap3A_61, %swap3A_62] : memref<8x64xf32, #tpu.memory_space<vmem>>, vector<8x64xf32>
      tpu.vector_store %arg7[%swap3A_61, %swap3A_62], %broadcast_in_dim3A_60 {strides = array<i32>} : memref<8x64xf32, #tpu.memory_space<vmem>>, vector<8x64xf32>,
    } else {
    }
    %get3A = arith.constant 0 : index
    %get3A_2 = arith.constant 0 : index
    %get3A_3 = vector.load %arg1[%get3A, %get3A_2] : memref<1000x1xi32, #tpu.memory_space<vmem>>, vector<1000x1xi32>
    %iota3A = tpu.iota {dimensions = array<i32: 1>} : vector<1000x64xi32>
    %eq3A_4 = vector.broadcast %get3A_3 : vector<1000x1xi32> to vector<1000x64xi32>
    %eq3A_5 = arith.cmpi eq, %eq3A_4, %iota3A : vector<1000x64xi32>
    %convert_element_type3A_6 = arith.extui %eq3A_5 : vector<1000x64xi1> to vector<1000x64xi32>
    %convert_element_type3A_7 = arith.sitofp %convert_element_type3A_6 : vector<1000x64xi32> to vector<1000x64xf32>
    %get3A_8 = arith.constant 0 : index
    %get3A_9 = arith.constant 0 : index
    %get3A_10 = vector.load %arg7[%get3A_8, %get3A_9] : memref<8x64xf32, #tpu.memory_space<vmem>>, vector<1x64xf32>
    %reduce_sum3A = arith.constant dense<0.000000e+00> : vector<64xf32>
    %reduce_sum3A_11 = vector.multi_reduction <add>, %convert_element_type3A_7, %reduce_sum3A [0] : vector<1000x64xf32> to vector<64xf32>
    %broadcast_in_dim3A = vector.shape_cast %reduce_sum3A_11 : vector<64xf32> to vector<1x64xf32>
    %add3A = arith.addf %get3A_10, %broadcast_in_dim3A : vector<1x64xf32>
    %swap3A = arith.constant 0 : index
    %swap3A_12 = arith.constant 0 : index
    %swap3A_13 = vector.load %arg7[%swap3A, %swap3A_12] : memref<8x64xf32, #tpu.memory_space<vmem>>, vector<1x64xf32>
    tpu.vector_store %arg7[%swap3A, %swap3A_12], %add3A {strides = array<i32>} : memref<8x64xf32, #tpu.memory_space<vmem>>, vector<1x64xf32>,
    %get3A_14 = arith.constant 0 : index
    %get3A_15 = arith.constant 0 : index
    %get3A_16 = vector.load %arg6[%get3A_14, %get3A_15] : memref<64x1536xf32, #tpu.memory_space<vmem>>, vector<64x512xf32>
    %get3A_17 = arith.constant 0 : index
    %get3A_18 = arith.constant 0 : index
    %get3A_19 = vector.load %arg2[%get3A_17, %get3A_18] : memref<1000x512xf32, #tpu.memory_space<vmem>>, vector<1000x512xf32>
    %dot_general3A = arith.constant dense<0.000000e+00> : vector<64x512xf32>
    %dot_general3A_20 = tpu.matmul %convert_element_type3A_7, %get3A_19, %dot_general3A {dimension_numbers = #tpu.dot_dimension_numbers<[0], [0], [1], [1], [0, 1, 1, 1], [], []>, transpose_lhs_hint = false} : vector<1000x64xf32>, vector<1000x512xf32>, vector<64x512xf32> -> vector<64x512xf32>
    %add3A_21 = arith.addf %get3A_16, %dot_general3A_20 : vector<64x512xf32>
    %swap3A_22 = arith.constant 0 : index
    %swap3A_23 = arith.constant 0 : index
    %swap3A_24 = vector.load %arg6[%swap3A_22, %swap3A_23] : memref<64x1536xf32, #tpu.memory_space<vmem>>, vector<64x512xf32>
    tpu.vector_store %arg6[%swap3A_22, %swap3A_23], %add3A_21 {strides = array<i32>} : memref<64x1536xf32, #tpu.memory_space<vmem>>, vector<64x512xf32>,
    %get3A_25 = arith.constant 0 : index
    %get3A_26 = arith.constant 512 : index
    %get3A_27 = vector.load %arg6[%get3A_25, %get3A_26] : memref<64x1536xf32, #tpu.memory_space<vmem>>, vector<64x512xf32>
    %get3A_28 = arith.constant 0 : index
    %get3A_29 = arith.constant 0 : index
    %get3A_30 = vector.load %arg3[%get3A_28, %get3A_29] : memref<1000x512xf32, #tpu.memory_space<vmem>>, vector<1000x512xf32>
    %dot_general3A_31 = arith.constant dense<0.000000e+00> : vector<64x512xf32>
    %dot_general3A_32 = tpu.matmul %convert_element_type3A_7, %get3A_30, %dot_general3A_31 {dimension_numbers = #tpu.dot_dimension_numbers<[0], [0], [1], [1], [0, 1, 1, 1], [], []>, transpose_lhs_hint = false} : vector<1000x64xf32>, vector<1000x512xf32>, vector<64x512xf32> -> vector<64x512xf32>
    %add3A_33 = arith.addf %get3A_27, %dot_general3A_32 : vector<64x512xf32>
    %swap3A_34 = arith.constant 0 : index
    %swap3A_35 = arith.constant 512 : index
    %swap3A_36 = vector.load %arg6[%swap3A_34, %swap3A_35] : memref<64x1536xf32, #tpu.memory_space<vmem>>, vector<64x512xf32>
    tpu.vector_store %arg6[%swap3A_34, %swap3A_35], %add3A_33 {strides = array<i32>} : memref<64x1536xf32, #tpu.memory_space<vmem>>, vector<64x512xf32>,
    %get3A_37 = arith.constant 0 : index
    %get3A_38 = arith.constant 1024 : index
    %get3A_39 = vector.load %arg6[%get3A_37, %get3A_38] : memref<64x1536xf32, #tpu.memory_space<vmem>>, vector<64x512xf32>
    %get3A_40 = arith.constant 0 : index
    %get3A_41 = arith.constant 0 : index
    %get3A_42 = vector.load %arg4[%get3A_40, %get3A_41] : memref<1000x512xf32, #tpu.memory_space<vmem>>, vector<1000x512xf32>
    %dot_general3A_43 = arith.constant dense<0.000000e+00> : vector<64x512xf32>
    %dot_general3A_44 = tpu.matmul %convert_element_type3A_7, %get3A_42, %dot_general3A_43 {dimension_numbers = #tpu.dot_dimension_numbers<[0], [0], [1], [1], [0, 1, 1, 1], [], []>, transpose_lhs_hint = false} : vector<1000x64xf32>, vector<1000x512xf32>, vector<64x512xf32> -> vector<64x512xf32>
    %add3A_45 = arith.addf %get3A_39, %dot_general3A_44 : vector<64x512xf32>
    %swap3A_46 = arith.constant 0 : index
    %swap3A_47 = arith.constant 1024 : index
    %swap3A_48 = vector.load %arg6[%swap3A_46, %swap3A_47] : memref<64x1536xf32, #tpu.memory_space<vmem>>, vector<64x512xf32>
    tpu.vector_store %arg6[%swap3A_46, %swap3A_47], %add3A_45 {strides = array<i32>} : memref<64x1536xf32, #tpu.memory_space<vmem>>, vector<64x512xf32>,
    %eq3A_49 = arith.constant 9 : i32
    %eq3A_50 = arith.cmpi eq, %arg0, %eq3A_49 : i32
    %convert_element_type3A_51 = arith.extui %eq3A_50 : i1 to i32
    %cond3A_52 = arith.constant 0 : i32
    %cond3A_53 = arith.cmpi ne, %convert_element_type3A_51, %cond3A_52 : i32
    scf.if %cond3A_53 {
      %get3A_54 = arith.constant 0 : index
      %get3A_55 = arith.constant 0 : index
      %get3A_56 = vector.load %arg7[%get3A_54, %get3A_55] : memref<8x64xf32, #tpu.memory_space<vmem>>, vector<1x64xf32>
      %max3A = arith.constant 1.000000e+00 : f32
      %max3A_57 = vector.broadcast %max3A : f32 to vector<1x64xf32>
      %max3A_58 = arith.maximumf %get3A_56, %max3A_57 : vector<1x64xf32>
      %reshape3A = vector.shape_cast %max3A_58 : vector<1x64xf32> to vector<64x1xf32>
      %get3A_59 = arith.constant 0 : index
      %get3A_60 = arith.constant 0 : index
      %get3A_61 = vector.load %arg6[%get3A_59, %get3A_60] : memref<64x1536xf32, #tpu.memory_space<vmem>>, vector<64x1536xf32>
      %div3A = vector.broadcast %reshape3A : vector<64x1xf32> to vector<64x1536xf32>
      %div3A_62 = arith.divf %get3A_61, %div3A : vector<64x1536xf32>
      %swap3A_63 = arith.constant 0 : index
      %swap3A_64 = arith.constant 0 : index
      %swap3A_65 = vector.load %arg5[%swap3A_63, %swap3A_64] : memref<64x1536xf32, #tpu.memory_space<vmem>>, vector<64x1536xf32>
      tpu.vector_store %arg5[%swap3A_63, %swap3A_64], %div3A_62 {strides = array<i32>} : memref<64x1536xf32, #tpu.memory_space<vmem>>, vector<64x1536xf32>,
    } else {
    }
    return
  }
  func.func @transform_0(%arg0: i32) -> (i32, i32) {
    %c0_i32 = arith.constant 0 : i32
    %c0_i32_0 = arith.constant 0 : i32
    return %arg0, %c0_i32 : i32, i32
  }
  func.func @transform_1(%arg0: i32) -> (i32, i32) {
    %c0_i32 = arith.constant 0 : i32
    %c0_i32_0 = arith.constant 0 : i32
    return %arg0, %c0_i32 : i32, i32
  }
  func.func @transform_2(%arg0: i32) -> (i32, i32) {
    %c0_i32 = arith.constant 0 : i32
    %c0_i32_0 = arith.constant 0 : i32
    return %arg0, %c0_i32 : i32, i32
  }
  func.func @transform_3(%arg0: i32) -> (i32, i32) {
    %c0_i32 = arith.constant 0 : i32
    %c0_i32_0 = arith.constant 0 : i32
    return %arg0, %c0_i32 : i32, i32
  }
  func.func @transform_4(%arg0: i32) -> (i32, i32) {
    %c0_i32 = arith.constant 0 : i32
    %c0_i32_0 = arith.constant 0 : i32
    %c0_i32_1 = arith.constant 0 : i32
    return %c0_i32, %c0_i32_0 : i32, i32
  }
}

</mosaic_0001>

<sc_bundles>
// kernel: kernel.14.cloned.1.call-start
scs
__scs_entry_jumppad:
0x0: {  	(pc) =	sbr.rel $0x88, $3  }
0x1: {  	(tag) =	ssettag $0x0;
	lr =	simm.s32 $0x1  }
0x2: {  	[smem:$0x3F8E] =	sst lr;
	_ =	strace $0xD0000000  }
0x3: {  	_ = 	snop  }
0x4: {  	_ = 	snop  }
0x5: {  	_ = 	snop  }
0x6: {  	_ = 	snop  }
0x7: {  	_ = 	snop  }
__scs_overlays_trampoline_lowered:
0x8: {  	[smem:$0x3F9D] =	sst s0  }
0x9: {  	[smem:$0x3F9E] =	sst s1  }
0xa: {  	[smem:$0x3F9F] =	sst s2  }
0xb: {  	[smem:$0x3FA0] =	sst s3  }
0xc: {  	[smem:$0x3FA1] =	sst s4  }
0xd: {  	[smem:$0x3FA2] =	sst s5  }
0xe: {  	[smem:$0x3FA3] =	sst s6  }
0xf: {  	[smem:$0x3FA4] =	sst s7  }
0x10: {  	[smem:$0x3FA5] =	sst s8  }
0x11: {  	[smem:$0x3FA6] =	sst s9;
	s0 =	simm.s32 @!p0 $0x0  }
0x12: {  	s1 =	sld [smem:$0x3F8C];
	s0 =	simm.s32 @p0 $0x1  }
0x13: {  	[smem:$0x3FA7] =	sst s0;
	s0 =	simm.s32 @!p1 $0x0  }
0x14: {  	s2 =	sld [smem:$0x3F8B];
	s0 =	simm.s32 @p1 $0x1  }
0x15: {  	[smem:$0x3FA8] =	sst s0;
	s0 =	simm.s32 @!p2 $0x0  }
0x16: {  	s3 =	sld [smem:$0x3FDB];
	s0 =	simm.s32 @p2 $0x1  }
0x17: {  	s4 =	simm.s32 $0x1BF5;
	[smem:$0x3FAA] =	sst s0  }
0x18: {  	s0 =	sld [smem:$0x3F8D];
	_ =	swait.ge [sflag:s4], $0x0  }
0x19: {  	s7 =	sld [smem:$0x3F8E]  }
0x1a: {  	s8 =	sadd.s32 $0xFFFFE003, lr  }
0x1b: {  	s9 =	sadd.s32 $0xFFFFFEF7, lr;
	s5 =	simm.s32 $0xFFFFFFFF;
	p2 =	slt.u32 s8, $0xFFFFF086  }
0x1c: {  	p1 =	slt.u32 s9, $0xF7A;
	s5 =	simm.s32 @!p2 $0x0  }
0x1d: {  	s5 =	simm.s32 @p1 $0x1;
	p0 =	seq.s32 s7, s2  }
0x1e: {  	s7 =	smul.u32 @!p0 $0xF7A, s2;
	p2 =	seq.s32 @!p0 s5, $0x0  }
0x1f: {  	s9 =	smul.u32 $0xF7A, s1;
	s8 =	simm.s32 @!p0 $0x1BF5;
	p2 =	por !p2, p0  }
0x20: {  	[sflag:s8] =	ssyncset.s32 @!p0 $0xFFFFF086;
	s6 =	sadd.s32 @!p0 s3, s7;
	s7 =	simm.s32 @!p0 $0x108  }
0x21: {  	s3 =	sadd.s32 s3, s9;
	s6 =	sadd.s32 @!p0 $0x88, s6;
	s7 =	simm.s32 @p2 $0x1082  }
0x22: {  	[simem:s7], [sflag:s8] =	dma.local @!p0 [hbm:s6], $0xF7A  }
0x23: {  	s9 =	sor.u32 $0xD0000000, s2;
	s6 =	simm.s32 $0x108;
	_ =	swait.ge @!p0 [sflag:s8], $0x0  }
0x24: {  	s3 =	sadd.s32 $0x88, s3;
	s6 =	simm.s32 @!p1 $0x1082;
	[sflag:s4] =	ssyncset.s32 $0xFFFFF086  }
0x25: {  	[simem:s6], [sflag:s4] =	dma.local [hbm:s3], $0xF7A  }
0x26: {  	[smem:$0x3F8E] =	sst s1;
	(tag) =	ssettag s2;
	_ =	strace s9  }
0x27: {  	s1 =	sld [smem:$0x3F9E]  }
0x28: {  	s2 =	sld [smem:$0x3F9F]  }
0x29: {  	s4 =	sld [smem:$0x3FA1]  }
0x2a: {  	p0 =	seq.s32 s5, $0x0;
	s5 =	sld [smem:$0x3FA2]  }
0x2b: {  	s6 =	sld [smem:$0x3FA3]  }
0x2c: {  	s7 =	sld [smem:$0x3FA4]  }
0x2d: {  	s3 =	simm.s32 $0x108;
	s8 =	sld [smem:$0x3FA5]  }
0x2e: {  	s3 =	simm.s32 @!p0 $0x1082;
	s9 =	sld [smem:$0x3FA6]  }
0x2f: {  	lr =	sadd.s32 s0, s3;
	s0 =	sld [smem:$0x3F9D]  }
0x30: {  	s3 =	sld [smem:$0x3FA0]  }
0x31: {  	[smem:$0x3FA9] =	sst s10  }
0x32: {  	s10 =	sld [smem:$0x3FA7];
	_ =	sdelay $0x3  }
0x33: {  	p0 =	seq.s32 s10, $0x1;
	s10 =	sld [smem:$0x3FA9];
	_ =	sdelay $0x3  }
0x34: {  	[smem:$0x3FA9] =	sst s10  }
0x35: {  	s10 =	sld [smem:$0x3FA8];
	_ =	sdelay $0x3  }
0x36: {  	p1 =	seq.s32 s10, $0x1;
	s10 =	sld [smem:$0x3FA9];
	_ =	sdelay $0x3  }
0x37: {  	[smem:$0x3FA9] =	sst s10  }
0x38: {  	s10 =	sld [smem:$0x3FAA]  }
0x39: {  	_ = 	snop;
	(pc) =	sbr.ind lr, $3  }
0x3a: {  	_ = 	snop  }
0x3b: {  	_ = 	snop  }
0x3c: {  	p2 =	seq.s32 s10, $0x1;
	s10 =	sld [smem:$0x3FA9]  }
0x3d: {  	_ =	shalt  }
0x3e: {  	_ =	shalt  }
0x3f: {  	_ =	shalt  }
0x40: {  	_ =	shalt  }
0x41: {  	_ =	shalt  }
0x42: {  	_ =	shalt  }
0x43: {  	_ =	shalt  }
0x44: {  	_ =	shalt  }
0x45: {  	_ =	shalt  }
0x46: {  	_ =	shalt  }
0x47: {  	_ =	shalt  }
0x48: {  	_ =	shalt  }
0x49: {  	_ =	shalt  }
0x4a: {  	_ =	shalt  }
0x4b: {  	_ =	shalt  }
0x4c: {  	_ =	shalt  }
0x4d: {  	_ =	shalt  }
0x4e: {  	_ =	shalt  }
0x4f: {  	_ =	shalt  }
0x50: {  	_ =	shalt  }
0x51: {  	_ =	shalt  }
0x52: {  	_ =	shalt  }
0x53: {  	_ =	shalt  }
0x54: {  	_ =	shalt  }
0x55: {  	_ =	shalt  }
0x56: {  	_ =	shalt  }
0x57: {  	_ =	shalt  }
0x58: {  	_ =	shalt  }
0x59: {  	_ =	shalt  }
0x5a: {  	_ =	shalt  }
0x5b: {  	_ =	shalt  }
0x5c: {  	_ =	shalt  }
0x5d: {  	_ =	shalt  }
0x5e: {  	_ =	shalt  }
0x5f: {  	_ =	shalt  }
0x60: {  	_ =	shalt  }
0x61: {  	_ =	shalt  }
0x62: {  	_ =	shalt  }
0x63: {  	_ =	shalt  }
0x64: {  	_ =	shalt  }
0x65: {  	_ =	shalt  }
0x66: {  	_ =	shalt  }
0x67: {  	_ =	shalt  }
0x68: {  	_ =	shalt  }
0x69: {  	_ =	shalt  }
0x6a: {  	_ =	shalt  }
0x6b: {  	_ =	shalt  }
0x6c: {  	_ =	shalt  }
0x6d: {  	_ =	shalt  }
0x6e: {  	_ =	shalt  }
0x6f: {  	_ =	shalt  }
0x70: {  	_ =	shalt  }
0x71: {  	_ =	shalt  }
0x72: {  	_ =	shalt  }
0x73: {  	_ =	shalt  }
0x74: {  	_ =	shalt  }
0x75: {  	_ =	shalt  }
0x76: {  	_ =	shalt  }
0x77: {  	_ =	shalt  }
0x78: {  	_ =	shalt  }
0x79: {  	_ =	shalt  }
0x7a: {  	_ =	shalt  }
0x7b: {  	_ =	shalt  }
0x7c: {  	_ =	shalt  }
0x7d: {  	_ =	shalt  }
0x7e: {  	_ =	shalt  }
0x7f: {  	_ =	shalt  }
0x80: {  	_ =	shalt  }
0x81: {  	_ =	shalt  }
0x82: {  	_ =	shalt  }
0x83: {  	_ =	shalt  }
0x84: {  	_ =	shalt  }
0x85: {  	_ =	shalt  }
0x86: {  	_ =	shalt  }
0x87: {  	_ =	shalt  }
.Lfunc_end0:
.L_simem_size_0:
called_computation_lowered:
.L_overlay_start_0:
0x88: {  	s2 =	sld [smem:$0x3FD9]  }
0x89: {  	s3 =	sld [smem:$0x3FFE];
	_ =	sdelay $0x1  }
0x8a: {  	s1 =	srdreg.scid  }
0x8b: {  	s0 =	sand.u32 $0x1, s1  }
0x8c: {  	s17 =	sshll.u32 s0, $0xA;
	s2 =	sadd.s32 s3, s2  }
0x8d: {  	s2 =	sadd.s32 s2, s17  }
0x8e: {  	[smem:$0x3FB5] =	sst s2  }
0x8f: {  	_ = 	snop  }
0x90: {  	s2 =	sld [smem:$0x3FD0];
	(tm) =	ssettm $0x1  }
0x91: {  	s18 =	sld [smem:$0x3FFB];
	_ =	sdelay $0x3  }
0x92: {  	_ =	strace s18  }
0x93: {  	s3 =	sld [smem:$0x3FFC];
	_ =	sdelay $0x3  }
0x94: {  	_ =	strace s3  }
0x95: {  	s3 =	sld [smem:$0x3FFD];
	_ =	sdelay $0x3  }
0x96: {  	_ =	strace s3  }
0x97: {  	_ =	strace $0x8FFFFFFF  }
0x98: {  	s19 =	sld [smem:$0x3FDB];
	_ =	sdelay $0x1  }
0x99: {  	s4 =	simm.s32 $_scs_section_size  }
0x9a: {  	s5 =	simm.s32 $_size__tile_overlayer_lowered;
	s6 =	simm.s32 $_tile_overlayer_lowered  }
0x9b: {  	s22 =	simm.s32 $0x1BFF;
	s21 =	sshll.u32 s6, $0x1;
	s3 =	sadd.s32 s4, s19  }
0x9c: {  	s7 =	simm.s32 $0x0;
	s20 =	sshll.u32 s5, $0x1;
	s5 =	sadd.s32 s21, s3  }
0x9d: {  	[timem:s7], [sflag:s22] =	dma.local [hbm:s5], s20  }
0x9e: {  	_ =	swait.ge [sflag:s22], s20  }
0x9f: {  	s4 =	ssub.s32 $0x0, s20;
	[sflag:s22] =	ssyncset.done $0x0  }
0xa0: {  	[sflag:s22] =	ssyncadd.s32 s4;
	_ =	sdelay $0x1  }
0xa1: {  	s23 =	simm.s32 $0x1B8B  }
0xa2: {  	_ =	swait.ge [sflag:s23], $0x1  }
0xa3: {  	[sflag:s23] =	ssyncset.done $0x0  }
0xa4: {  	s25 =	simm.s32 $0x1B8E;
	s24 =	sld [smem:$0x3FFE];
	[sflag:s23] =	ssyncadd.s32 $0xFFFFFFFF  }
0xa5: {  	s26 =	simm.s32 $execute0_lowered;
	[smem:$0x3FD2] =	sst s25  }
0xa6: {  	s5 =	sshll.u32 s26, $0x1;
	_ =	strace $0x80000046;
	[dreg:$0x1] =	wrdreg $0xFFFFFFFF  }
0xa7: {  	s28 =	simm.s32 $_size_execute0_lowered;
	s3 =	sadd.s32 s3, s5;
	[dreg:$0x0] =	wrdreg $0x0  }
0xa8: {  	s5 =	sshll.u32 s28, $0x1;
	[dreg:$0x2] =	wrdreg s3  }
0xa9: {  	[dreg:$0x3] =	wrdreg s5  }
0xaa: {  	[dreg:$0x4] =	wrdreg $0xC0  }
0xab: {  	_ =	task [dreg:s7], $0x5FFFF  }
0xac: {  	[dreg:$0x1] =	wrdreg $0xFFFFFFFF  }
0xad: {  	[dreg:$0x0] =	wrdreg $0x60  }
0xae: {  	[dreg:$0x2] =	wrdreg s24  }
0xaf: {  	[dreg:$0x3] =	wrdreg s2  }
0xb0: {  	[dreg:$0x4] =	wrdreg $0x46000  }
0xb1: {  	[dreg:$0x5] =	wrdreg $0x9  }
0xb2: {  	_ =	task.clear_ibuf [dreg:s7], $0x6FFFF;
	_ =	strace $0x90000046  }
0xb3: {  	s29 =	simm.s32 $0x9;
	_ =	strace $0x80000048  }
0xb4: {  	_ =	swait.ge [sflag:s29], $0x1  }
0xb5: {  	[sflag:s29] =	ssyncadd.s32 $0xFFFFFFFF  }
0xb6: {  	_ =	strace $0x90000048  }
0xb7: {  	_ =	sfence  }
0xb8: {  	s30 =	sld [smem:$0x0];
	_ =	sdelay $0x2  }
0xb9: {  	s31 =	sshll.u32 s1, $0xD;
	s1 =	sshrl.u32 s1, $0x2  }
0xba: {  	s3 =	sand.u32 $0x4000, s31;
	s1 =	sadd.s32 s1, s30  }
0xbb: {  	s0 =	sor.u32 s3, s0;
	s1 =	sshll.u32 s1, $0x11  }
0xbc: {  	s0 =	sor.u32 s1, s0  }
0xbd: {  	s0 =	sadd.s32 $0x8F2B, s0  }
0xbe: {  	[sflag:s0] =	ssyncadd.remote.s32 $0x1  }
0xbf: {  	_ =	sfence.sel $0xFFFF  }
0xc0: {  	[dreg:$0x0] =	wrdreg $0xFFFFFFFF;
	(pc) =	sbr.abs _section_cstart, $3  }
0xc1: {  	[dreg:$0x1] =	wrdreg $0xFFFFFFFF  }
0xc2: {  	_ =	task.clear_ibuf [dreg:s7], $0x2FFFF;
	_ =	strace $0x9FFFFFFF  }
0xc3: {  	(tm) =	ssettm $0x7FFFFFFF  }
tec
execute0_lowered:
.L_overlay_start_1:
0x0: {  	(tag) =	ssettag $0x1  }
0x1: {  	s10 =	rddreg [dreg:$0x0]  }
0x2: {  	s1 =	rddreg [dreg:$0x1]  }
0x3: {  	s2 =	rddreg [dreg:$0x2]  }
0x4: {  	s3 =	srdreg.scid;
	s0 =	rddreg [dreg:$0x3]  }
0x5: {  	s4 =	simm.s32 $0x0;
	s18 =	simm.s32 $0x100;
	s19 =	simm.s32 $0x1  }
0x6: {  	s20 =	simm.s32 $0x4100;
	s21 =	simm.s32 $0x4180;
	s22 =	simm.s32 $0x8  }
0x7: {  	s23 =	simm.s32 $0x4200;
	s6 =	sand.u32 $0x1, s3;
	s3 =	stileid.u32  }
0x8: {  	[smem:$0x7FF] =	sst s4;
	s5 =	sadd.s32 $0xE400, s10;
	s7 =	smul.u32 $0x13C000, s6  }
0x9: {  	s14 =	sadd.s32 $0x9400, s10;
	s13 =	sadd.s32 $0x4400, s10;
	s8 =	smul.u32 $0x13C00, s3  }
0xa: {  	_ =	strace $0x80000047;
	s24 =	sshll.u32 s3, $0x1;
	s11 =	smul.u32 $0x4F000, s3  }
0xb: {  	s9 =	ssub.s32 $0x2, s6;
	s28 =	smul.u32 $0x2710, s3;
	s29 =	sshll.u32 s3, $0x6  }
0xc: {  	s17 =	smul.u32 $0x1388, s6;
	s12 =	sshrl.u32 s9, $0x1;
	s7 =	sadd.s32 s8, s7  }
0xd: {  	s8 =	sor.u32 s6, s24;
	s12 =	ssub.s32 s9, s12;
	s25 =	sshrl.u32 s11, $0x2  }
0xe: {  	s6 =	sor.u32 $0x1C02, s29;
	s17 =	sadd.s32 s17, s28;
	s24 =	simm.s32 $0x0  }
0xf: {  	s7 =	sshrl.u32 s7, $0x3;
	s8 =	smul.u32 $0x1388, s8;
	s16 =	sadd.s32 s25, s2  }
0x10: {  	s12 =	smax.u32 s12, $0x1;
	s31 =	sshrl.u32 s17, $0x3;
	s17 =	simm.s32 $0x80  }
0x11: {  	s15 =	sadd.s32 s7, s10;
	s10 =	sadd.s32 $0x35500, s10;
	s26 =	sshrl.u32 s8, $0x3  }
0x12: {  	s9 =	sadd.s32 $0x5C600, s15;
	s11 =	sadd.s32 $0xAB600, s15;
	s30 =	sadd.s32 $0x270, s26  }
0x13: {  	s15 =	sshrl.u32 s16, $0x3;
	s16 =	simm.s32 $0x2;
	s7 =	sadd.s32 s14, s30  }
0x14: {  	s8 =	sadd.s32 s13, s30;
	s13 =	sadd.s32 s31, s13;
	s14 =	sadd.s32 s31, s14  }
.LBB2_1:
0x15: {  	[spmem:s15], [sflag:s6] =	dma.local [hbm:s1], $0x2780  }
0x16: {  	_ =	swait.ge [sflag:s16], $0x2780  }
0x17: {  	[sflag:s16] =	ssyncset.done $0x0  }
0x18: {  	[sflag:s16] =	ssyncadd.s32 $0xFFFFD880  }
0x19: {  	s25 =	sadd.s32 $0x0, s14;
	[bflag:$0x0] =	sbarrier.arrive $0xFFFF  }
0x1a: {  	[tilespmem:s4], [sflag:$0x2] =	stream.linear.gather [hbm4b:s25+s4], $0x80, $0x38;
	[tilespmem:$0x18200] =	vst v63  }
0x1b: {  	_ =	swait.ge [sflag:s16], $0x80  }
0x1c: {  	[sflag:s16] =	ssyncset.done $0x0  }
0x1d: {  	s31 =	sadd.s32 $0x0, s13;
	[sflag:s16] =	ssyncadd.s32 $0xFFFFFF80  }
0x1e: {  	[tilespmem:s17], [sflag:$0x2] =	stream.linear.gather [hbm4b:s31+s4], $0x80, $0x38;
	[tilespmem:$0x18200] =	vst v63  }
0x1f: {  	_ =	swait.ge [sflag:s16], $0x80  }
0x20: {  	[sflag:s16] =	ssyncset.done $0x0  }
0x21: {  	[sflag:s16] =	ssyncadd.s32 $0xFFFFFF80  }
0x22: {  	[tilespmem:s18], [sflag:$0x1] =	stream.indirect.gather [hbm4b:s5+s17], $0x80, s4, s17, $0xb8;
	[tilespmem:$0x18200] =	vst v63  }
0x23: {  	_ =	swait.ge [sflag:s19], $0x4000  }
0x24: {  	[sflag:s19] =	ssyncset.done $0x0  }
0x25: {  	[sflag:s19] =	ssyncadd.s32 $0xFFFFC000  }
0x26: {  	[spmem:s2] =	stream.indirect.scatter.add.f32 [tilespmem:s18], [sflag:$0x2], $0x80, s17, s17, $0xb8;
	[tilespmem:$0x18200] =	vst v63  }
0x27: {  	_ =	swait.ge [sflag:s16], $0x4000  }
0x28: {  	s26 =	simm.s32 $0x20;
	s25 =	simm.s32 $0x10;
	[sflag:s16] =	ssyncset.done $0x0  }
.LBB2_2:
0x29: {  	s28 =	sadd.s32 s25, s14  }
0x2a: {  	[sflag:s16] =	ssyncadd.s32 $0xFFFFC000;
	s29 =	smov.u32 s26;
	s30 =	sadd.s32 $0x10, s26  }
0x2b: {  	[tilespmem:s4], [sflag:$0x2] =	stream.linear.gather [hbm4b:s28+s4], $0x80, $0x38;
	[tilespmem:$0x18200] =	vst v63  }
0x2c: {  	p0 =	sne.s32 s26, $0x260;
	_ =	swait.ge [sflag:s16], $0x80  }
0x2d: {  	[sflag:s16] =	ssyncset.done $0x0  }
0x2e: {  	s26 =	sadd.s32 s25, s13;
	s25 =	smov.u32 s29;
	[sflag:s16] =	ssyncadd.s32 $0xFFFFFF80  }
0x2f: {  	[tilespmem:s17], [sflag:$0x2] =	stream.linear.gather [hbm4b:s26+s4], $0x80, $0x38;
	[tilespmem:$0x18200] =	vst v63  }
0x30: {  	_ =	swait.ge [sflag:s16], $0x80  }
0x31: {  	[sflag:s16] =	ssyncset.done $0x0  }
0x32: {  	[sflag:s16] =	ssyncadd.s32 $0xFFFFFF80  }
0x33: {  	[tilespmem:s18], [sflag:$0x1] =	stream.indirect.gather [hbm4b:s5+s17], $0x80, s4, s17, $0xb8;
	[tilespmem:$0x18200] =	vst v63  }
0x34: {  	_ =	swait.ge [sflag:s19], $0x4000  }
.Ltmp0:
0x35: {  	[sflag:s19] =	ssyncset.done $0x0;
	(pc) =	sbr.rel @p0 .LBB2_2-.Ltmp0, $4  }
0x36: {  	[sflag:s19] =	ssyncadd.s32 $0xFFFFC000  }
0x37: {  	[spmem:s2] =	stream.indirect.scatter.add.f32 [tilespmem:s18], [sflag:$0x2], $0x80, s17, s17, $0xb8;
	[tilespmem:$0x18200] =	vst v63  }
0x38: {  	_ =	swait.ge [sflag:s16], $0x4000  }
0x39: {  	s26 =	smov.u32 s30;
	[sflag:s16] =	ssyncset.done $0x0  }
0x3a: {  	s26 =	sadd.s32 s25, s14;
	[sflag:s16] =	ssyncadd.s32 $0xFFFFC000  }
0x3b: {  	[tilespmem:s4], [sflag:$0x2] =	stream.linear.gather [hbm4b:s26+s4], $0x80, $0x38;
	[tilespmem:$0x18200] =	vst v63  }
0x3c: {  	_ =	swait.ge [sflag:s16], $0x80  }
0x3d: {  	[sflag:s16] =	ssyncset.done $0x0  }
0x3e: {  	s28 =	sadd.s32 s25, s13;
	[sflag:s16] =	ssyncadd.s32 $0xFFFFFF80  }
0x3f: {  	[tilespmem:s17], [sflag:$0x2] =	stream.linear.gather [hbm4b:s28+s4], $0x80, $0x38;
	[tilespmem:$0x18200] =	vst v63  }
0x40: {  	_ =	swait.ge [sflag:s16], $0x80  }
0x41: {  	[sflag:s16] =	ssyncset.done $0x0  }
0x42: {  	[sflag:s16] =	ssyncadd.s32 $0xFFFFFF80  }
0x43: {  	[tilespmem:s18], [sflag:$0x1] =	stream.indirect.gather [hbm4b:s5+s17], $0x80, s4, s17, $0xb8;
	[tilespmem:$0x18200] =	vst v63  }
0x44: {  	_ =	swait.ge [sflag:s19], $0x4000  }
0x45: {  	[sflag:s19] =	ssyncset.done $0x0  }
0x46: {  	[sflag:s19] =	ssyncadd.s32 $0xFFFFC000  }
0x47: {  	[spmem:s2] =	stream.indirect.scatter.add.f32 [tilespmem:s18], [sflag:$0x2], $0x80, s17, s17, $0xb8;
	[tilespmem:$0x18200] =	vst v63  }
0x48: {  	_ =	swait.ge [sflag:s16], $0x4000  }
0x49: {  	[sflag:s16] =	ssyncset.done $0x0  }
0x4a: {  	s29 =	simm.s32 $0x0;
	[sflag:s16] =	ssyncadd.s32 $0xFFFFC000  }
0x4b: {  	[tilespmem:s20], [sflag:$0x2] =	stream.linear.gather [hbm4b:s7+s29], $0x8, $0x38;
	[tilespmem:$0x18200] =	vst v63  }
0x4c: {  	_ =	swait.ge [sflag:s16], $0x8  }
0x4d: {  	[sflag:s16] =	ssyncset.done $0x0  }
0x4e: {  	[sflag:s16] =	ssyncadd.s32 $0xFFFFFFF8  }
0x4f: {  	[tilespmem:s21], [sflag:$0x2] =	stream.linear.gather [hbm4b:s8+s29], $0x8, $0x38;
	[tilespmem:$0x18200] =	vst v63  }
0x50: {  	_ =	swait.ge [sflag:s16], $0x8  }
0x51: {  	[sflag:s16] =	ssyncset.done $0x0  }
0x52: {  	[sflag:s16] =	ssyncadd.s32 $0xFFFFFFF8  }
0x53: {  	[tilespmem:s23], [sflag:$0x1] =	stream.indirect.gather [hbm4b:s5+s22], $0x80, s20, s22, $0xb8;
	[tilespmem:$0x18200] =	vst v63  }
0x54: {  	_ =	swait.ge [sflag:s19], $0x400  }
0x55: {  	[sflag:s19] =	ssyncset.done $0x0  }
0x56: {  	[sflag:s19] =	ssyncadd.s32 $0xFFFFFC00  }
0x57: {  	[spmem:s2] =	stream.indirect.scatter.add.f32 [tilespmem:s23], [sflag:$0x2], $0x80, s21, s22, $0xb8;
	[tilespmem:$0x18200] =	vst v63  }
0x58: {  	_ =	swait.ge [sflag:s16], $0x400  }
0x59: {  	[sflag:s16] =	ssyncset.done $0x0  }
0x5a: {  	[sflag:s16] =	ssyncadd.s32 $0xFFFFFC00  }
0x5b: {  	[bflag:$0x0] =	sbarrier.arrive $0xFFFF  }
0x5c: {  	_ =	sdelay $0x7ff  }
0x5d: {  	_ =	sdelay $0x700  }
0x5e: {  	[bflag:$0x0] =	sbarrier.arrive $0xFFFF  }
0x5f: {  	[hbm:s9], [sflag:s6] =	dma.local [spmem:s15], $0x2780  }
0x60: {  	_ =	swait.ge [sflag:s16], $0x2780  }
0x61: {  	[sflag:s16] =	ssyncset.done $0x0  }
0x62: {  	[sflag:s16] =	ssyncadd.s32 $0xFFFFD880  }
0x63: {  	[bflag:$0x0] =	sbarrier.arrive $0xFFFF  }
0x64: {  	[spmem:s15], [sflag:s6] =	dma.local [hbm:s1], $0x2780  }
0x65: {  	_ =	swait.ge [sflag:s16], $0x2780  }
0x66: {  	[sflag:s16] =	ssyncset.done $0x0  }
0x67: {  	[sflag:s16] =	ssyncadd.s32 $0xFFFFD880  }
0x68: {  	s30 =	sadd.s32 $0x0, s14;
	[bflag:$0x0] =	sbarrier.arrive $0xFFFF  }
0x69: {  	[tilespmem:s4], [sflag:$0x2] =	stream.linear.gather [hbm4b:s30+s4], $0x80, $0x38;
	[tilespmem:$0x18200] =	vst v63  }
0x6a: {  	_ =	swait.ge [sflag:s16], $0x80  }
0x6b: {  	[sflag:s16] =	ssyncset.done $0x0  }
0x6c: {  	s31 =	sadd.s32 $0x0, s13;
	[sflag:s16] =	ssyncadd.s32 $0xFFFFFF80  }
0x6d: {  	[tilespmem:s17], [sflag:$0x2] =	stream.linear.gather [hbm4b:s31+s4], $0x80, $0x38;
	[tilespmem:$0x18200] =	vst v63  }
0x6e: {  	_ =	swait.ge [sflag:s16], $0x80  }
0x6f: {  	[sflag:s16] =	ssyncset.done $0x0  }
0x70: {  	[sflag:s16] =	ssyncadd.s32 $0xFFFFFF80  }
0x71: {  	[tilespmem:s18], [sflag:$0x1] =	stream.indirect.gather [hbm4b:s10+s17], $0x80, s4, s17, $0xb8;
	[tilespmem:$0x18200] =	vst v63  }
0x72: {  	_ =	swait.ge [sflag:s19], $0x4000  }
0x73: {  	[sflag:s19] =	ssyncset.done $0x0  }
0x74: {  	[sflag:s19] =	ssyncadd.s32 $0xFFFFC000  }
0x75: {  	[spmem:s2] =	stream.indirect.scatter.add.f32 [tilespmem:s18], [sflag:$0x2], $0x80, s17, s17, $0xb8;
	[tilespmem:$0x18200] =	vst v63  }
0x76: {  	_ =	swait.ge [sflag:s16], $0x4000  }
0x77: {  	s25 =	simm.s32 $0x10;
	s26 =	simm.s32 $0x20;
	[sflag:s16] =	ssyncset.done $0x0  }
.LBB2_4:
0x78: {  	s28 =	sadd.s32 s25, s14  }
0x79: {  	[sflag:s16] =	ssyncadd.s32 $0xFFFFC000;
	s29 =	smov.u32 s26;
	s30 =	sadd.s32 $0x10, s26  }
0x7a: {  	[tilespmem:s4], [sflag:$0x2] =	stream.linear.gather [hbm4b:s28+s4], $0x80, $0x38;
	[tilespmem:$0x18200] =	vst v63  }
0x7b: {  	p0 =	sne.s32 s26, $0x260;
	_ =	swait.ge [sflag:s16], $0x80  }
0x7c: {  	[sflag:s16] =	ssyncset.done $0x0  }
0x7d: {  	s26 =	sadd.s32 s25, s13;
	s25 =	smov.u32 s29;
	[sflag:s16] =	ssyncadd.s32 $0xFFFFFF80  }
0x7e: {  	[tilespmem:s17], [sflag:$0x2] =	stream.linear.gather [hbm4b:s26+s4], $0x80, $0x38;
	[tilespmem:$0x18200] =	vst v63  }
0x7f: {  	_ =	swait.ge [sflag:s16], $0x80  }
0x80: {  	[sflag:s16] =	ssyncset.done $0x0  }
0x81: {  	[sflag:s16] =	ssyncadd.s32 $0xFFFFFF80  }
0x82: {  	[tilespmem:s18], [sflag:$0x1] =	stream.indirect.gather [hbm4b:s10+s17], $0x80, s4, s17, $0xb8;
	[tilespmem:$0x18200] =	vst v63  }
0x83: {  	_ =	swait.ge [sflag:s19], $0x4000  }
.Ltmp1:
0x84: {  	[sflag:s19] =	ssyncset.done $0x0;
	(pc) =	sbr.rel @p0 .LBB2_4-.Ltmp1, $4  }
0x85: {  	[sflag:s19] =	ssyncadd.s32 $0xFFFFC000  }
0x86: {  	[spmem:s2] =	stream.indirect.scatter.add.f32 [tilespmem:s18], [sflag:$0x2], $0x80, s17, s17, $0xb8;
	[tilespmem:$0x18200] =	vst v63  }
0x87: {  	_ =	swait.ge [sflag:s16], $0x4000  }
0x88: {  	s26 =	smov.u32 s30;
	[sflag:s16] =	ssyncset.done $0x0  }
0x89: {  	s26 =	sadd.s32 s25, s14;
	[sflag:s16] =	ssyncadd.s32 $0xFFFFC000  }
0x8a: {  	[tilespmem:s4], [sflag:$0x2] =	stream.linear.gather [hbm4b:s26+s4], $0x80, $0x38;
	[tilespmem:$0x18200] =	vst v63  }
0x8b: {  	_ =	swait.ge [sflag:s16], $0x80  }
0x8c: {  	[sflag:s16] =	ssyncset.done $0x0  }
0x8d: {  	s31 =	sadd.s32 s25, s13;
	[sflag:s16] =	ssyncadd.s32 $0xFFFFFF80  }
0x8e: {  	[tilespmem:s17], [sflag:$0x2] =	stream.linear.gather [hbm4b:s31+s4], $0x80, $0x38;
	[tilespmem:$0x18200] =	vst v63  }
0x8f: {  	_ =	swait.ge [sflag:s16], $0x80  }
0x90: {  	[sflag:s16] =	ssyncset.done $0x0  }
0x91: {  	[sflag:s16] =	ssyncadd.s32 $0xFFFFFF80  }
0x92: {  	[tilespmem:s18], [sflag:$0x1] =	stream.indirect.gather [hbm4b:s10+s17], $0x80, s4, s17, $0xb8;
	[tilespmem:$0x18200] =	vst v63  }
0x93: {  	_ =	swait.ge [sflag:s19], $0x4000  }
0x94: {  	[sflag:s19] =	ssyncset.done $0x0  }
0x95: {  	[sflag:s19] =	ssyncadd.s32 $0xFFFFC000  }
0x96: {  	[spmem:s2] =	stream.indirect.scatter.add.f32 [tilespmem:s18], [sflag:$0x2], $0x80, s17, s17, $0xb8;
	[tilespmem:$0x18200] =	vst v63  }
0x97: {  	_ =	swait.ge [sflag:s16], $0x4000  }
0x98: {  	[sflag:s16] =	ssyncset.done $0x0  }
0x99: {  	[sflag:s16] =	ssyncadd.s32 $0xFFFFC000  }
0x9a: {  	[tilespmem:s20], [sflag:$0x2] =	stream.linear.gather [hbm4b:s7+s4], $0x8, $0x38;
	[tilespmem:$0x18200] =	vst v63  }
0x9b: {  	_ =	swait.ge [sflag:s16], $0x8  }
0x9c: {  	[sflag:s16] =	ssyncset.done $0x0  }
0x9d: {  	[sflag:s16] =	ssyncadd.s32 $0xFFFFFFF8  }
0x9e: {  	[tilespmem:s21], [sflag:$0x2] =	stream.linear.gather [hbm4b:s8+s4], $0x8, $0x38;
	[tilespmem:$0x18200] =	vst v63  }
0x9f: {  	_ =	swait.ge [sflag:s16], $0x8  }
0xa0: {  	[sflag:s16] =	ssyncset.done $0x0  }
0xa1: {  	[sflag:s16] =	ssyncadd.s32 $0xFFFFFFF8  }
0xa2: {  	[tilespmem:s23], [sflag:$0x1] =	stream.indirect.gather [hbm4b:s10+s22], $0x80, s20, s22, $0xb8;
	[tilespmem:$0x18200] =	vst v63  }
0xa3: {  	_ =	swait.ge [sflag:s19], $0x400  }
0xa4: {  	[sflag:s19] =	ssyncset.done $0x0  }
0xa5: {  	[sflag:s19] =	ssyncadd.s32 $0xFFFFFC00  }
0xa6: {  	[spmem:s2] =	stream.indirect.scatter.add.f32 [tilespmem:s23], [sflag:$0x2], $0x80, s21, s22, $0xb8;
	[tilespmem:$0x18200] =	vst v63  }
0xa7: {  	_ =	swait.ge [sflag:s16], $0x400  }
0xa8: {  	[sflag:s16] =	ssyncset.done $0x0  }
0xa9: {  	[sflag:s16] =	ssyncadd.s32 $0xFFFFFC00  }
0xaa: {  	[bflag:$0x0] =	sbarrier.arrive $0xFFFF  }
0xab: {  	_ =	sdelay $0x7ff  }
0xac: {  	s24 =	sadd.s32 $0x1, s24;
	_ =	sdelay $0x700  }
0xad: {  	p0 =	sne.s32 s24, s12;
	[bflag:$0x0] =	sbarrier.arrive $0xFFFF  }
0xae: {  	[hbm:s11], [sflag:s6] =	dma.local [spmem:s15], $0x2780  }
.Ltmp2:
0xaf: {  	_ =	swait.ge [sflag:s16], $0x2780;
	(pc) =	sbr.rel @p0 .LBB2_1-.Ltmp2, $3  }
0xb0: {  	[sflag:s16] =	ssyncset.done $0x0  }
0xb1: {  	[sflag:s16] =	ssyncadd.s32 $0xFFFFD880  }
0xb2: {  	[bflag:$0x0] =	sbarrier.arrive $0xFFFF;
	_ =	sdelay $0x1  }
0xb3: {  	_ =	sfence.sel $0x180000  }
0xb4: {  	[bflag:$0x0] =	sbarrier.arrive $0xFFFF  }
0xb5: {  	p0 =	sne.s32 s3, $0x0;
	_ =	strace $0x90000047  }
0xb6: {  	s0 =	sadd.s32 @!p0 $0x100000, s0;
	[bflag:$0x2] =	sbarrier.arrive $0xFFFF  }
0xb7: {  	[sflag:s0] =	ssyncadd.tile.s32 @!p0 $0x1;
	_ =	shalt  }
.Lfunc_end2:
_tile_overlayer_lowered:
.L_overlay_start_2:
0xb8: {  	(tag) =	ssettag $0x2  }
0xb9: {  	s0 =	rddreg [dreg:$0x0];
	s2 =	stileid.u32  }
0xba: {  	s1 =	rddreg [dreg:$0x1];
	p0 =	sne.s32 s2, $0x0  }
0xbb: {  	s3 =	rddreg [dreg:$0x2];
	[bflag:$0x3] =	sbarrier.arrive $0xFFFF;
	s2 =	simm.s32 @!p0 $0x1C02  }
0xbc: {  	[timem:s3], [sflag:s2] =	dma.local @!p0 [hbm:s0], s1  }
0xbd: {  	s0 =	simm.s32 @!p0 $0x2  }
0xbe: {  	_ =	swait.ge @!p0 [sflag:s0], s1  }
0xbf: {  	s1 =	ssub.s32 @!p0 $0x0, s1;
	[sflag:s0] =	ssyncset.done @!p0 $0x0  }
0xc0: {  	[sflag:s0] =	ssyncadd.s32 @!p0 s1  }
0xc1: {  	[bflag:$0x3] =	sbarrier.arrive $0xFFFF  }
0xc2: {  	_ =	shalt  }

// kernel: kernel.17.cloned.1.call-start
scs
__scs_entry_jumppad:
0x0: {  	(pc) =	sbr.rel $0x88, $3  }
0x1: {  	(tag) =	ssettag $0x0;
	lr =	simm.s32 $0x1  }
0x2: {  	[smem:$0x3F8E] =	sst lr;
	_ =	strace $0xD0000000  }
0x3: {  	_ = 	snop  }
0x4: {  	_ = 	snop  }
0x5: {  	_ = 	snop  }
0x6: {  	_ = 	snop  }
0x7: {  	_ = 	snop  }
__scs_overlays_trampoline_lowered:
0x8: {  	[smem:$0x3F9D] =	sst s0  }
0x9: {  	[smem:$0x3F9E] =	sst s1  }
0xa: {  	[smem:$0x3F9F] =	sst s2  }
0xb: {  	[smem:$0x3FA0] =	sst s3  }
0xc: {  	[smem:$0x3FA1] =	sst s4  }
0xd: {  	[smem:$0x3FA2] =	sst s5  }
0xe: {  	[smem:$0x3FA3] =	sst s6  }
0xf: {  	[smem:$0x3FA4] =	sst s7  }
0x10: {  	[smem:$0x3FA5] =	sst s8  }
0x11: {  	[smem:$0x3FA6] =	sst s9;
	s0 =	simm.s32 @!p0 $0x0  }
0x12: {  	s1 =	sld [smem:$0x3F8C];
	s0 =	simm.s32 @p0 $0x1  }
0x13: {  	[smem:$0x3FA7] =	sst s0;
	s0 =	simm.s32 @!p1 $0x0  }
0x14: {  	s2 =	sld [smem:$0x3F8B];
	s0 =	simm.s32 @p1 $0x1  }
0x15: {  	[smem:$0x3FA8] =	sst s0;
	s0 =	simm.s32 @!p2 $0x0  }
0x16: {  	s3 =	sld [smem:$0x3FDB];
	s0 =	simm.s32 @p2 $0x1  }
0x17: {  	s4 =	simm.s32 $0x1BF5;
	[smem:$0x3FAA] =	sst s0  }
0x18: {  	s0 =	sld [smem:$0x3F8D];
	_ =	swait.ge [sflag:s4], $0x0  }
0x19: {  	s7 =	sld [smem:$0x3F8E]  }
0x1a: {  	s8 =	sadd.s32 $0xFFFFE003, lr  }
0x1b: {  	s9 =	sadd.s32 $0xFFFFFEF7, lr;
	s5 =	simm.s32 $0xFFFFFFFF;
	p2 =	slt.u32 s8, $0xFFFFF086  }
0x1c: {  	p1 =	slt.u32 s9, $0xF7A;
	s5 =	simm.s32 @!p2 $0x0  }
0x1d: {  	s5 =	simm.s32 @p1 $0x1;
	p0 =	seq.s32 s7, s2  }
0x1e: {  	s7 =	smul.u32 @!p0 $0xF7A, s2;
	p2 =	seq.s32 @!p0 s5, $0x0  }
0x1f: {  	s9 =	smul.u32 $0xF7A, s1;
	s8 =	simm.s32 @!p0 $0x1BF5;
	p2 =	por !p2, p0  }
0x20: {  	[sflag:s8] =	ssyncset.s32 @!p0 $0xFFFFF086;
	s6 =	sadd.s32 @!p0 s3, s7;
	s7 =	simm.s32 @!p0 $0x108  }
0x21: {  	s3 =	sadd.s32 s3, s9;
	s6 =	sadd.s32 @!p0 $0x88, s6;
	s7 =	simm.s32 @p2 $0x1082  }
0x22: {  	[simem:s7], [sflag:s8] =	dma.local @!p0 [hbm:s6], $0xF7A  }
0x23: {  	s9 =	sor.u32 $0xD0000000, s2;
	s6 =	simm.s32 $0x108;
	_ =	swait.ge @!p0 [sflag:s8], $0x0  }
0x24: {  	s3 =	sadd.s32 $0x88, s3;
	s6 =	simm.s32 @!p1 $0x1082;
	[sflag:s4] =	ssyncset.s32 $0xFFFFF086  }
0x25: {  	[simem:s6], [sflag:s4] =	dma.local [hbm:s3], $0xF7A  }
0x26: {  	[smem:$0x3F8E] =	sst s1;
	(tag) =	ssettag s2;
	_ =	strace s9  }
0x27: {  	s1 =	sld [smem:$0x3F9E]  }
0x28: {  	s2 =	sld [smem:$0x3F9F]  }
0x29: {  	s4 =	sld [smem:$0x3FA1]  }
0x2a: {  	p0 =	seq.s32 s5, $0x0;
	s5 =	sld [smem:$0x3FA2]  }
0x2b: {  	s6 =	sld [smem:$0x3FA3]  }
0x2c: {  	s7 =	sld [smem:$0x3FA4]  }
0x2d: {  	s3 =	simm.s32 $0x108;
	s8 =	sld [smem:$0x3FA5]  }
0x2e: {  	s3 =	simm.s32 @!p0 $0x1082;
	s9 =	sld [smem:$0x3FA6]  }
0x2f: {  	lr =	sadd.s32 s0, s3;
	s0 =	sld [smem:$0x3F9D]  }
0x30: {  	s3 =	sld [smem:$0x3FA0]  }
0x31: {  	[smem:$0x3FA9] =	sst s10  }
0x32: {  	s10 =	sld [smem:$0x3FA7];
	_ =	sdelay $0x3  }
0x33: {  	p0 =	seq.s32 s10, $0x1;
	s10 =	sld [smem:$0x3FA9];
	_ =	sdelay $0x3  }
0x34: {  	[smem:$0x3FA9] =	sst s10  }
0x35: {  	s10 =	sld [smem:$0x3FA8];
	_ =	sdelay $0x3  }
0x36: {  	p1 =	seq.s32 s10, $0x1;
	s10 =	sld [smem:$0x3FA9];
	_ =	sdelay $0x3  }
0x37: {  	[smem:$0x3FA9] =	sst s10  }
0x38: {  	s10 =	sld [smem:$0x3FAA]  }
0x39: {  	_ = 	snop;
	(pc) =	sbr.ind lr, $3  }
0x3a: {  	_ = 	snop  }
0x3b: {  	_ = 	snop  }
0x3c: {  	p2 =	seq.s32 s10, $0x1;
	s10 =	sld [smem:$0x3FA9]  }
0x3d: {  	_ =	shalt  }
0x3e: {  	_ =	shalt  }
0x3f: {  	_ =	shalt  }
0x40: {  	_ =	shalt  }
0x41: {  	_ =	shalt  }
0x42: {  	_ =	shalt  }
0x43: {  	_ =	shalt  }
0x44: {  	_ =	shalt  }
0x45: {  	_ =	shalt  }
0x46: {  	_ =	shalt  }
0x47: {  	_ =	shalt  }
0x48: {  	_ =	shalt  }
0x49: {  	_ =	shalt  }
0x4a: {  	_ =	shalt  }
0x4b: {  	_ =	shalt  }
0x4c: {  	_ =	shalt  }
0x4d: {  	_ =	shalt  }
0x4e: {  	_ =	shalt  }
0x4f: {  	_ =	shalt  }
0x50: {  	_ =	shalt  }
0x51: {  	_ =	shalt  }
0x52: {  	_ =	shalt  }
0x53: {  	_ =	shalt  }
0x54: {  	_ =	shalt  }
0x55: {  	_ =	shalt  }
0x56: {  	_ =	shalt  }
0x57: {  	_ =	shalt  }
0x58: {  	_ =	shalt  }
0x59: {  	_ =	shalt  }
0x5a: {  	_ =	shalt  }
0x5b: {  	_ =	shalt  }
0x5c: {  	_ =	shalt  }
0x5d: {  	_ =	shalt  }
0x5e: {  	_ =	shalt  }
0x5f: {  	_ =	shalt  }
0x60: {  	_ =	shalt  }
0x61: {  	_ =	shalt  }
0x62: {  	_ =	shalt  }
0x63: {  	_ =	shalt  }
0x64: {  	_ =	shalt  }
0x65: {  	_ =	shalt  }
0x66: {  	_ =	shalt  }
0x67: {  	_ =	shalt  }
0x68: {  	_ =	shalt  }
0x69: {  	_ =	shalt  }
0x6a: {  	_ =	shalt  }
0x6b: {  	_ =	shalt  }
0x6c: {  	_ =	shalt  }
0x6d: {  	_ =	shalt  }
0x6e: {  	_ =	shalt  }
0x6f: {  	_ =	shalt  }
0x70: {  	_ =	shalt  }
0x71: {  	_ =	shalt  }
0x72: {  	_ =	shalt  }
0x73: {  	_ =	shalt  }
0x74: {  	_ =	shalt  }
0x75: {  	_ =	shalt  }
0x76: {  	_ =	shalt  }
0x77: {  	_ =	shalt  }
0x78: {  	_ =	shalt  }
0x79: {  	_ =	shalt  }
0x7a: {  	_ =	shalt  }
0x7b: {  	_ =	shalt  }
0x7c: {  	_ =	shalt  }
0x7d: {  	_ =	shalt  }
0x7e: {  	_ =	shalt  }
0x7f: {  	_ =	shalt  }
0x80: {  	_ =	shalt  }
0x81: {  	_ =	shalt  }
0x82: {  	_ =	shalt  }
0x83: {  	_ =	shalt  }
0x84: {  	_ =	shalt  }
0x85: {  	_ =	shalt  }
0x86: {  	_ =	shalt  }
0x87: {  	_ =	shalt  }
.Lfunc_end0:
.L_simem_size_0:
called_computation.1_lowered:
.L_overlay_start_0:
0x88: {  	s2 =	sld [smem:$0x3FD9]  }
0x89: {  	s3 =	sld [smem:$0x3FFE];
	_ =	sdelay $0x1  }
0x8a: {  	s1 =	srdreg.scid  }
0x8b: {  	s0 =	sand.u32 $0x1, s1  }
0x8c: {  	s17 =	sshll.u32 s0, $0xA;
	s2 =	sadd.s32 s3, s2  }
0x8d: {  	s2 =	sadd.s32 s2, s17  }
0x8e: {  	[smem:$0x3FB5] =	sst s2  }
0x8f: {  	_ = 	snop  }
0x90: {  	s2 =	sld [smem:$0x3FD0];
	(tm) =	ssettm $0x1  }
0x91: {  	s18 =	sld [smem:$0x3FFB];
	_ =	sdelay $0x3  }
0x92: {  	_ =	strace s18  }
0x93: {  	s3 =	sld [smem:$0x3FFC];
	_ =	sdelay $0x3  }
0x94: {  	_ =	strace s3  }
0x95: {  	s3 =	sld [smem:$0x3FFD];
	_ =	sdelay $0x3  }
0x96: {  	_ =	strace s3  }
0x97: {  	_ =	strace $0x8FFFFFFF  }
0x98: {  	s19 =	sld [smem:$0x3FDB];
	_ =	sdelay $0x1  }
0x99: {  	s4 =	simm.s32 $_scs_section_size  }
0x9a: {  	s5 =	simm.s32 $_size__tile_overlayer_lowered;
	s6 =	simm.s32 $_tile_overlayer_lowered  }
0x9b: {  	s22 =	simm.s32 $0x1BFF;
	s21 =	sshll.u32 s6, $0x1;
	s3 =	sadd.s32 s4, s19  }
0x9c: {  	s7 =	simm.s32 $0x0;
	s20 =	sshll.u32 s5, $0x1;
	s5 =	sadd.s32 s21, s3  }
0x9d: {  	[timem:s7], [sflag:s22] =	dma.local [hbm:s5], s20  }
0x9e: {  	_ =	swait.ge [sflag:s22], s20  }
0x9f: {  	s4 =	ssub.s32 $0x0, s20;
	[sflag:s22] =	ssyncset.done $0x0  }
0xa0: {  	[sflag:s22] =	ssyncadd.s32 s4;
	_ =	sdelay $0x1  }
0xa1: {  	s23 =	simm.s32 $0x1B8B  }
0xa2: {  	_ =	swait.ge [sflag:s23], $0x1  }
0xa3: {  	[sflag:s23] =	ssyncset.done $0x0  }
0xa4: {  	s25 =	simm.s32 $0x1B8E;
	s24 =	sld [smem:$0x3FFE];
	[sflag:s23] =	ssyncadd.s32 $0xFFFFFFFF  }
0xa5: {  	s26 =	simm.s32 $execute0_lowered;
	[smem:$0x3FD2] =	sst s25  }
0xa6: {  	s5 =	sshll.u32 s26, $0x1;
	_ =	strace $0x80000049;
	[dreg:$0x1] =	wrdreg $0xFFFFFFFF  }
0xa7: {  	s28 =	simm.s32 $_size_execute0_lowered;
	s3 =	sadd.s32 s3, s5;
	[dreg:$0x0] =	wrdreg $0x0  }
0xa8: {  	s5 =	sshll.u32 s28, $0x1;
	[dreg:$0x2] =	wrdreg s3  }
0xa9: {  	[dreg:$0x3] =	wrdreg s5  }
0xaa: {  	[dreg:$0x4] =	wrdreg $0xC0  }
0xab: {  	_ =	task [dreg:s7], $0x5FFFF  }
0xac: {  	[dreg:$0x1] =	wrdreg $0xFFFFFFFF  }
0xad: {  	[dreg:$0x0] =	wrdreg $0x60  }
0xae: {  	[dreg:$0x2] =	wrdreg s24  }
0xaf: {  	[dreg:$0x3] =	wrdreg s2  }
0xb0: {  	[dreg:$0x4] =	wrdreg $0x46000  }
0xb1: {  	[dreg:$0x5] =	wrdreg $0x9  }
0xb2: {  	_ =	task.clear_ibuf [dreg:s7], $0x6FFFF;
	_ =	strace $0x90000049  }
0xb3: {  	s29 =	simm.s32 $0x9;
	_ =	strace $0x8000004B  }
0xb4: {  	_ =	swait.ge [sflag:s29], $0x1  }
0xb5: {  	[sflag:s29] =	ssyncadd.s32 $0xFFFFFFFF  }
0xb6: {  	_ =	strace $0x9000004B  }
0xb7: {  	_ =	sfence  }
0xb8: {  	s30 =	sld [smem:$0x0];
	_ =	sdelay $0x2  }
0xb9: {  	s31 =	sshll.u32 s1, $0xD;
	s1 =	sshrl.u32 s1, $0x2  }
0xba: {  	s3 =	sand.u32 $0x4000, s31;
	s1 =	sadd.s32 s1, s30  }
0xbb: {  	s0 =	sor.u32 s3, s0;
	s1 =	sshll.u32 s1, $0x11  }
0xbc: {  	s0 =	sor.u32 s1, s0  }
0xbd: {  	s0 =	sadd.s32 $0x8F2B, s0  }
0xbe: {  	[sflag:s0] =	ssyncadd.remote.s32 $0x1  }
0xbf: {  	_ =	sfence.sel $0xFFFF  }
0xc0: {  	[dreg:$0x0] =	wrdreg $0xFFFFFFFF;
	(pc) =	sbr.abs _section_cstart, $3  }
0xc1: {  	[dreg:$0x1] =	wrdreg $0xFFFFFFFF  }
0xc2: {  	_ =	task.clear_ibuf [dreg:s7], $0x2FFFF;
	_ =	strace $0x9FFFFFFF  }
0xc3: {  	(tm) =	ssettm $0x7FFFFFFF  }
tec
execute0_lowered:
.L_overlay_start_1:
0x0: {  	(tag) =	ssettag $0x1  }
0x1: {  	s14 =	rddreg [dreg:$0x0]  }
0x2: {  	s1 =	rddreg [dreg:$0x1]  }
0x3: {  	s2 =	rddreg [dreg:$0x2]  }
0x4: {  	s3 =	srdreg.scid;
	s4 =	simm.s32 $0x0;
	s0 =	stileid.u32  }
0x5: {  	s22 =	simm.s32 $0x100;
	s23 =	simm.s32 $0x1;
	s28 =	simm.s32 $0x4200  }
0x6: {  	s29 =	simm.s32 $0x0;
	s10 =	sand.u32 $0x1, s3;
	[smem:$0x7FF] =	sst s4  }
0x7: {  	s7 =	smul.u32 $0x13C00, s0;
	s5 =	sadd.s32 $0x148800, s14;
	s18 =	sadd.s32 $0x9400, s14  }
0x8: {  	s17 =	sadd.s32 $0x4400, s14;
	s24 =	sshll.u32 s0, $0x1;
	s9 =	smul.u32 $0x4F000, s0  }
0x9: {  	s30 =	sshll.u32 s0, $0x6;
	s20 =	smul.u32 $0x2710, s0;
	s12 =	sadd.s32 $0x196A00, s14  }
0xa: {  	s6 =	smul.u32 $0x13C000, s10;
	_ =	strace $0x8000004A;
	s8 =	ssub.s32 $0x2, s10  }
0xb: {  	s21 =	smul.u32 $0x1388, s10;
	s25 =	sshrl.u32 s8, $0x1;
	s26 =	sshrl.u32 s9, $0x2  }
0xc: {  	s9 =	sadd.s32 $0x16F900, s14;
	s6 =	sadd.s32 s7, s6;
	s7 =	sor.u32 s10, s24  }
0xd: {  	s16 =	ssub.s32 s8, s25;
	s19 =	sadd.s32 s26, s2;
	s20 =	sadd.s32 s21, s20  }
0xe: {  	s21 =	simm.s32 $0x80;
	s24 =	simm.s32 $0x4100;
	s25 =	simm.s32 $0x4180  }
0xf: {  	s26 =	simm.s32 $0x8;
	s6 =	sshrl.u32 s6, $0x3;
	s7 =	smul.u32 $0x1388, s7  }
0x10: {  	s16 =	smax.u32 s16, $0x1;
	s20 =	sshrl.u32 s20, $0x3;
	s19 =	sshrl.u32 s19, $0x3  }
0x11: {  	s15 =	sadd.s32 s6, s14;
	s14 =	sadd.s32 $0x1BDB00, s14;
	s7 =	sshrl.u32 s7, $0x3  }
0x12: {  	s6 =	sor.u32 $0x1C02, s30;
	s31 =	sadd.s32 $0x1E4C00, s15;
	s11 =	sadd.s32 $0x270, s7  }
0x13: {  	s13 =	sadd.s32 $0x282C00, s15;
	[dreg:$0x4] =	wrdreg s31;
	s8 =	sadd.s32 s18, s11  }
0x14: {  	s10 =	sadd.s32 s17, s11;
	s11 =	sadd.s32 $0x233C00, s15;
	s15 =	sadd.s32 $0x2D1C00, s15  }
0x15: {  	s17 =	sadd.s32 s20, s17;
	s18 =	sadd.s32 s20, s18;
	s20 =	simm.s32 $0x2  }
.LBB2_1:
0x16: {  	[spmem:s19], [sflag:s6] =	dma.local [hbm:s1], $0x2780  }
0x17: {  	_ =	swait.ge [sflag:s20], $0x2780  }
0x18: {  	[sflag:s20] =	ssyncset.done $0x0  }
0x19: {  	[sflag:s20] =	ssyncadd.s32 $0xFFFFD880  }
0x1a: {  	s30 =	sadd.s32 $0x0, s18;
	[bflag:$0x0] =	sbarrier.arrive $0xFFFF  }
0x1b: {  	[tilespmem:s4], [sflag:$0x2] =	stream.linear.gather [hbm4b:s30+s4], $0x80, $0x38;
	[tilespmem:$0x18200] =	vst v63  }
0x1c: {  	_ =	swait.ge [sflag:s20], $0x80  }
0x1d: {  	[sflag:s20] =	ssyncset.done $0x0  }
0x1e: {  	s30 =	sadd.s32 $0x0, s17;
	[sflag:s20] =	ssyncadd.s32 $0xFFFFFF80  }
0x1f: {  	[tilespmem:s21], [sflag:$0x2] =	stream.linear.gather [hbm4b:s30+s4], $0x80, $0x38;
	[tilespmem:$0x18200] =	vst v63  }
0x20: {  	_ =	swait.ge [sflag:s20], $0x80  }
0x21: {  	[sflag:s20] =	ssyncset.done $0x0  }
0x22: {  	[sflag:s20] =	ssyncadd.s32 $0xFFFFFF80  }
0x23: {  	[tilespmem:s22], [sflag:$0x1] =	stream.indirect.gather [hbm4b:s5+s21], $0x80, s4, s21, $0xb8;
	[tilespmem:$0x18200] =	vst v63  }
0x24: {  	_ =	swait.ge [sflag:s23], $0x4000  }
0x25: {  	[sflag:s23] =	ssyncset.done $0x0  }
0x26: {  	[sflag:s23] =	ssyncadd.s32 $0xFFFFC000  }
0x27: {  	[spmem:s2] =	stream.indirect.scatter.add.f32 [tilespmem:s22], [sflag:$0x2], $0x80, s21, s21, $0xb8;
	[tilespmem:$0x18200] =	vst v63  }
0x28: {  	_ =	swait.ge [sflag:s20], $0x4000  }
0x29: {  	s31 =	simm.s32 $0x20;
	s30 =	simm.s32 $0x10;
	[sflag:s20] =	ssyncset.done $0x0  }
.LBB2_2:
0x2a: {  	s0 =	sadd.s32 s30, s18  }
0x2b: {  	[sflag:s20] =	ssyncadd.s32 $0xFFFFC000;
	s3 =	smov.u32 s31;
	s7 =	sadd.s32 $0x10, s31  }
0x2c: {  	[tilespmem:s4], [sflag:$0x2] =	stream.linear.gather [hbm4b:s0+s4], $0x80, $0x38;
	[tilespmem:$0x18200] =	vst v63  }
0x2d: {  	p0 =	sne.s32 s31, $0x260;
	_ =	swait.ge [sflag:s20], $0x80  }
0x2e: {  	[sflag:s20] =	ssyncset.done $0x0  }
0x2f: {  	s0 =	sadd.s32 s30, s17;
	s30 =	smov.u32 s3;
	[sflag:s20] =	ssyncadd.s32 $0xFFFFFF80  }
0x30: {  	[tilespmem:s21], [sflag:$0x2] =	stream.linear.gather [hbm4b:s0+s4], $0x80, $0x38;
	[tilespmem:$0x18200] =	vst v63  }
0x31: {  	_ =	swait.ge [sflag:s20], $0x80  }
0x32: {  	[sflag:s20] =	ssyncset.done $0x0  }
0x33: {  	[sflag:s20] =	ssyncadd.s32 $0xFFFFFF80  }
0x34: {  	[tilespmem:s22], [sflag:$0x1] =	stream.indirect.gather [hbm4b:s5+s21], $0x80, s4, s21, $0xb8;
	[tilespmem:$0x18200] =	vst v63  }
0x35: {  	_ =	swait.ge [sflag:s23], $0x4000  }
.Ltmp0:
0x36: {  	[sflag:s23] =	ssyncset.done $0x0;
	(pc) =	sbr.rel @p0 .LBB2_2-.Ltmp0, $4  }
0x37: {  	[sflag:s23] =	ssyncadd.s32 $0xFFFFC000  }
0x38: {  	[spmem:s2] =	stream.indirect.scatter.add.f32 [tilespmem:s22], [sflag:$0x2], $0x80, s21, s21, $0xb8;
	[tilespmem:$0x18200] =	vst v63  }
0x39: {  	_ =	swait.ge [sflag:s20], $0x4000  }
0x3a: {  	s31 =	smov.u32 s7;
	[sflag:s20] =	ssyncset.done $0x0  }
0x3b: {  	s0 =	sadd.s32 s30, s18;
	[sflag:s20] =	ssyncadd.s32 $0xFFFFC000  }
0x3c: {  	[tilespmem:s4], [sflag:$0x2] =	stream.linear.gather [hbm4b:s0+s4], $0x80, $0x38;
	[tilespmem:$0x18200] =	vst v63  }
0x3d: {  	_ =	swait.ge [sflag:s20], $0x80  }
0x3e: {  	[sflag:s20] =	ssyncset.done $0x0  }
0x3f: {  	s7 =	sadd.s32 s30, s17;
	[sflag:s20] =	ssyncadd.s32 $0xFFFFFF80  }
0x40: {  	[tilespmem:s21], [sflag:$0x2] =	stream.linear.gather [hbm4b:s7+s4], $0x80, $0x38;
	[tilespmem:$0x18200] =	vst v63  }
0x41: {  	_ =	swait.ge [sflag:s20], $0x80  }
0x42: {  	[sflag:s20] =	ssyncset.done $0x0  }
0x43: {  	[sflag:s20] =	ssyncadd.s32 $0xFFFFFF80  }
0x44: {  	[tilespmem:s22], [sflag:$0x1] =	stream.indirect.gather [hbm4b:s5+s21], $0x80, s4, s21, $0xb8;
	[tilespmem:$0x18200] =	vst v63  }
0x45: {  	_ =	swait.ge [sflag:s23], $0x4000  }
0x46: {  	[sflag:s23] =	ssyncset.done $0x0  }
0x47: {  	[sflag:s23] =	ssyncadd.s32 $0xFFFFC000  }
0x48: {  	[spmem:s2] =	stream.indirect.scatter.add.f32 [tilespmem:s22], [sflag:$0x2], $0x80, s21, s21, $0xb8;
	[tilespmem:$0x18200] =	vst v63  }
0x49: {  	_ =	swait.ge [sflag:s20], $0x4000  }
0x4a: {  	[sflag:s20] =	ssyncset.done $0x0  }
0x4b: {  	s3 =	simm.s32 $0x0;
	[sflag:s20] =	ssyncadd.s32 $0xFFFFC000  }
0x4c: {  	[tilespmem:s24], [sflag:$0x2] =	stream.linear.gather [hbm4b:s8+s3], $0x8, $0x38;
	[tilespmem:$0x18200] =	vst v63  }
0x4d: {  	_ =	swait.ge [sflag:s20], $0x8  }
0x4e: {  	[sflag:s20] =	ssyncset.done $0x0  }
0x4f: {  	[sflag:s20] =	ssyncadd.s32 $0xFFFFFFF8  }
0x50: {  	[tilespmem:s25], [sflag:$0x2] =	stream.linear.gather [hbm4b:s10+s3], $0x8, $0x38;
	[tilespmem:$0x18200] =	vst v63  }
0x51: {  	_ =	swait.ge [sflag:s20], $0x8  }
0x52: {  	[sflag:s20] =	ssyncset.done $0x0  }
0x53: {  	[sflag:s20] =	ssyncadd.s32 $0xFFFFFFF8  }
0x54: {  	[tilespmem:s28], [sflag:$0x1] =	stream.indirect.gather [hbm4b:s5+s26], $0x80, s24, s26, $0xb8;
	[tilespmem:$0x18200] =	vst v63  }
0x55: {  	_ =	swait.ge [sflag:s23], $0x400  }
0x56: {  	[sflag:s23] =	ssyncset.done $0x0  }
0x57: {  	[sflag:s23] =	ssyncadd.s32 $0xFFFFFC00  }
0x58: {  	[spmem:s2] =	stream.indirect.scatter.add.f32 [tilespmem:s28], [sflag:$0x2], $0x80, s25, s26, $0xb8;
	[tilespmem:$0x18200] =	vst v63  }
0x59: {  	_ =	swait.ge [sflag:s20], $0x400  }
0x5a: {  	[sflag:s20] =	ssyncset.done $0x0  }
0x5b: {  	[sflag:s20] =	ssyncadd.s32 $0xFFFFFC00  }
0x5c: {  	[bflag:$0x0] =	sbarrier.arrive $0xFFFF  }
0x5d: {  	_ =	sdelay $0x7ff  }
0x5e: {  	_ =	sdelay $0x700  }
0x5f: {  	[bflag:$0x0] =	sbarrier.arrive $0xFFFF  }
0x60: {  	s7 =	rddreg [dreg:$0x4]  }
0x61: {  	[hbm:s7], [sflag:s6] =	dma.local [spmem:s19], $0x2780  }
0x62: {  	_ =	swait.ge [sflag:s20], $0x2780  }
0x63: {  	[sflag:s20] =	ssyncset.done $0x0  }
0x64: {  	[sflag:s20] =	ssyncadd.s32 $0xFFFFD880  }
0x65: {  	[bflag:$0x0] =	sbarrier.arrive $0xFFFF  }
0x66: {  	[spmem:s19], [sflag:s6] =	dma.local [hbm:s1], $0x2780  }
0x67: {  	_ =	swait.ge [sflag:s20], $0x2780  }
0x68: {  	[sflag:s20] =	ssyncset.done $0x0  }
0x69: {  	[sflag:s20] =	ssyncadd.s32 $0xFFFFD880  }
0x6a: {  	s3 =	sadd.s32 $0x0, s18;
	[bflag:$0x0] =	sbarrier.arrive $0xFFFF  }
0x6b: {  	[tilespmem:s4], [sflag:$0x2] =	stream.linear.gather [hbm4b:s3+s4], $0x80, $0x38;
	[tilespmem:$0x18200] =	vst v63  }
0x6c: {  	_ =	swait.ge [sflag:s20], $0x80  }
0x6d: {  	[sflag:s20] =	ssyncset.done $0x0  }
0x6e: {  	s7 =	sadd.s32 $0x0, s17;
	[sflag:s20] =	ssyncadd.s32 $0xFFFFFF80  }
0x6f: {  	[tilespmem:s21], [sflag:$0x2] =	stream.linear.gather [hbm4b:s7+s4], $0x80, $0x38;
	[tilespmem:$0x18200] =	vst v63  }
0x70: {  	_ =	swait.ge [sflag:s20], $0x80  }
0x71: {  	[sflag:s20] =	ssyncset.done $0x0  }
0x72: {  	[sflag:s20] =	ssyncadd.s32 $0xFFFFFF80  }
0x73: {  	[tilespmem:s22], [sflag:$0x1] =	stream.indirect.gather [hbm4b:s9+s21], $0x80, s4, s21, $0xb8;
	[tilespmem:$0x18200] =	vst v63  }
0x74: {  	_ =	swait.ge [sflag:s23], $0x4000  }
0x75: {  	[sflag:s23] =	ssyncset.done $0x0  }
0x76: {  	[sflag:s23] =	ssyncadd.s32 $0xFFFFC000  }
0x77: {  	[spmem:s2] =	stream.indirect.scatter.add.f32 [tilespmem:s22], [sflag:$0x2], $0x80, s21, s21, $0xb8;
	[tilespmem:$0x18200] =	vst v63  }
0x78: {  	_ =	swait.ge [sflag:s20], $0x4000  }
0x79: {  	s30 =	simm.s32 $0x10;
	s31 =	simm.s32 $0x20;
	[sflag:s20] =	ssyncset.done $0x0  }
.LBB2_4:
0x7a: {  	s0 =	sadd.s32 s30, s18  }
0x7b: {  	[sflag:s20] =	ssyncadd.s32 $0xFFFFC000;
	s3 =	smov.u32 s31;
	s7 =	sadd.s32 $0x10, s31  }
0x7c: {  	[tilespmem:s4], [sflag:$0x2] =	stream.linear.gather [hbm4b:s0+s4], $0x80, $0x38;
	[tilespmem:$0x18200] =	vst v63  }
0x7d: {  	p0 =	sne.s32 s31, $0x260;
	_ =	swait.ge [sflag:s20], $0x80  }
0x7e: {  	[sflag:s20] =	ssyncset.done $0x0  }
0x7f: {  	s0 =	sadd.s32 s30, s17;
	s30 =	smov.u32 s3;
	[sflag:s20] =	ssyncadd.s32 $0xFFFFFF80  }
0x80: {  	[tilespmem:s21], [sflag:$0x2] =	stream.linear.gather [hbm4b:s0+s4], $0x80, $0x38;
	[tilespmem:$0x18200] =	vst v63  }
0x81: {  	_ =	swait.ge [sflag:s20], $0x80  }
0x82: {  	[sflag:s20] =	ssyncset.done $0x0  }
0x83: {  	[sflag:s20] =	ssyncadd.s32 $0xFFFFFF80  }
0x84: {  	[tilespmem:s22], [sflag:$0x1] =	stream.indirect.gather [hbm4b:s9+s21], $0x80, s4, s21, $0xb8;
	[tilespmem:$0x18200] =	vst v63  }
0x85: {  	_ =	swait.ge [sflag:s23], $0x4000  }
.Ltmp1:
0x86: {  	[sflag:s23] =	ssyncset.done $0x0;
	(pc) =	sbr.rel @p0 .LBB2_4-.Ltmp1, $4  }
0x87: {  	[sflag:s23] =	ssyncadd.s32 $0xFFFFC000  }
0x88: {  	[spmem:s2] =	stream.indirect.scatter.add.f32 [tilespmem:s22], [sflag:$0x2], $0x80, s21, s21, $0xb8;
	[tilespmem:$0x18200] =	vst v63  }
0x89: {  	_ =	swait.ge [sflag:s20], $0x4000  }
0x8a: {  	s31 =	smov.u32 s7;
	[sflag:s20] =	ssyncset.done $0x0  }
0x8b: {  	s0 =	sadd.s32 s30, s18;
	[sflag:s20] =	ssyncadd.s32 $0xFFFFC000  }
0x8c: {  	[tilespmem:s4], [sflag:$0x2] =	stream.linear.gather [hbm4b:s0+s4], $0x80, $0x38;
	[tilespmem:$0x18200] =	vst v63  }
0x8d: {  	_ =	swait.ge [sflag:s20], $0x80  }
0x8e: {  	[sflag:s20] =	ssyncset.done $0x0  }
0x8f: {  	s3 =	sadd.s32 s30, s17;
	[sflag:s20] =	ssyncadd.s32 $0xFFFFFF80  }
0x90: {  	[tilespmem:s21], [sflag:$0x2] =	stream.linear.gather [hbm4b:s3+s4], $0x80, $0x38;
	[tilespmem:$0x18200] =	vst v63  }
0x91: {  	_ =	swait.ge [sflag:s20], $0x80  }
0x92: {  	[sflag:s20] =	ssyncset.done $0x0  }
0x93: {  	[sflag:s20] =	ssyncadd.s32 $0xFFFFFF80  }
0x94: {  	[tilespmem:s22], [sflag:$0x1] =	stream.indirect.gather [hbm4b:s9+s21], $0x80, s4, s21, $0xb8;
	[tilespmem:$0x18200] =	vst v63  }
0x95: {  	_ =	swait.ge [sflag:s23], $0x4000  }
0x96: {  	[sflag:s23] =	ssyncset.done $0x0  }
0x97: {  	[sflag:s23] =	ssyncadd.s32 $0xFFFFC000  }
0x98: {  	[spmem:s2] =	stream.indirect.scatter.add.f32 [tilespmem:s22], [sflag:$0x2], $0x80, s21, s21, $0xb8;
	[tilespmem:$0x18200] =	vst v63  }
0x99: {  	_ =	swait.ge [sflag:s20], $0x4000  }
0x9a: {  	[sflag:s20] =	ssyncset.done $0x0  }
0x9b: {  	s7 =	simm.s32 $0x0;
	[sflag:s20] =	ssyncadd.s32 $0xFFFFC000  }
0x9c: {  	[tilespmem:s24], [sflag:$0x2] =	stream.linear.gather [hbm4b:s8+s7], $0x8, $0x38;
	[tilespmem:$0x18200] =	vst v63  }
0x9d: {  	_ =	swait.ge [sflag:s20], $0x8  }
0x9e: {  	[sflag:s20] =	ssyncset.done $0x0  }
0x9f: {  	[sflag:s20] =	ssyncadd.s32 $0xFFFFFFF8  }
0xa0: {  	[tilespmem:s25], [sflag:$0x2] =	stream.linear.gather [hbm4b:s10+s7], $0x8, $0x38;
	[tilespmem:$0x18200] =	vst v63  }
0xa1: {  	_ =	swait.ge [sflag:s20], $0x8  }
0xa2: {  	[sflag:s20] =	ssyncset.done $0x0  }
0xa3: {  	[sflag:s20] =	ssyncadd.s32 $0xFFFFFFF8  }
0xa4: {  	[tilespmem:s28], [sflag:$0x1] =	stream.indirect.gather [hbm4b:s9+s26], $0x80, s24, s26, $0xb8;
	[tilespmem:$0x18200] =	vst v63  }
0xa5: {  	_ =	swait.ge [sflag:s23], $0x400  }
0xa6: {  	[sflag:s23] =	ssyncset.done $0x0  }
0xa7: {  	[sflag:s23] =	ssyncadd.s32 $0xFFFFFC00  }
0xa8: {  	[spmem:s2] =	stream.indirect.scatter.add.f32 [tilespmem:s28], [sflag:$0x2], $0x80, s25, s26, $0xb8;
	[tilespmem:$0x18200] =	vst v63  }
0xa9: {  	_ =	swait.ge [sflag:s20], $0x400  }
0xaa: {  	[sflag:s20] =	ssyncset.done $0x0  }
0xab: {  	[sflag:s20] =	ssyncadd.s32 $0xFFFFFC00  }
0xac: {  	[bflag:$0x0] =	sbarrier.arrive $0xFFFF  }
0xad: {  	_ =	sdelay $0x7ff  }
0xae: {  	_ =	sdelay $0x700  }
0xaf: {  	[bflag:$0x0] =	sbarrier.arrive $0xFFFF  }
0xb0: {  	[hbm:s11], [sflag:s6] =	dma.local [spmem:s19], $0x2780  }
0xb1: {  	_ =	swait.ge [sflag:s20], $0x2780  }
0xb2: {  	[sflag:s20] =	ssyncset.done $0x0  }
0xb3: {  	[sflag:s20] =	ssyncadd.s32 $0xFFFFD880  }
0xb4: {  	[bflag:$0x0] =	sbarrier.arrive $0xFFFF  }
0xb5: {  	[spmem:s19], [sflag:s6] =	dma.local [hbm:s1], $0x2780  }
0xb6: {  	_ =	swait.ge [sflag:s20], $0x2780  }
0xb7: {  	[sflag:s20] =	ssyncset.done $0x0  }
0xb8: {  	[sflag:s20] =	ssyncadd.s32 $0xFFFFD880  }
0xb9: {  	s3 =	sadd.s32 $0x0, s18;
	[bflag:$0x0] =	sbarrier.arrive $0xFFFF  }
0xba: {  	[tilespmem:s4], [sflag:$0x2] =	stream.linear.gather [hbm4b:s3+s4], $0x80, $0x38;
	[tilespmem:$0x18200] =	vst v63  }
0xbb: {  	_ =	swait.ge [sflag:s20], $0x80  }
0xbc: {  	[sflag:s20] =	ssyncset.done $0x0  }
0xbd: {  	s7 =	sadd.s32 $0x0, s17;
	[sflag:s20] =	ssyncadd.s32 $0xFFFFFF80  }
0xbe: {  	[tilespmem:s21], [sflag:$0x2] =	stream.linear.gather [hbm4b:s7+s4], $0x80, $0x38;
	[tilespmem:$0x18200] =	vst v63  }
0xbf: {  	_ =	swait.ge [sflag:s20], $0x80  }
0xc0: {  	[sflag:s20] =	ssyncset.done $0x0  }
0xc1: {  	[sflag:s20] =	ssyncadd.s32 $0xFFFFFF80  }
0xc2: {  	[tilespmem:s22], [sflag:$0x1] =	stream.indirect.gather [hbm4b:s12+s21], $0x80, s4, s21, $0xb8;
	[tilespmem:$0x18200] =	vst v63  }
0xc3: {  	_ =	swait.ge [sflag:s23], $0x4000  }
0xc4: {  	[sflag:s23] =	ssyncset.done $0x0  }
0xc5: {  	[sflag:s23] =	ssyncadd.s32 $0xFFFFC000  }
0xc6: {  	[spmem:s2] =	stream.indirect.scatter.add.f32 [tilespmem:s22], [sflag:$0x2], $0x80, s21, s21, $0xb8;
	[tilespmem:$0x18200] =	vst v63  }
0xc7: {  	_ =	swait.ge [sflag:s20], $0x4000  }
0xc8: {  	s30 =	simm.s32 $0x10;
	s31 =	simm.s32 $0x20;
	[sflag:s20] =	ssyncset.done $0x0  }
.LBB2_6:
0xc9: {  	s0 =	sadd.s32 s30, s18  }
0xca: {  	[sflag:s20] =	ssyncadd.s32 $0xFFFFC000;
	s3 =	smov.u32 s31;
	s7 =	sadd.s32 $0x10, s31  }
0xcb: {  	[tilespmem:s4], [sflag:$0x2] =	stream.linear.gather [hbm4b:s0+s4], $0x80, $0x38;
	[tilespmem:$0x18200] =	vst v63  }
0xcc: {  	p0 =	sne.s32 s31, $0x260;
	_ =	swait.ge [sflag:s20], $0x80  }
0xcd: {  	[sflag:s20] =	ssyncset.done $0x0  }
0xce: {  	s0 =	sadd.s32 s30, s17;
	s30 =	smov.u32 s3;
	[sflag:s20] =	ssyncadd.s32 $0xFFFFFF80  }
0xcf: {  	[tilespmem:s21], [sflag:$0x2] =	stream.linear.gather [hbm4b:s0+s4], $0x80, $0x38;
	[tilespmem:$0x18200] =	vst v63  }
0xd0: {  	_ =	swait.ge [sflag:s20], $0x80  }
0xd1: {  	[sflag:s20] =	ssyncset.done $0x0  }
0xd2: {  	[sflag:s20] =	ssyncadd.s32 $0xFFFFFF80  }
0xd3: {  	[tilespmem:s22], [sflag:$0x1] =	stream.indirect.gather [hbm4b:s12+s21], $0x80, s4, s21, $0xb8;
	[tilespmem:$0x18200] =	vst v63  }
0xd4: {  	_ =	swait.ge [sflag:s23], $0x4000  }
.Ltmp2:
0xd5: {  	[sflag:s23] =	ssyncset.done $0x0;
	(pc) =	sbr.rel @p0 .LBB2_6-.Ltmp2, $4  }
0xd6: {  	[sflag:s23] =	ssyncadd.s32 $0xFFFFC000  }
0xd7: {  	[spmem:s2] =	stream.indirect.scatter.add.f32 [tilespmem:s22], [sflag:$0x2], $0x80, s21, s21, $0xb8;
	[tilespmem:$0x18200] =	vst v63  }
0xd8: {  	_ =	swait.ge [sflag:s20], $0x4000  }
0xd9: {  	s31 =	smov.u32 s7;
	[sflag:s20] =	ssyncset.done $0x0  }
0xda: {  	s0 =	sadd.s32 s30, s18;
	[sflag:s20] =	ssyncadd.s32 $0xFFFFC000  }
0xdb: {  	[tilespmem:s4], [sflag:$0x2] =	stream.linear.gather [hbm4b:s0+s4], $0x80, $0x38;
	[tilespmem:$0x18200] =	vst v63  }
0xdc: {  	_ =	swait.ge [sflag:s20], $0x80  }
0xdd: {  	[sflag:s20] =	ssyncset.done $0x0  }
0xde: {  	s3 =	sadd.s32 s30, s17;
	[sflag:s20] =	ssyncadd.s32 $0xFFFFFF80  }
0xdf: {  	[tilespmem:s21], [sflag:$0x2] =	stream.linear.gather [hbm4b:s3+s4], $0x80, $0x38;
	[tilespmem:$0x18200] =	vst v63  }
0xe0: {  	_ =	swait.ge [sflag:s20], $0x80  }
0xe1: {  	[sflag:s20] =	ssyncset.done $0x0  }
0xe2: {  	[sflag:s20] =	ssyncadd.s32 $0xFFFFFF80  }
0xe3: {  	[tilespmem:s22], [sflag:$0x1] =	stream.indirect.gather [hbm4b:s12+s21], $0x80, s4, s21, $0xb8;
	[tilespmem:$0x18200] =	vst v63  }
0xe4: {  	_ =	swait.ge [sflag:s23], $0x4000  }
0xe5: {  	[sflag:s23] =	ssyncset.done $0x0  }
0xe6: {  	[sflag:s23] =	ssyncadd.s32 $0xFFFFC000  }
0xe7: {  	[spmem:s2] =	stream.indirect.scatter.add.f32 [tilespmem:s22], [sflag:$0x2], $0x80, s21, s21, $0xb8;
	[tilespmem:$0x18200] =	vst v63  }
0xe8: {  	_ =	swait.ge [sflag:s20], $0x4000  }
0xe9: {  	[sflag:s20] =	ssyncset.done $0x0  }
0xea: {  	s7 =	simm.s32 $0x0;
	[sflag:s20] =	ssyncadd.s32 $0xFFFFC000  }
0xeb: {  	[tilespmem:s24], [sflag:$0x2] =	stream.linear.gather [hbm4b:s8+s7], $0x8, $0x38;
	[tilespmem:$0x18200] =	vst v63  }
0xec: {  	_ =	swait.ge [sflag:s20], $0x8  }
0xed: {  	[sflag:s20] =	ssyncset.done $0x0  }
0xee: {  	[sflag:s20] =	ssyncadd.s32 $0xFFFFFFF8  }
0xef: {  	[tilespmem:s25], [sflag:$0x2] =	stream.linear.gather [hbm4b:s10+s7], $0x8, $0x38;
	[tilespmem:$0x18200] =	vst v63  }
0xf0: {  	_ =	swait.ge [sflag:s20], $0x8  }
0xf1: {  	[sflag:s20] =	ssyncset.done $0x0  }
0xf2: {  	[sflag:s20] =	ssyncadd.s32 $0xFFFFFFF8  }
0xf3: {  	[tilespmem:s28], [sflag:$0x1] =	stream.indirect.gather [hbm4b:s12+s26], $0x80, s24, s26, $0xb8;
	[tilespmem:$0x18200] =	vst v63  }
0xf4: {  	_ =	swait.ge [sflag:s23], $0x400  }
0xf5: {  	[sflag:s23] =	ssyncset.done $0x0  }
0xf6: {  	[sflag:s23] =	ssyncadd.s32 $0xFFFFFC00  }
0xf7: {  	[spmem:s2] =	stream.indirect.scatter.add.f32 [tilespmem:s28], [sflag:$0x2], $0x80, s25, s26, $0xb8;
	[tilespmem:$0x18200] =	vst v63  }
0xf8: {  	_ =	swait.ge [sflag:s20], $0x400  }
0xf9: {  	[sflag:s20] =	ssyncset.done $0x0  }
0xfa: {  	[sflag:s20] =	ssyncadd.s32 $0xFFFFFC00  }
0xfb: {  	[bflag:$0x0] =	sbarrier.arrive $0xFFFF  }
0xfc: {  	_ =	sdelay $0x7ff  }
0xfd: {  	_ =	sdelay $0x700  }
0xfe: {  	[bflag:$0x0] =	sbarrier.arrive $0xFFFF  }
0xff: {  	[hbm:s13], [sflag:s6] =	dma.local [spmem:s19], $0x2780  }
0x100: {  	_ =	swait.ge [sflag:s20], $0x2780  }
0x101: {  	[sflag:s20] =	ssyncset.done $0x0  }
0x102: {  	[sflag:s20] =	ssyncadd.s32 $0xFFFFD880  }
0x103: {  	[bflag:$0x0] =	sbarrier.arrive $0xFFFF  }
0x104: {  	[spmem:s19], [sflag:s6] =	dma.local [hbm:s1], $0x2780  }
0x105: {  	_ =	swait.ge [sflag:s20], $0x2780  }
0x106: {  	[sflag:s20] =	ssyncset.done $0x0  }
0x107: {  	[sflag:s20] =	ssyncadd.s32 $0xFFFFD880  }
0x108: {  	s3 =	sadd.s32 $0x0, s18;
	[bflag:$0x0] =	sbarrier.arrive $0xFFFF  }
0x109: {  	[tilespmem:s4], [sflag:$0x2] =	stream.linear.gather [hbm4b:s3+s4], $0x80, $0x38;
	[tilespmem:$0x18200] =	vst v63  }
0x10a: {  	_ =	swait.ge [sflag:s20], $0x80  }
0x10b: {  	[sflag:s20] =	ssyncset.done $0x0  }
0x10c: {  	s7 =	sadd.s32 $0x0, s17;
	[sflag:s20] =	ssyncadd.s32 $0xFFFFFF80  }
0x10d: {  	[tilespmem:s21], [sflag:$0x2] =	stream.linear.gather [hbm4b:s7+s4], $0x80, $0x38;
	[tilespmem:$0x18200] =	vst v63  }
0x10e: {  	_ =	swait.ge [sflag:s20], $0x80  }
0x10f: {  	[sflag:s20] =	ssyncset.done $0x0  }
0x110: {  	[sflag:s20] =	ssyncadd.s32 $0xFFFFFF80  }
0x111: {  	[tilespmem:s22], [sflag:$0x1] =	stream.indirect.gather [hbm4b:s14+s21], $0x80, s4, s21, $0xb8;
	[tilespmem:$0x18200] =	vst v63  }
0x112: {  	_ =	swait.ge [sflag:s23], $0x4000  }
0x113: {  	[sflag:s23] =	ssyncset.done $0x0  }
0x114: {  	[sflag:s23] =	ssyncadd.s32 $0xFFFFC000  }
0x115: {  	[spmem:s2] =	stream.indirect.scatter.add.f32 [tilespmem:s22], [sflag:$0x2], $0x80, s21, s21, $0xb8;
	[tilespmem:$0x18200] =	vst v63  }
0x116: {  	_ =	swait.ge [sflag:s20], $0x4000  }
0x117: {  	s30 =	simm.s32 $0x10;
	s31 =	simm.s32 $0x20;
	[sflag:s20] =	ssyncset.done $0x0  }
.LBB2_8:
0x118: {  	s0 =	sadd.s32 s30, s18  }
0x119: {  	[sflag:s20] =	ssyncadd.s32 $0xFFFFC000;
	s3 =	smov.u32 s31;
	s7 =	sadd.s32 $0x10, s31  }
0x11a: {  	[tilespmem:s4], [sflag:$0x2] =	stream.linear.gather [hbm4b:s0+s4], $0x80, $0x38;
	[tilespmem:$0x18200] =	vst v63  }
0x11b: {  	p0 =	sne.s32 s31, $0x260;
	_ =	swait.ge [sflag:s20], $0x80  }
0x11c: {  	[sflag:s20] =	ssyncset.done $0x0  }
0x11d: {  	s0 =	sadd.s32 s30, s17;
	s30 =	smov.u32 s3;
	[sflag:s20] =	ssyncadd.s32 $0xFFFFFF80  }
0x11e: {  	[tilespmem:s21], [sflag:$0x2] =	stream.linear.gather [hbm4b:s0+s4], $0x80, $0x38;
	[tilespmem:$0x18200] =	vst v63  }
0x11f: {  	_ =	swait.ge [sflag:s20], $0x80  }
0x120: {  	[sflag:s20] =	ssyncset.done $0x0  }
0x121: {  	[sflag:s20] =	ssyncadd.s32 $0xFFFFFF80  }
0x122: {  	[tilespmem:s22], [sflag:$0x1] =	stream.indirect.gather [hbm4b:s14+s21], $0x80, s4, s21, $0xb8;
	[tilespmem:$0x18200] =	vst v63  }
0x123: {  	_ =	swait.ge [sflag:s23], $0x4000  }
.Ltmp3:
0x124: {  	[sflag:s23] =	ssyncset.done $0x0;
	(pc) =	sbr.rel @p0 .LBB2_8-.Ltmp3, $4  }
0x125: {  	[sflag:s23] =	ssyncadd.s32 $0xFFFFC000  }
0x126: {  	[spmem:s2] =	stream.indirect.scatter.add.f32 [tilespmem:s22], [sflag:$0x2], $0x80, s21, s21, $0xb8;
	[tilespmem:$0x18200] =	vst v63  }
0x127: {  	_ =	swait.ge [sflag:s20], $0x4000  }
0x128: {  	s31 =	smov.u32 s7;
	[sflag:s20] =	ssyncset.done $0x0  }
0x129: {  	s0 =	sadd.s32 s30, s18;
	[sflag:s20] =	ssyncadd.s32 $0xFFFFC000  }
0x12a: {  	[tilespmem:s4], [sflag:$0x2] =	stream.linear.gather [hbm4b:s0+s4], $0x80, $0x38;
	[tilespmem:$0x18200] =	vst v63  }
0x12b: {  	_ =	swait.ge [sflag:s20], $0x80  }
0x12c: {  	[sflag:s20] =	ssyncset.done $0x0  }
0x12d: {  	s31 =	sadd.s32 s30, s17;
	[sflag:s20] =	ssyncadd.s32 $0xFFFFFF80  }
0x12e: {  	[tilespmem:s21], [sflag:$0x2] =	stream.linear.gather [hbm4b:s31+s4], $0x80, $0x38;
	[tilespmem:$0x18200] =	vst v63  }
0x12f: {  	_ =	swait.ge [sflag:s20], $0x80  }
0x130: {  	[sflag:s20] =	ssyncset.done $0x0  }
0x131: {  	[sflag:s20] =	ssyncadd.s32 $0xFFFFFF80  }
0x132: {  	[tilespmem:s22], [sflag:$0x1] =	stream.indirect.gather [hbm4b:s14+s21], $0x80, s4, s21, $0xb8;
	[tilespmem:$0x18200] =	vst v63  }
0x133: {  	_ =	swait.ge [sflag:s23], $0x4000  }
0x134: {  	[sflag:s23] =	ssyncset.done $0x0  }
0x135: {  	[sflag:s23] =	ssyncadd.s32 $0xFFFFC000  }
0x136: {  	[spmem:s2] =	stream.indirect.scatter.add.f32 [tilespmem:s22], [sflag:$0x2], $0x80, s21, s21, $0xb8;
	[tilespmem:$0x18200] =	vst v63  }
0x137: {  	_ =	swait.ge [sflag:s20], $0x4000  }
0x138: {  	[sflag:s20] =	ssyncset.done $0x0  }
0x139: {  	[sflag:s20] =	ssyncadd.s32 $0xFFFFC000  }
0x13a: {  	[tilespmem:s24], [sflag:$0x2] =	stream.linear.gather [hbm4b:s8+s4], $0x8, $0x38;
	[tilespmem:$0x18200] =	vst v63  }
0x13b: {  	_ =	swait.ge [sflag:s20], $0x8  }
0x13c: {  	[sflag:s20] =	ssyncset.done $0x0  }
0x13d: {  	[sflag:s20] =	ssyncadd.s32 $0xFFFFFFF8  }
0x13e: {  	[tilespmem:s25], [sflag:$0x2] =	stream.linear.gather [hbm4b:s10+s4], $0x8, $0x38;
	[tilespmem:$0x18200] =	vst v63  }
0x13f: {  	_ =	swait.ge [sflag:s20], $0x8  }
0x140: {  	[sflag:s20] =	ssyncset.done $0x0  }
0x141: {  	[sflag:s20] =	ssyncadd.s32 $0xFFFFFFF8  }
0x142: {  	[tilespmem:s28], [sflag:$0x1] =	stream.indirect.gather [hbm4b:s14+s26], $0x80, s24, s26, $0xb8;
	[tilespmem:$0x18200] =	vst v63  }
0x143: {  	_ =	swait.ge [sflag:s23], $0x400  }
0x144: {  	[sflag:s23] =	ssyncset.done $0x0  }
0x145: {  	[sflag:s23] =	ssyncadd.s32 $0xFFFFFC00  }
0x146: {  	[spmem:s2] =	stream.indirect.scatter.add.f32 [tilespmem:s28], [sflag:$0x2], $0x80, s25, s26, $0xb8;
	[tilespmem:$0x18200] =	vst v63  }
0x147: {  	_ =	swait.ge [sflag:s20], $0x400  }
0x148: {  	[sflag:s20] =	ssyncset.done $0x0  }
0x149: {  	[sflag:s20] =	ssyncadd.s32 $0xFFFFFC00  }
0x14a: {  	[bflag:$0x0] =	sbarrier.arrive $0xFFFF  }
0x14b: {  	_ =	sdelay $0x7ff  }
0x14c: {  	s29 =	sadd.s32 $0x1, s29;
	_ =	sdelay $0x700  }
0x14d: {  	p0 =	sne.s32 s29, s16;
	[bflag:$0x0] =	sbarrier.arrive $0xFFFF  }
0x14e: {  	[hbm:s15], [sflag:s6] =	dma.local [spmem:s19], $0x2780  }
.Ltmp4:
0x14f: {  	_ =	swait.ge [sflag:s20], $0x2780;
	(pc) =	sbr.rel @p0 .LBB2_1-.Ltmp4, $3  }
0x150: {  	[sflag:s20] =	ssyncset.done $0x0  }
0x151: {  	[sflag:s20] =	ssyncadd.s32 $0xFFFFD880  }
0x152: {  	[bflag:$0x0] =	sbarrier.arrive $0xFFFF;
	_ =	sdelay $0x1  }
0x153: {  	_ =	sfence.sel $0x180000  }
0x154: {  	[bflag:$0x0] =	sbarrier.arrive $0xFFFF  }
0x155: {  	_ =	strace $0x9000004A  }
0x156: {  	s0 =	stileid.u32;
	[bflag:$0x2] =	sbarrier.arrive $0xFFFF  }
0x157: {  	p0 =	sne.s32 s0, $0x0;
	s0 =	rddreg [dreg:$0x3]  }
0x158: {  	s0 =	sadd.s32 @!p0 $0x100000, s0  }
0x159: {  	[sflag:s0] =	ssyncadd.tile.s32 @!p0 $0x1;
	_ =	shalt  }
.Lfunc_end2:
_tile_overlayer_lowered:
.L_overlay_start_2:
0x15a: {  	(tag) =	ssettag $0x2  }
0x15b: {  	s0 =	rddreg [dreg:$0x0];
	s2 =	stileid.u32  }
0x15c: {  	s1 =	rddreg [dreg:$0x1];
	p0 =	sne.s32 s2, $0x0  }
0x15d: {  	s3 =	rddreg [dreg:$0x2];
	[bflag:$0x3] =	sbarrier.arrive $0xFFFF;
	s2 =	simm.s32 @!p0 $0x1C02  }
0x15e: {  	[timem:s3], [sflag:s2] =	dma.local @!p0 [hbm:s0], s1  }
0x15f: {  	s0 =	simm.s32 @!p0 $0x2  }
0x160: {  	_ =	swait.ge @!p0 [sflag:s0], s1  }
0x161: {  	s1 =	ssub.s32 @!p0 $0x0, s1;
	[sflag:s0] =	ssyncset.done @!p0 $0x0  }
0x162: {  	[sflag:s0] =	ssyncadd.s32 @!p0 s1  }
0x163: {  	[bflag:$0x3] =	sbarrier.arrive $0xFFFF  }
0x164: {  	_ =	shalt  }

// kernel: kernel.20.cloned.1.call-start
scs
__scs_entry_jumppad:
0x0: {  	(pc) =	sbr.rel $0x88, $3  }
0x1: {  	(tag) =	ssettag $0x0;
	lr =	simm.s32 $0x1  }
0x2: {  	[smem:$0x3F8E] =	sst lr;
	_ =	strace $0xD0000000  }
0x3: {  	_ = 	snop  }
0x4: {  	_ = 	snop  }
0x5: {  	_ = 	snop  }
0x6: {  	_ = 	snop  }
0x7: {  	_ = 	snop  }
__scs_overlays_trampoline_lowered:
0x8: {  	[smem:$0x3F9D] =	sst s0  }
0x9: {  	[smem:$0x3F9E] =	sst s1  }
0xa: {  	[smem:$0x3F9F] =	sst s2  }
0xb: {  	[smem:$0x3FA0] =	sst s3  }
0xc: {  	[smem:$0x3FA1] =	sst s4  }
0xd: {  	[smem:$0x3FA2] =	sst s5  }
0xe: {  	[smem:$0x3FA3] =	sst s6  }
0xf: {  	[smem:$0x3FA4] =	sst s7  }
0x10: {  	[smem:$0x3FA5] =	sst s8  }
0x11: {  	[smem:$0x3FA6] =	sst s9;
	s0 =	simm.s32 @!p0 $0x0  }
0x12: {  	s1 =	sld [smem:$0x3F8C];
	s0 =	simm.s32 @p0 $0x1  }
0x13: {  	[smem:$0x3FA7] =	sst s0;
	s0 =	simm.s32 @!p1 $0x0  }
0x14: {  	s2 =	sld [smem:$0x3F8B];
	s0 =	simm.s32 @p1 $0x1  }
0x15: {  	[smem:$0x3FA8] =	sst s0;
	s0 =	simm.s32 @!p2 $0x0  }
0x16: {  	s3 =	sld [smem:$0x3FDB];
	s0 =	simm.s32 @p2 $0x1  }
0x17: {  	s4 =	simm.s32 $0x1BF5;
	[smem:$0x3FAA] =	sst s0  }
0x18: {  	s0 =	sld [smem:$0x3F8D];
	_ =	swait.ge [sflag:s4], $0x0  }
0x19: {  	s7 =	sld [smem:$0x3F8E]  }
0x1a: {  	s8 =	sadd.s32 $0xFFFFE003, lr  }
0x1b: {  	s9 =	sadd.s32 $0xFFFFFEF7, lr;
	s5 =	simm.s32 $0xFFFFFFFF;
	p2 =	slt.u32 s8, $0xFFFFF086  }
0x1c: {  	p1 =	slt.u32 s9, $0xF7A;
	s5 =	simm.s32 @!p2 $0x0  }
0x1d: {  	s5 =	simm.s32 @p1 $0x1;
	p0 =	seq.s32 s7, s2  }
0x1e: {  	s7 =	smul.u32 @!p0 $0xF7A, s2;
	p2 =	seq.s32 @!p0 s5, $0x0  }
0x1f: {  	s9 =	smul.u32 $0xF7A, s1;
	s8 =	simm.s32 @!p0 $0x1BF5;
	p2 =	por !p2, p0  }
0x20: {  	[sflag:s8] =	ssyncset.s32 @!p0 $0xFFFFF086;
	s6 =	sadd.s32 @!p0 s3, s7;
	s7 =	simm.s32 @!p0 $0x108  }
0x21: {  	s3 =	sadd.s32 s3, s9;
	s6 =	sadd.s32 @!p0 $0x88, s6;
	s7 =	simm.s32 @p2 $0x1082  }
0x22: {  	[simem:s7], [sflag:s8] =	dma.local @!p0 [hbm:s6], $0xF7A  }
0x23: {  	s9 =	sor.u32 $0xD0000000, s2;
	s6 =	simm.s32 $0x108;
	_ =	swait.ge @!p0 [sflag:s8], $0x0  }
0x24: {  	s3 =	sadd.s32 $0x88, s3;
	s6 =	simm.s32 @!p1 $0x1082;
	[sflag:s4] =	ssyncset.s32 $0xFFFFF086  }
0x25: {  	[simem:s6], [sflag:s4] =	dma.local [hbm:s3], $0xF7A  }
0x26: {  	[smem:$0x3F8E] =	sst s1;
	(tag) =	ssettag s2;
	_ =	strace s9  }
0x27: {  	s1 =	sld [smem:$0x3F9E]  }
0x28: {  	s2 =	sld [smem:$0x3F9F]  }
0x29: {  	s4 =	sld [smem:$0x3FA1]  }
0x2a: {  	p0 =	seq.s32 s5, $0x0;
	s5 =	sld [smem:$0x3FA2]  }
0x2b: {  	s6 =	sld [smem:$0x3FA3]  }
0x2c: {  	s7 =	sld [smem:$0x3FA4]  }
0x2d: {  	s3 =	simm.s32 $0x108;
	s8 =	sld [smem:$0x3FA5]  }
0x2e: {  	s3 =	simm.s32 @!p0 $0x1082;
	s9 =	sld [smem:$0x3FA6]  }
0x2f: {  	lr =	sadd.s32 s0, s3;
	s0 =	sld [smem:$0x3F9D]  }
0x30: {  	s3 =	sld [smem:$0x3FA0]  }
0x31: {  	[smem:$0x3FA9] =	sst s10  }
0x32: {  	s10 =	sld [smem:$0x3FA7];
	_ =	sdelay $0x3  }
0x33: {  	p0 =	seq.s32 s10, $0x1;
	s10 =	sld [smem:$0x3FA9];
	_ =	sdelay $0x3  }
0x34: {  	[smem:$0x3FA9] =	sst s10  }
0x35: {  	s10 =	sld [smem:$0x3FA8];
	_ =	sdelay $0x3  }
0x36: {  	p1 =	seq.s32 s10, $0x1;
	s10 =	sld [smem:$0x3FA9];
	_ =	sdelay $0x3  }
0x37: {  	[smem:$0x3FA9] =	sst s10  }
0x38: {  	s10 =	sld [smem:$0x3FAA]  }
0x39: {  	_ = 	snop;
	(pc) =	sbr.ind lr, $3  }
0x3a: {  	_ = 	snop  }
0x3b: {  	_ = 	snop  }
0x3c: {  	p2 =	seq.s32 s10, $0x1;
	s10 =	sld [smem:$0x3FA9]  }
0x3d: {  	_ =	shalt  }
0x3e: {  	_ =	shalt  }
0x3f: {  	_ =	shalt  }
0x40: {  	_ =	shalt  }
0x41: {  	_ =	shalt  }
0x42: {  	_ =	shalt  }
0x43: {  	_ =	shalt  }
0x44: {  	_ =	shalt  }
0x45: {  	_ =	shalt  }
0x46: {  	_ =	shalt  }
0x47: {  	_ =	shalt  }
0x48: {  	_ =	shalt  }
0x49: {  	_ =	shalt  }
0x4a: {  	_ =	shalt  }
0x4b: {  	_ =	shalt  }
0x4c: {  	_ =	shalt  }
0x4d: {  	_ =	shalt  }
0x4e: {  	_ =	shalt  }
0x4f: {  	_ =	shalt  }
0x50: {  	_ =	shalt  }
0x51: {  	_ =	shalt  }
0x52: {  	_ =	shalt  }
0x53: {  	_ =	shalt  }
0x54: {  	_ =	shalt  }
0x55: {  	_ =	shalt  }
0x56: {  	_ =	shalt  }
0x57: {  	_ =	shalt  }
0x58: {  	_ =	shalt  }
0x59: {  	_ =	shalt  }
0x5a: {  	_ =	shalt  }
0x5b: {  	_ =	shalt  }
0x5c: {  	_ =	shalt  }
0x5d: {  	_ =	shalt  }
0x5e: {  	_ =	shalt  }
0x5f: {  	_ =	shalt  }
0x60: {  	_ =	shalt  }
0x61: {  	_ =	shalt  }
0x62: {  	_ =	shalt  }
0x63: {  	_ =	shalt  }
0x64: {  	_ =	shalt  }
0x65: {  	_ =	shalt  }
0x66: {  	_ =	shalt  }
0x67: {  	_ =	shalt  }
0x68: {  	_ =	shalt  }
0x69: {  	_ =	shalt  }
0x6a: {  	_ =	shalt  }
0x6b: {  	_ =	shalt  }
0x6c: {  	_ =	shalt  }
0x6d: {  	_ =	shalt  }
0x6e: {  	_ =	shalt  }
0x6f: {  	_ =	shalt  }
0x70: {  	_ =	shalt  }
0x71: {  	_ =	shalt  }
0x72: {  	_ =	shalt  }
0x73: {  	_ =	shalt  }
0x74: {  	_ =	shalt  }
0x75: {  	_ =	shalt  }
0x76: {  	_ =	shalt  }
0x77: {  	_ =	shalt  }
0x78: {  	_ =	shalt  }
0x79: {  	_ =	shalt  }
0x7a: {  	_ =	shalt  }
0x7b: {  	_ =	shalt  }
0x7c: {  	_ =	shalt  }
0x7d: {  	_ =	shalt  }
0x7e: {  	_ =	shalt  }
0x7f: {  	_ =	shalt  }
0x80: {  	_ =	shalt  }
0x81: {  	_ =	shalt  }
0x82: {  	_ =	shalt  }
0x83: {  	_ =	shalt  }
0x84: {  	_ =	shalt  }
0x85: {  	_ =	shalt  }
0x86: {  	_ =	shalt  }
0x87: {  	_ =	shalt  }
.Lfunc_end0:
.L_simem_size_0:
called_computation.2_lowered:
.L_overlay_start_0:
0x88: {  	s2 =	sld [smem:$0x3FD9]  }
0x89: {  	s3 =	sld [smem:$0x3FFE];
	_ =	sdelay $0x1  }
0x8a: {  	s1 =	srdreg.scid  }
0x8b: {  	s0 =	sand.u32 $0x1, s1  }
0x8c: {  	s17 =	sshll.u32 s0, $0xA;
	s2 =	sadd.s32 s3, s2  }
0x8d: {  	s2 =	sadd.s32 s2, s17  }
0x8e: {  	[smem:$0x3FB5] =	sst s2  }
0x8f: {  	_ = 	snop  }
0x90: {  	s2 =	sld [smem:$0x3FD0];
	(tm) =	ssettm $0x1  }
0x91: {  	s18 =	sld [smem:$0x3FFB];
	_ =	sdelay $0x3  }
0x92: {  	_ =	strace s18  }
0x93: {  	s3 =	sld [smem:$0x3FFC];
	_ =	sdelay $0x3  }
0x94: {  	_ =	strace s3  }
0x95: {  	s3 =	sld [smem:$0x3FFD];
	_ =	sdelay $0x3  }
0x96: {  	_ =	strace s3  }
0x97: {  	_ =	strace $0x8FFFFFFF  }
0x98: {  	s19 =	sld [smem:$0x3FDB];
	_ =	sdelay $0x1  }
0x99: {  	s4 =	simm.s32 $_scs_section_size  }
0x9a: {  	s5 =	simm.s32 $_size__tile_overlayer_lowered;
	s6 =	simm.s32 $_tile_overlayer_lowered  }
0x9b: {  	s22 =	simm.s32 $0x1BFF;
	s21 =	sshll.u32 s6, $0x1;
	s3 =	sadd.s32 s4, s19  }
0x9c: {  	s7 =	simm.s32 $0x0;
	s20 =	sshll.u32 s5, $0x1;
	s5 =	sadd.s32 s21, s3  }
0x9d: {  	[timem:s7], [sflag:s22] =	dma.local [hbm:s5], s20  }
0x9e: {  	_ =	swait.ge [sflag:s22], s20  }
0x9f: {  	s4 =	ssub.s32 $0x0, s20;
	[sflag:s22] =	ssyncset.done $0x0  }
0xa0: {  	[sflag:s22] =	ssyncadd.s32 s4;
	_ =	sdelay $0x1  }
0xa1: {  	s23 =	simm.s32 $0x1B8B  }
0xa2: {  	_ =	swait.ge [sflag:s23], $0x1  }
0xa3: {  	[sflag:s23] =	ssyncset.done $0x0  }
0xa4: {  	s25 =	simm.s32 $0x1B8E;
	s24 =	sld [smem:$0x3FFE];
	[sflag:s23] =	ssyncadd.s32 $0xFFFFFFFF  }
0xa5: {  	s26 =	simm.s32 $execute0_lowered;
	[smem:$0x3FD2] =	sst s25  }
0xa6: {  	s5 =	sshll.u32 s26, $0x1;
	_ =	strace $0x8000004C;
	[dreg:$0x1] =	wrdreg $0xFFFFFFFF  }
0xa7: {  	s28 =	simm.s32 $_size_execute0_lowered;
	s3 =	sadd.s32 s3, s5;
	[dreg:$0x0] =	wrdreg $0x0  }
0xa8: {  	s5 =	sshll.u32 s28, $0x1;
	[dreg:$0x2] =	wrdreg s3  }
0xa9: {  	[dreg:$0x3] =	wrdreg s5  }
0xaa: {  	[dreg:$0x4] =	wrdreg $0xC0  }
0xab: {  	_ =	task [dreg:s7], $0x5FFFF  }
0xac: {  	[dreg:$0x1] =	wrdreg $0xFFFFFFFF  }
0xad: {  	[dreg:$0x0] =	wrdreg $0x60  }
0xae: {  	[dreg:$0x2] =	wrdreg s24  }
0xaf: {  	[dreg:$0x3] =	wrdreg s2  }
0xb0: {  	[dreg:$0x4] =	wrdreg $0x46000  }
0xb1: {  	[dreg:$0x5] =	wrdreg $0x9  }
0xb2: {  	_ =	task.clear_ibuf [dreg:s7], $0x6FFFF;
	_ =	strace $0x9000004C  }
0xb3: {  	s29 =	simm.s32 $0x9;
	_ =	strace $0x8000004E  }
0xb4: {  	_ =	swait.ge [sflag:s29], $0x1  }
0xb5: {  	[sflag:s29] =	ssyncadd.s32 $0xFFFFFFFF  }
0xb6: {  	_ =	strace $0x9000004E  }
0xb7: {  	_ =	sfence  }
0xb8: {  	s30 =	sld [smem:$0x0];
	_ =	sdelay $0x2  }
0xb9: {  	s31 =	sshll.u32 s1, $0xD;
	s1 =	sshrl.u32 s1, $0x2  }
0xba: {  	s3 =	sand.u32 $0x4000, s31;
	s1 =	sadd.s32 s1, s30  }
0xbb: {  	s0 =	sor.u32 s3, s0;
	s1 =	sshll.u32 s1, $0x11  }
0xbc: {  	s0 =	sor.u32 s1, s0  }
0xbd: {  	s0 =	sadd.s32 $0x8F2B, s0  }
0xbe: {  	[sflag:s0] =	ssyncadd.remote.s32 $0x1  }
0xbf: {  	_ =	sfence.sel $0xFFFF  }
0xc0: {  	[dreg:$0x0] =	wrdreg $0xFFFFFFFF;
	(pc) =	sbr.abs _section_cstart, $3  }
0xc1: {  	[dreg:$0x1] =	wrdreg $0xFFFFFFFF  }
0xc2: {  	_ =	task.clear_ibuf [dreg:s7], $0x2FFFF;
	_ =	strace $0x9FFFFFFF  }
0xc3: {  	(tm) =	ssettm $0x7FFFFFFF  }
tec
execute0_lowered:
.L_overlay_start_1:
0x0: {  	(tag) =	ssettag $0x1  }
0x1: {  	s14 =	rddreg [dreg:$0x0]  }
0x2: {  	s1 =	rddreg [dreg:$0x1]  }
0x3: {  	s2 =	rddreg [dreg:$0x2]  }
0x4: {  	s3 =	srdreg.scid;
	s4 =	simm.s32 $0x0;
	s0 =	stileid.u32  }
0x5: {  	s28 =	simm.s32 $0x4200;
	s29 =	simm.s32 $0x0;
	s10 =	sand.u32 $0x1, s3  }
0x6: {  	[smem:$0x7FF] =	sst s4;
	s7 =	smul.u32 $0x13C00, s0;
	s8 =	sshll.u32 s0, $0x1  }
0x7: {  	s5 =	sadd.s32 $0x1E4C00, s14;
	s18 =	sadd.s32 $0x9400, s14;
	s9 =	smul.u32 $0x4F000, s0  }
0x8: {  	s17 =	sadd.s32 $0x4400, s14;
	s20 =	smul.u32 $0x2710, s0;
	s12 =	sadd.s32 $0x232E00, s14  }
0x9: {  	s26 =	sshll.u32 s0, $0x6;
	s6 =	smul.u32 $0x13C000, s10;
	_ =	strace $0x8000004D  }
0xa: {  	s8 =	sor.u32 s10, s8;
	s23 =	ssub.s32 $0x2, s10;
	s21 =	smul.u32 $0x1388, s10  }
0xb: {  	s22 =	smul.u32 $0x1388, s8;
	s24 =	sshrl.u32 s23, $0x1;
	s25 =	sshrl.u32 s9, $0x2  }
0xc: {  	s9 =	sadd.s32 $0x20BD00, s14;
	s6 =	sadd.s32 s7, s6;
	s16 =	ssub.s32 s23, s24  }
0xd: {  	s19 =	sadd.s32 s25, s2;
	s20 =	sadd.s32 s21, s20;
	s21 =	simm.s32 $0x80  }
0xe: {  	s23 =	simm.s32 $0x1;
	s24 =	simm.s32 $0x4100;
	s25 =	simm.s32 $0x4180  }
0xf: {  	s6 =	sshrl.u32 s6, $0x3;
	s7 =	sshrl.u32 s22, $0x3;
	s16 =	smax.u32 s16, $0x1  }
0x10: {  	s20 =	sshrl.u32 s20, $0x3;
	s19 =	sshrl.u32 s19, $0x3;
	s22 =	simm.s32 $0x100  }
0x11: {  	s15 =	sadd.s32 s6, s14;
	s30 =	sadd.s32 $0x270, s7;
	s6 =	sor.u32 $0x1C02, s26  }
0x12: {  	s14 =	sadd.s32 $0x259F00, s14;
	s26 =	simm.s32 $0x8;
	s7 =	sadd.s32 s18, s30  }
0x13: {  	s8 =	sadd.s32 s17, s30;
	s31 =	sadd.s32 $0x281000, s15;
	s11 =	sadd.s32 $0x2D0000, s15  }
0x14: {  	s13 =	sadd.s32 $0x31F000, s15;
	s15 =	sadd.s32 $0x36E000, s15;
	s17 =	sadd.s32 s20, s17  }
0x15: {  	s18 =	sadd.s32 s20, s18;
	s20 =	simm.s32 $0x2;
	[dreg:$0x4] =	wrdreg s31  }
.LBB2_1:
0x16: {  	[spmem:s19], [sflag:s6] =	dma.local [hbm:s1], $0x2780  }
0x17: {  	_ =	swait.ge [sflag:s20], $0x2780  }
0x18: {  	[sflag:s20] =	ssyncset.done $0x0  }
0x19: {  	[sflag:s20] =	ssyncadd.s32 $0xFFFFD880  }
0x1a: {  	s30 =	sadd.s32 $0x0, s18;
	[bflag:$0x0] =	sbarrier.arrive $0xFFFF  }
0x1b: {  	[tilespmem:s4], [sflag:$0x2] =	stream.linear.gather [hbm4b:s30+s4], $0x80, $0x38;
	[tilespmem:$0x18200] =	vst v63  }
0x1c: {  	_ =	swait.ge [sflag:s20], $0x80  }
0x1d: {  	[sflag:s20] =	ssyncset.done $0x0  }
0x1e: {  	s30 =	sadd.s32 $0x0, s17;
	[sflag:s20] =	ssyncadd.s32 $0xFFFFFF80  }
0x1f: {  	[tilespmem:s21], [sflag:$0x2] =	stream.linear.gather [hbm4b:s30+s4], $0x80, $0x38;
	[tilespmem:$0x18200] =	vst v63  }
0x20: {  	_ =	swait.ge [sflag:s20], $0x80  }
0x21: {  	[sflag:s20] =	ssyncset.done $0x0  }
0x22: {  	[sflag:s20] =	ssyncadd.s32 $0xFFFFFF80  }
0x23: {  	[tilespmem:s22], [sflag:$0x1] =	stream.indirect.gather [hbm4b:s5+s21], $0x80, s4, s21, $0xb8;
	[tilespmem:$0x18200] =	vst v63  }
0x24: {  	_ =	swait.ge [sflag:s23], $0x4000  }
0x25: {  	[sflag:s23] =	ssyncset.done $0x0  }
0x26: {  	[sflag:s23] =	ssyncadd.s32 $0xFFFFC000  }
0x27: {  	[spmem:s2] =	stream.indirect.scatter.add.f32 [tilespmem:s22], [sflag:$0x2], $0x80, s21, s21, $0xb8;
	[tilespmem:$0x18200] =	vst v63  }
0x28: {  	_ =	swait.ge [sflag:s20], $0x4000  }
0x29: {  	s31 =	simm.s32 $0x20;
	s30 =	simm.s32 $0x10;
	[sflag:s20] =	ssyncset.done $0x0  }
.LBB2_2:
0x2a: {  	s0 =	sadd.s32 s30, s18  }
0x2b: {  	[sflag:s20] =	ssyncadd.s32 $0xFFFFC000;
	s3 =	smov.u32 s31;
	s10 =	sadd.s32 $0x10, s31  }
0x2c: {  	[tilespmem:s4], [sflag:$0x2] =	stream.linear.gather [hbm4b:s0+s4], $0x80, $0x38;
	[tilespmem:$0x18200] =	vst v63  }
0x2d: {  	p0 =	sne.s32 s31, $0x260;
	_ =	swait.ge [sflag:s20], $0x80  }
0x2e: {  	[sflag:s20] =	ssyncset.done $0x0  }
0x2f: {  	s0 =	sadd.s32 s30, s17;
	s30 =	smov.u32 s3;
	[sflag:s20] =	ssyncadd.s32 $0xFFFFFF80  }
0x30: {  	[tilespmem:s21], [sflag:$0x2] =	stream.linear.gather [hbm4b:s0+s4], $0x80, $0x38;
	[tilespmem:$0x18200] =	vst v63  }
0x31: {  	_ =	swait.ge [sflag:s20], $0x80  }
0x32: {  	[sflag:s20] =	ssyncset.done $0x0  }
0x33: {  	[sflag:s20] =	ssyncadd.s32 $0xFFFFFF80  }
0x34: {  	[tilespmem:s22], [sflag:$0x1] =	stream.indirect.gather [hbm4b:s5+s21], $0x80, s4, s21, $0xb8;
	[tilespmem:$0x18200] =	vst v63  }
0x35: {  	_ =	swait.ge [sflag:s23], $0x4000  }
.Ltmp0:
0x36: {  	[sflag:s23] =	ssyncset.done $0x0;
	(pc) =	sbr.rel @p0 .LBB2_2-.Ltmp0, $4  }
0x37: {  	[sflag:s23] =	ssyncadd.s32 $0xFFFFC000  }
0x38: {  	[spmem:s2] =	stream.indirect.scatter.add.f32 [tilespmem:s22], [sflag:$0x2], $0x80, s21, s21, $0xb8;
	[tilespmem:$0x18200] =	vst v63  }
0x39: {  	_ =	swait.ge [sflag:s20], $0x4000  }
0x3a: {  	s31 =	smov.u32 s10;
	[sflag:s20] =	ssyncset.done $0x0  }
0x3b: {  	s0 =	sadd.s32 s30, s18;
	[sflag:s20] =	ssyncadd.s32 $0xFFFFC000  }
0x3c: {  	[tilespmem:s4], [sflag:$0x2] =	stream.linear.gather [hbm4b:s0+s4], $0x80, $0x38;
	[tilespmem:$0x18200] =	vst v63  }
0x3d: {  	_ =	swait.ge [sflag:s20], $0x80  }
0x3e: {  	[sflag:s20] =	ssyncset.done $0x0  }
0x3f: {  	s10 =	sadd.s32 s30, s17;
	[sflag:s20] =	ssyncadd.s32 $0xFFFFFF80  }
0x40: {  	[tilespmem:s21], [sflag:$0x2] =	stream.linear.gather [hbm4b:s10+s4], $0x80, $0x38;
	[tilespmem:$0x18200] =	vst v63  }
0x41: {  	_ =	swait.ge [sflag:s20], $0x80  }
0x42: {  	[sflag:s20] =	ssyncset.done $0x0  }
0x43: {  	[sflag:s20] =	ssyncadd.s32 $0xFFFFFF80  }
0x44: {  	[tilespmem:s22], [sflag:$0x1] =	stream.indirect.gather [hbm4b:s5+s21], $0x80, s4, s21, $0xb8;
	[tilespmem:$0x18200] =	vst v63  }
0x45: {  	_ =	swait.ge [sflag:s23], $0x4000  }
0x46: {  	[sflag:s23] =	ssyncset.done $0x0  }
0x47: {  	[sflag:s23] =	ssyncadd.s32 $0xFFFFC000  }
0x48: {  	[spmem:s2] =	stream.indirect.scatter.add.f32 [tilespmem:s22], [sflag:$0x2], $0x80, s21, s21, $0xb8;
	[tilespmem:$0x18200] =	vst v63  }
0x49: {  	_ =	swait.ge [sflag:s20], $0x4000  }
0x4a: {  	[sflag:s20] =	ssyncset.done $0x0  }
0x4b: {  	s3 =	simm.s32 $0x0;
	[sflag:s20] =	ssyncadd.s32 $0xFFFFC000  }
0x4c: {  	[tilespmem:s24], [sflag:$0x2] =	stream.linear.gather [hbm4b:s7+s3], $0x8, $0x38;
	[tilespmem:$0x18200] =	vst v63  }
0x4d: {  	_ =	swait.ge [sflag:s20], $0x8  }
0x4e: {  	[sflag:s20] =	ssyncset.done $0x0  }
0x4f: {  	[sflag:s20] =	ssyncadd.s32 $0xFFFFFFF8  }
0x50: {  	[tilespmem:s25], [sflag:$0x2] =	stream.linear.gather [hbm4b:s8+s3], $0x8, $0x38;
	[tilespmem:$0x18200] =	vst v63  }
0x51: {  	_ =	swait.ge [sflag:s20], $0x8  }
0x52: {  	[sflag:s20] =	ssyncset.done $0x0  }
0x53: {  	[sflag:s20] =	ssyncadd.s32 $0xFFFFFFF8  }
0x54: {  	[tilespmem:s28], [sflag:$0x1] =	stream.indirect.gather [hbm4b:s5+s26], $0x80, s24, s26, $0xb8;
	[tilespmem:$0x18200] =	vst v63  }
0x55: {  	_ =	swait.ge [sflag:s23], $0x400  }
0x56: {  	[sflag:s23] =	ssyncset.done $0x0  }
0x57: {  	[sflag:s23] =	ssyncadd.s32 $0xFFFFFC00  }
0x58: {  	[spmem:s2] =	stream.indirect.scatter.add.f32 [tilespmem:s28], [sflag:$0x2], $0x80, s25, s26, $0xb8;
	[tilespmem:$0x18200] =	vst v63  }
0x59: {  	_ =	swait.ge [sflag:s20], $0x400  }
0x5a: {  	[sflag:s20] =	ssyncset.done $0x0  }
0x5b: {  	[sflag:s20] =	ssyncadd.s32 $0xFFFFFC00  }
0x5c: {  	[bflag:$0x0] =	sbarrier.arrive $0xFFFF  }
0x5d: {  	_ =	sdelay $0x7ff  }
0x5e: {  	_ =	sdelay $0x700  }
0x5f: {  	[bflag:$0x0] =	sbarrier.arrive $0xFFFF  }
0x60: {  	s10 =	rddreg [dreg:$0x4]  }
0x61: {  	[hbm:s10], [sflag:s6] =	dma.local [spmem:s19], $0x2780  }
0x62: {  	_ =	swait.ge [sflag:s20], $0x2780  }
0x63: {  	[sflag:s20] =	ssyncset.done $0x0  }
0x64: {  	[sflag:s20] =	ssyncadd.s32 $0xFFFFD880  }
0x65: {  	[bflag:$0x0] =	sbarrier.arrive $0xFFFF  }
0x66: {  	[spmem:s19], [sflag:s6] =	dma.local [hbm:s1], $0x2780  }
0x67: {  	_ =	swait.ge [sflag:s20], $0x2780  }
0x68: {  	[sflag:s20] =	ssyncset.done $0x0  }
0x69: {  	[sflag:s20] =	ssyncadd.s32 $0xFFFFD880  }
0x6a: {  	s3 =	sadd.s32 $0x0, s18;
	[bflag:$0x0] =	sbarrier.arrive $0xFFFF  }
0x6b: {  	[tilespmem:s4], [sflag:$0x2] =	stream.linear.gather [hbm4b:s3+s4], $0x80, $0x38;
	[tilespmem:$0x18200] =	vst v63  }
0x6c: {  	_ =	swait.ge [sflag:s20], $0x80  }
0x6d: {  	[sflag:s20] =	ssyncset.done $0x0  }
0x6e: {  	s10 =	sadd.s32 $0x0, s17;
	[sflag:s20] =	ssyncadd.s32 $0xFFFFFF80  }
0x6f: {  	[tilespmem:s21], [sflag:$0x2] =	stream.linear.gather [hbm4b:s10+s4], $0x80, $0x38;
	[tilespmem:$0x18200] =	vst v63  }
0x70: {  	_ =	swait.ge [sflag:s20], $0x80  }
0x71: {  	[sflag:s20] =	ssyncset.done $0x0  }
0x72: {  	[sflag:s20] =	ssyncadd.s32 $0xFFFFFF80  }
0x73: {  	[tilespmem:s22], [sflag:$0x1] =	stream.indirect.gather [hbm4b:s9+s21], $0x80, s4, s21, $0xb8;
	[tilespmem:$0x18200] =	vst v63  }
0x74: {  	_ =	swait.ge [sflag:s23], $0x4000  }
0x75: {  	[sflag:s23] =	ssyncset.done $0x0  }
0x76: {  	[sflag:s23] =	ssyncadd.s32 $0xFFFFC000  }
0x77: {  	[spmem:s2] =	stream.indirect.scatter.add.f32 [tilespmem:s22], [sflag:$0x2], $0x80, s21, s21, $0xb8;
	[tilespmem:$0x18200] =	vst v63  }
0x78: {  	_ =	swait.ge [sflag:s20], $0x4000  }
0x79: {  	s30 =	simm.s32 $0x10;
	s31 =	simm.s32 $0x20;
	[sflag:s20] =	ssyncset.done $0x0  }
.LBB2_4:
0x7a: {  	s0 =	sadd.s32 s30, s18  }
0x7b: {  	[sflag:s20] =	ssyncadd.s32 $0xFFFFC000;
	s3 =	smov.u32 s31;
	s10 =	sadd.s32 $0x10, s31  }
0x7c: {  	[tilespmem:s4], [sflag:$0x2] =	stream.linear.gather [hbm4b:s0+s4], $0x80, $0x38;
	[tilespmem:$0x18200] =	vst v63  }
0x7d: {  	p0 =	sne.s32 s31, $0x260;
	_ =	swait.ge [sflag:s20], $0x80  }
0x7e: {  	[sflag:s20] =	ssyncset.done $0x0  }
0x7f: {  	s0 =	sadd.s32 s30, s17;
	s30 =	smov.u32 s3;
	[sflag:s20] =	ssyncadd.s32 $0xFFFFFF80  }
0x80: {  	[tilespmem:s21], [sflag:$0x2] =	stream.linear.gather [hbm4b:s0+s4], $0x80, $0x38;
	[tilespmem:$0x18200] =	vst v63  }
0x81: {  	_ =	swait.ge [sflag:s20], $0x80  }
0x82: {  	[sflag:s20] =	ssyncset.done $0x0  }
0x83: {  	[sflag:s20] =	ssyncadd.s32 $0xFFFFFF80  }
0x84: {  	[tilespmem:s22], [sflag:$0x1] =	stream.indirect.gather [hbm4b:s9+s21], $0x80, s4, s21, $0xb8;
	[tilespmem:$0x18200] =	vst v63  }
0x85: {  	_ =	swait.ge [sflag:s23], $0x4000  }
.Ltmp1:
0x86: {  	[sflag:s23] =	ssyncset.done $0x0;
	(pc) =	sbr.rel @p0 .LBB2_4-.Ltmp1, $4  }
0x87: {  	[sflag:s23] =	ssyncadd.s32 $0xFFFFC000  }
0x88: {  	[spmem:s2] =	stream.indirect.scatter.add.f32 [tilespmem:s22], [sflag:$0x2], $0x80, s21, s21, $0xb8;
	[tilespmem:$0x18200] =	vst v63  }
0x89: {  	_ =	swait.ge [sflag:s20], $0x4000  }
0x8a: {  	s31 =	smov.u32 s10;
	[sflag:s20] =	ssyncset.done $0x0  }
0x8b: {  	s0 =	sadd.s32 s30, s18;
	[sflag:s20] =	ssyncadd.s32 $0xFFFFC000  }
0x8c: {  	[tilespmem:s4], [sflag:$0x2] =	stream.linear.gather [hbm4b:s0+s4], $0x80, $0x38;
	[tilespmem:$0x18200] =	vst v63  }
0x8d: {  	_ =	swait.ge [sflag:s20], $0x80  }
0x8e: {  	[sflag:s20] =	ssyncset.done $0x0  }
0x8f: {  	s3 =	sadd.s32 s30, s17;
	[sflag:s20] =	ssyncadd.s32 $0xFFFFFF80  }
0x90: {  	[tilespmem:s21], [sflag:$0x2] =	stream.linear.gather [hbm4b:s3+s4], $0x80, $0x38;
	[tilespmem:$0x18200] =	vst v63  }
0x91: {  	_ =	swait.ge [sflag:s20], $0x80  }
0x92: {  	[sflag:s20] =	ssyncset.done $0x0  }
0x93: {  	[sflag:s20] =	ssyncadd.s32 $0xFFFFFF80  }
0x94: {  	[tilespmem:s22], [sflag:$0x1] =	stream.indirect.gather [hbm4b:s9+s21], $0x80, s4, s21, $0xb8;
	[tilespmem:$0x18200] =	vst v63  }
0x95: {  	_ =	swait.ge [sflag:s23], $0x4000  }
0x96: {  	[sflag:s23] =	ssyncset.done $0x0  }
0x97: {  	[sflag:s23] =	ssyncadd.s32 $0xFFFFC000  }
0x98: {  	[spmem:s2] =	stream.indirect.scatter.add.f32 [tilespmem:s22], [sflag:$0x2], $0x80, s21, s21, $0xb8;
	[tilespmem:$0x18200] =	vst v63  }
0x99: {  	_ =	swait.ge [sflag:s20], $0x4000  }
0x9a: {  	[sflag:s20] =	ssyncset.done $0x0  }
0x9b: {  	s10 =	simm.s32 $0x0;
	[sflag:s20] =	ssyncadd.s32 $0xFFFFC000  }
0x9c: {  	[tilespmem:s24], [sflag:$0x2] =	stream.linear.gather [hbm4b:s7+s10], $0x8, $0x38;
	[tilespmem:$0x18200] =	vst v63  }
0x9d: {  	_ =	swait.ge [sflag:s20], $0x8  }
0x9e: {  	[sflag:s20] =	ssyncset.done $0x0  }
0x9f: {  	[sflag:s20] =	ssyncadd.s32 $0xFFFFFFF8  }
0xa0: {  	[tilespmem:s25], [sflag:$0x2] =	stream.linear.gather [hbm4b:s8+s10], $0x8, $0x38;
	[tilespmem:$0x18200] =	vst v63  }
0xa1: {  	_ =	swait.ge [sflag:s20], $0x8  }
0xa2: {  	[sflag:s20] =	ssyncset.done $0x0  }
0xa3: {  	[sflag:s20] =	ssyncadd.s32 $0xFFFFFFF8  }
0xa4: {  	[tilespmem:s28], [sflag:$0x1] =	stream.indirect.gather [hbm4b:s9+s26], $0x80, s24, s26, $0xb8;
	[tilespmem:$0x18200] =	vst v63  }
0xa5: {  	_ =	swait.ge [sflag:s23], $0x400  }
0xa6: {  	[sflag:s23] =	ssyncset.done $0x0  }
0xa7: {  	[sflag:s23] =	ssyncadd.s32 $0xFFFFFC00  }
0xa8: {  	[spmem:s2] =	stream.indirect.scatter.add.f32 [tilespmem:s28], [sflag:$0x2], $0x80, s25, s26, $0xb8;
	[tilespmem:$0x18200] =	vst v63  }
0xa9: {  	_ =	swait.ge [sflag:s20], $0x400  }
0xaa: {  	[sflag:s20] =	ssyncset.done $0x0  }
0xab: {  	[sflag:s20] =	ssyncadd.s32 $0xFFFFFC00  }
0xac: {  	[bflag:$0x0] =	sbarrier.arrive $0xFFFF  }
0xad: {  	_ =	sdelay $0x7ff  }
0xae: {  	_ =	sdelay $0x700  }
0xaf: {  	[bflag:$0x0] =	sbarrier.arrive $0xFFFF  }
0xb0: {  	[hbm:s11], [sflag:s6] =	dma.local [spmem:s19], $0x2780  }
0xb1: {  	_ =	swait.ge [sflag:s20], $0x2780  }
0xb2: {  	[sflag:s20] =	ssyncset.done $0x0  }
0xb3: {  	[sflag:s20] =	ssyncadd.s32 $0xFFFFD880  }
0xb4: {  	[bflag:$0x0] =	sbarrier.arrive $0xFFFF  }
0xb5: {  	[spmem:s19], [sflag:s6] =	dma.local [hbm:s1], $0x2780  }
0xb6: {  	_ =	swait.ge [sflag:s20], $0x2780  }
0xb7: {  	[sflag:s20] =	ssyncset.done $0x0  }
0xb8: {  	[sflag:s20] =	ssyncadd.s32 $0xFFFFD880  }
0xb9: {  	s3 =	sadd.s32 $0x0, s18;
	[bflag:$0x0] =	sbarrier.arrive $0xFFFF  }
0xba: {  	[tilespmem:s4], [sflag:$0x2] =	stream.linear.gather [hbm4b:s3+s4], $0x80, $0x38;
	[tilespmem:$0x18200] =	vst v63  }
0xbb: {  	_ =	swait.ge [sflag:s20], $0x80  }
0xbc: {  	[sflag:s20] =	ssyncset.done $0x0  }
0xbd: {  	s10 =	sadd.s32 $0x0, s17;
	[sflag:s20] =	ssyncadd.s32 $0xFFFFFF80  }
0xbe: {  	[tilespmem:s21], [sflag:$0x2] =	stream.linear.gather [hbm4b:s10+s4], $0x80, $0x38;
	[tilespmem:$0x18200] =	vst v63  }
0xbf: {  	_ =	swait.ge [sflag:s20], $0x80  }
0xc0: {  	[sflag:s20] =	ssyncset.done $0x0  }
0xc1: {  	[sflag:s20] =	ssyncadd.s32 $0xFFFFFF80  }
0xc2: {  	[tilespmem:s22], [sflag:$0x1] =	stream.indirect.gather [hbm4b:s12+s21], $0x80, s4, s21, $0xb8;
	[tilespmem:$0x18200] =	vst v63  }
0xc3: {  	_ =	swait.ge [sflag:s23], $0x4000  }
0xc4: {  	[sflag:s23] =	ssyncset.done $0x0  }
0xc5: {  	[sflag:s23] =	ssyncadd.s32 $0xFFFFC000  }
0xc6: {  	[spmem:s2] =	stream.indirect.scatter.add.f32 [tilespmem:s22], [sflag:$0x2], $0x80, s21, s21, $0xb8;
	[tilespmem:$0x18200] =	vst v63  }
0xc7: {  	_ =	swait.ge [sflag:s20], $0x4000  }
0xc8: {  	s30 =	simm.s32 $0x10;
	s31 =	simm.s32 $0x20;
	[sflag:s20] =	ssyncset.done $0x0  }
.LBB2_6:
0xc9: {  	s0 =	sadd.s32 s30, s18  }
0xca: {  	[sflag:s20] =	ssyncadd.s32 $0xFFFFC000;
	s3 =	smov.u32 s31;
	s10 =	sadd.s32 $0x10, s31  }
0xcb: {  	[tilespmem:s4], [sflag:$0x2] =	stream.linear.gather [hbm4b:s0+s4], $0x80, $0x38;
	[tilespmem:$0x18200] =	vst v63  }
0xcc: {  	p0 =	sne.s32 s31, $0x260;
	_ =	swait.ge [sflag:s20], $0x80  }
0xcd: {  	[sflag:s20] =	ssyncset.done $0x0  }
0xce: {  	s0 =	sadd.s32 s30, s17;
	s30 =	smov.u32 s3;
	[sflag:s20] =	ssyncadd.s32 $0xFFFFFF80  }
0xcf: {  	[tilespmem:s21], [sflag:$0x2] =	stream.linear.gather [hbm4b:s0+s4], $0x80, $0x38;
	[tilespmem:$0x18200] =	vst v63  }
0xd0: {  	_ =	swait.ge [sflag:s20], $0x80  }
0xd1: {  	[sflag:s20] =	ssyncset.done $0x0  }
0xd2: {  	[sflag:s20] =	ssyncadd.s32 $0xFFFFFF80  }
0xd3: {  	[tilespmem:s22], [sflag:$0x1] =	stream.indirect.gather [hbm4b:s12+s21], $0x80, s4, s21, $0xb8;
	[tilespmem:$0x18200] =	vst v63  }
0xd4: {  	_ =	swait.ge [sflag:s23], $0x4000  }
.Ltmp2:
0xd5: {  	[sflag:s23] =	ssyncset.done $0x0;
	(pc) =	sbr.rel @p0 .LBB2_6-.Ltmp2, $4  }
0xd6: {  	[sflag:s23] =	ssyncadd.s32 $0xFFFFC000  }
0xd7: {  	[spmem:s2] =	stream.indirect.scatter.add.f32 [tilespmem:s22], [sflag:$0x2], $0x80, s21, s21, $0xb8;
	[tilespmem:$0x18200] =	vst v63  }
0xd8: {  	_ =	swait.ge [sflag:s20], $0x4000  }
0xd9: {  	s31 =	smov.u32 s10;
	[sflag:s20] =	ssyncset.done $0x0  }
0xda: {  	s0 =	sadd.s32 s30, s18;
	[sflag:s20] =	ssyncadd.s32 $0xFFFFC000  }
0xdb: {  	[tilespmem:s4], [sflag:$0x2] =	stream.linear.gather [hbm4b:s0+s4], $0x80, $0x38;
	[tilespmem:$0x18200] =	vst v63  }
0xdc: {  	_ =	swait.ge [sflag:s20], $0x80  }
0xdd: {  	[sflag:s20] =	ssyncset.done $0x0  }
0xde: {  	s3 =	sadd.s32 s30, s17;
	[sflag:s20] =	ssyncadd.s32 $0xFFFFFF80  }
0xdf: {  	[tilespmem:s21], [sflag:$0x2] =	stream.linear.gather [hbm4b:s3+s4], $0x80, $0x38;
	[tilespmem:$0x18200] =	vst v63  }
0xe0: {  	_ =	swait.ge [sflag:s20], $0x80  }
0xe1: {  	[sflag:s20] =	ssyncset.done $0x0  }
0xe2: {  	[sflag:s20] =	ssyncadd.s32 $0xFFFFFF80  }
0xe3: {  	[tilespmem:s22], [sflag:$0x1] =	stream.indirect.gather [hbm4b:s12+s21], $0x80, s4, s21, $0xb8;
	[tilespmem:$0x18200] =	vst v63  }
0xe4: {  	_ =	swait.ge [sflag:s23], $0x4000  }
0xe5: {  	[sflag:s23] =	ssyncset.done $0x0  }
0xe6: {  	[sflag:s23] =	ssyncadd.s32 $0xFFFFC000  }
0xe7: {  	[spmem:s2] =	stream.indirect.scatter.add.f32 [tilespmem:s22], [sflag:$0x2], $0x80, s21, s21, $0xb8;
	[tilespmem:$0x18200] =	vst v63  }
0xe8: {  	_ =	swait.ge [sflag:s20], $0x4000  }
0xe9: {  	[sflag:s20] =	ssyncset.done $0x0  }
0xea: {  	s10 =	simm.s32 $0x0;
	[sflag:s20] =	ssyncadd.s32 $0xFFFFC000  }
0xeb: {  	[tilespmem:s24], [sflag:$0x2] =	stream.linear.gather [hbm4b:s7+s10], $0x8, $0x38;
	[tilespmem:$0x18200] =	vst v63  }
0xec: {  	_ =	swait.ge [sflag:s20], $0x8  }
0xed: {  	[sflag:s20] =	ssyncset.done $0x0  }
0xee: {  	[sflag:s20] =	ssyncadd.s32 $0xFFFFFFF8  }
0xef: {  	[tilespmem:s25], [sflag:$0x2] =	stream.linear.gather [hbm4b:s8+s10], $0x8, $0x38;
	[tilespmem:$0x18200] =	vst v63  }
0xf0: {  	_ =	swait.ge [sflag:s20], $0x8  }
0xf1: {  	[sflag:s20] =	ssyncset.done $0x0  }
0xf2: {  	[sflag:s20] =	ssyncadd.s32 $0xFFFFFFF8  }
0xf3: {  	[tilespmem:s28], [sflag:$0x1] =	stream.indirect.gather [hbm4b:s12+s26], $0x80, s24, s26, $0xb8;
	[tilespmem:$0x18200] =	vst v63  }
0xf4: {  	_ =	swait.ge [sflag:s23], $0x400  }
0xf5: {  	[sflag:s23] =	ssyncset.done $0x0  }
0xf6: {  	[sflag:s23] =	ssyncadd.s32 $0xFFFFFC00  }
0xf7: {  	[spmem:s2] =	stream.indirect.scatter.add.f32 [tilespmem:s28], [sflag:$0x2], $0x80, s25, s26, $0xb8;
	[tilespmem:$0x18200] =	vst v63  }
0xf8: {  	_ =	swait.ge [sflag:s20], $0x400  }
0xf9: {  	[sflag:s20] =	ssyncset.done $0x0  }
0xfa: {  	[sflag:s20] =	ssyncadd.s32 $0xFFFFFC00  }
0xfb: {  	[bflag:$0x0] =	sbarrier.arrive $0xFFFF  }
0xfc: {  	_ =	sdelay $0x7ff  }
0xfd: {  	_ =	sdelay $0x700  }
0xfe: {  	[bflag:$0x0] =	sbarrier.arrive $0xFFFF  }
0xff: {  	[hbm:s13], [sflag:s6] =	dma.local [spmem:s19], $0x2780  }
0x100: {  	_ =	swait.ge [sflag:s20], $0x2780  }
0x101: {  	[sflag:s20] =	ssyncset.done $0x0  }
0x102: {  	[sflag:s20] =	ssyncadd.s32 $0xFFFFD880  }
0x103: {  	[bflag:$0x0] =	sbarrier.arrive $0xFFFF  }
0x104: {  	[spmem:s19], [sflag:s6] =	dma.local [hbm:s1], $0x2780  }
0x105: {  	_ =	swait.ge [sflag:s20], $0x2780  }
0x106: {  	[sflag:s20] =	ssyncset.done $0x0  }
0x107: {  	[sflag:s20] =	ssyncadd.s32 $0xFFFFD880  }
0x108: {  	s3 =	sadd.s32 $0x0, s18;
	[bflag:$0x0] =	sbarrier.arrive $0xFFFF  }
0x109: {  	[tilespmem:s4], [sflag:$0x2] =	stream.linear.gather [hbm4b:s3+s4], $0x80, $0x38;
	[tilespmem:$0x18200] =	vst v63  }
0x10a: {  	_ =	swait.ge [sflag:s20], $0x80  }
0x10b: {  	[sflag:s20] =	ssyncset.done $0x0  }
0x10c: {  	s10 =	sadd.s32 $0x0, s17;
	[sflag:s20] =	ssyncadd.s32 $0xFFFFFF80  }
0x10d: {  	[tilespmem:s21], [sflag:$0x2] =	stream.linear.gather [hbm4b:s10+s4], $0x80, $0x38;
	[tilespmem:$0x18200] =	vst v63  }
0x10e: {  	_ =	swait.ge [sflag:s20], $0x80  }
0x10f: {  	[sflag:s20] =	ssyncset.done $0x0  }
0x110: {  	[sflag:s20] =	ssyncadd.s32 $0xFFFFFF80  }
0x111: {  	[tilespmem:s22], [sflag:$0x1] =	stream.indirect.gather [hbm4b:s14+s21], $0x80, s4, s21, $0xb8;
	[tilespmem:$0x18200] =	vst v63  }
0x112: {  	_ =	swait.ge [sflag:s23], $0x4000  }
0x113: {  	[sflag:s23] =	ssyncset.done $0x0  }
0x114: {  	[sflag:s23] =	ssyncadd.s32 $0xFFFFC000  }
0x115: {  	[spmem:s2] =	stream.indirect.scatter.add.f32 [tilespmem:s22], [sflag:$0x2], $0x80, s21, s21, $0xb8;
	[tilespmem:$0x18200] =	vst v63  }
0x116: {  	_ =	swait.ge [sflag:s20], $0x4000  }
0x117: {  	s30 =	simm.s32 $0x10;
	s31 =	simm.s32 $0x20;
	[sflag:s20] =	ssyncset.done $0x0  }
.LBB2_8:
0x118: {  	s0 =	sadd.s32 s30, s18  }
0x119: {  	[sflag:s20] =	ssyncadd.s32 $0xFFFFC000;
	s3 =	smov.u32 s31;
	s10 =	sadd.s32 $0x10, s31  }
0x11a: {  	[tilespmem:s4], [sflag:$0x2] =	stream.linear.gather [hbm4b:s0+s4], $0x80, $0x38;
	[tilespmem:$0x18200] =	vst v63  }
0x11b: {  	p0 =	sne.s32 s31, $0x260;
	_ =	swait.ge [sflag:s20], $0x80  }
0x11c: {  	[sflag:s20] =	ssyncset.done $0x0  }
0x11d: {  	s0 =	sadd.s32 s30, s17;
	s30 =	smov.u32 s3;
	[sflag:s20] =	ssyncadd.s32 $0xFFFFFF80  }
0x11e: {  	[tilespmem:s21], [sflag:$0x2] =	stream.linear.gather [hbm4b:s0+s4], $0x80, $0x38;
	[tilespmem:$0x18200] =	vst v63  }
0x11f: {  	_ =	swait.ge [sflag:s20], $0x80  }
0x120: {  	[sflag:s20] =	ssyncset.done $0x0  }
0x121: {  	[sflag:s20] =	ssyncadd.s32 $0xFFFFFF80  }
0x122: {  	[tilespmem:s22], [sflag:$0x1] =	stream.indirect.gather [hbm4b:s14+s21], $0x80, s4, s21, $0xb8;
	[tilespmem:$0x18200] =	vst v63  }
0x123: {  	_ =	swait.ge [sflag:s23], $0x4000  }
.Ltmp3:
0x124: {  	[sflag:s23] =	ssyncset.done $0x0;
	(pc) =	sbr.rel @p0 .LBB2_8-.Ltmp3, $4  }
0x125: {  	[sflag:s23] =	ssyncadd.s32 $0xFFFFC000  }
0x126: {  	[spmem:s2] =	stream.indirect.scatter.add.f32 [tilespmem:s22], [sflag:$0x2], $0x80, s21, s21, $0xb8;
	[tilespmem:$0x18200] =	vst v63  }
0x127: {  	_ =	swait.ge [sflag:s20], $0x4000  }
0x128: {  	s31 =	smov.u32 s10;
	[sflag:s20] =	ssyncset.done $0x0  }
0x129: {  	s0 =	sadd.s32 s30, s18;
	[sflag:s20] =	ssyncadd.s32 $0xFFFFC000  }
0x12a: {  	[tilespmem:s4], [sflag:$0x2] =	stream.linear.gather [hbm4b:s0+s4], $0x80, $0x38;
	[tilespmem:$0x18200] =	vst v63  }
0x12b: {  	_ =	swait.ge [sflag:s20], $0x80  }
0x12c: {  	[sflag:s20] =	ssyncset.done $0x0  }
0x12d: {  	s31 =	sadd.s32 s30, s17;
	[sflag:s20] =	ssyncadd.s32 $0xFFFFFF80  }
0x12e: {  	[tilespmem:s21], [sflag:$0x2] =	stream.linear.gather [hbm4b:s31+s4], $0x80, $0x38;
	[tilespmem:$0x18200] =	vst v63  }
0x12f: {  	_ =	swait.ge [sflag:s20], $0x80  }
0x130: {  	[sflag:s20] =	ssyncset.done $0x0  }
0x131: {  	[sflag:s20] =	ssyncadd.s32 $0xFFFFFF80  }
0x132: {  	[tilespmem:s22], [sflag:$0x1] =	stream.indirect.gather [hbm4b:s14+s21], $0x80, s4, s21, $0xb8;
	[tilespmem:$0x18200] =	vst v63  }
0x133: {  	_ =	swait.ge [sflag:s23], $0x4000  }
0x134: {  	[sflag:s23] =	ssyncset.done $0x0  }
0x135: {  	[sflag:s23] =	ssyncadd.s32 $0xFFFFC000  }
0x136: {  	[spmem:s2] =	stream.indirect.scatter.add.f32 [tilespmem:s22], [sflag:$0x2], $0x80, s21, s21, $0xb8;
	[tilespmem:$0x18200] =	vst v63  }
0x137: {  	_ =	swait.ge [sflag:s20], $0x4000  }
0x138: {  	[sflag:s20] =	ssyncset.done $0x0  }
0x139: {  	[sflag:s20] =	ssyncadd.s32 $0xFFFFC000  }
0x13a: {  	[tilespmem:s24], [sflag:$0x2] =	stream.linear.gather [hbm4b:s7+s4], $0x8, $0x38;
	[tilespmem:$0x18200] =	vst v63  }
0x13b: {  	_ =	swait.ge [sflag:s20], $0x8  }
0x13c: {  	[sflag:s20] =	ssyncset.done $0x0  }
0x13d: {  	[sflag:s20] =	ssyncadd.s32 $0xFFFFFFF8  }
0x13e: {  	[tilespmem:s25], [sflag:$0x2] =	stream.linear.gather [hbm4b:s8+s4], $0x8, $0x38;
	[tilespmem:$0x18200] =	vst v63  }
0x13f: {  	_ =	swait.ge [sflag:s20], $0x8  }
0x140: {  	[sflag:s20] =	ssyncset.done $0x0  }
0x141: {  	[sflag:s20] =	ssyncadd.s32 $0xFFFFFFF8  }
0x142: {  	[tilespmem:s28], [sflag:$0x1] =	stream.indirect.gather [hbm4b:s14+s26], $0x80, s24, s26, $0xb8;
	[tilespmem:$0x18200] =	vst v63  }
0x143: {  	_ =	swait.ge [sflag:s23], $0x400  }
0x144: {  	[sflag:s23] =	ssyncset.done $0x0  }
0x145: {  	[sflag:s23] =	ssyncadd.s32 $0xFFFFFC00  }
0x146: {  	[spmem:s2] =	stream.indirect.scatter.add.f32 [tilespmem:s28], [sflag:$0x2], $0x80, s25, s26, $0xb8;
	[tilespmem:$0x18200] =	vst v63  }
0x147: {  	_ =	swait.ge [sflag:s20], $0x400  }
0x148: {  	[sflag:s20] =	ssyncset.done $0x0  }
0x149: {  	[sflag:s20] =	ssyncadd.s32 $0xFFFFFC00  }
0x14a: {  	[bflag:$0x0] =	sbarrier.arrive $0xFFFF  }
0x14b: {  	_ =	sdelay $0x7ff  }
0x14c: {  	s29 =	sadd.s32 $0x1, s29;
	_ =	sdelay $0x700  }
0x14d: {  	p0 =	sne.s32 s29, s16;
	[bflag:$0x0] =	sbarrier.arrive $0xFFFF  }
0x14e: {  	[hbm:s15], [sflag:s6] =	dma.local [spmem:s19], $0x2780  }
.Ltmp4:
0x14f: {  	_ =	swait.ge [sflag:s20], $0x2780;
	(pc) =	sbr.rel @p0 .LBB2_1-.Ltmp4, $3  }
0x150: {  	[sflag:s20] =	ssyncset.done $0x0  }
0x151: {  	[sflag:s20] =	ssyncadd.s32 $0xFFFFD880  }
0x152: {  	[bflag:$0x0] =	sbarrier.arrive $0xFFFF;
	_ =	sdelay $0x1  }
0x153: {  	_ =	sfence.sel $0x180000  }
0x154: {  	[bflag:$0x0] =	sbarrier.arrive $0xFFFF  }
0x155: {  	_ =	strace $0x9000004D  }
0x156: {  	s0 =	stileid.u32;
	[bflag:$0x2] =	sbarrier.arrive $0xFFFF  }
0x157: {  	p0 =	sne.s32 s0, $0x0;
	s0 =	rddreg [dreg:$0x3]  }
0x158: {  	s0 =	sadd.s32 @!p0 $0x100000, s0  }
0x159: {  	[sflag:s0] =	ssyncadd.tile.s32 @!p0 $0x1;
	_ =	shalt  }
.Lfunc_end2:
_tile_overlayer_lowered:
.L_overlay_start_2:
0x15a: {  	(tag) =	ssettag $0x2  }
0x15b: {  	s0 =	rddreg [dreg:$0x0];
	s2 =	stileid.u32  }
0x15c: {  	s1 =	rddreg [dreg:$0x1];
	p0 =	sne.s32 s2, $0x0  }
0x15d: {  	s3 =	rddreg [dreg:$0x2];
	[bflag:$0x3] =	sbarrier.arrive $0xFFFF;
	s2 =	simm.s32 @!p0 $0x1C02  }
0x15e: {  	[timem:s3], [sflag:s2] =	dma.local @!p0 [hbm:s0], s1  }
0x15f: {  	s0 =	simm.s32 @!p0 $0x2  }
0x160: {  	_ =	swait.ge @!p0 [sflag:s0], s1  }
0x161: {  	s1 =	ssub.s32 @!p0 $0x0, s1;
	[sflag:s0] =	ssyncset.done @!p0 $0x0  }
0x162: {  	[sflag:s0] =	ssyncadd.s32 @!p0 s1  }
0x163: {  	[bflag:$0x3] =	sbarrier.arrive $0xFFFF  }
0x164: {  	_ =	shalt  }

</sc_bundles>
